<compile_context>
chip_gen: v7x
topology: tpu7x:2x2x1
jax: 0.10.2.dev20260603
libtpu: 0.0.44.dev20260713+nightly
codegen_flags: <defaults>
</compile_context>

<pallas_src>
import jax
import jax.numpy as jnp
from jax import lax
from jax.experimental import pallas as pl
from jax.experimental.pallas import tpu as pltpu

N_TOPK = 10000
BK = 256
NPAD = 10240
K_OUT = 300
IOU_THR = 0.7
P_PRE = 512


def _nms_body(x1r_, y1r_, x2r_, y2r_, arr_, keep_out_, colbuf, cnt):
    x1r, y1r, x2r, y2r, arr, keep_out = (
        x1r_.at[0], y1r_.at[0], x2r_.at[0], y2r_.at[0], arr_.at[0],
        keep_out_.at[0])
    w_tot = x1r_.shape[2]
    m_blocks = w_tot // BK
    keep_out[...] = jnp.zeros((1, w_tot), jnp.float32)
    cnt[0] = 0
    cnt[1] = 0

    col_i = lax.broadcasted_iota(jnp.int32, (1, BK), 1)
    row_m = lax.broadcasted_iota(jnp.int32, (BK, BK), 0)
    col_m = lax.broadcasted_iota(jnp.int32, (BK, BK), 1)
    eye = row_m == col_m
    tri = row_m < col_m

    def block_step(bi, carry):
        @pl.when(cnt[0] < K_OUT)
        def _():
            base = pl.multiple_of(bi * BK, BK)
            x1 = x1r[0:1, pl.ds(base, BK)]
            y1 = y1r[0:1, pl.ds(base, BK)]
            x2 = x2r[0:1, pl.ds(base, BK)]
            y2 = y2r[0:1, pl.ds(base, BK)]
            ar = arr[0:1, pl.ds(base, BK)]

            def run_pulls(sup_ref):
                sup_ref[...] = jnp.zeros((1, BK), jnp.float32)

                def pull(bj, carry2):
                    @pl.when(bj < bi)
                    def _inner():
                        pb = pl.multiple_of(bj * BK, BK)
                        px1 = colbuf[pl.ds(pb, BK), 0:1]
                        py1 = colbuf[pl.ds(pb, BK), 1:2]
                        px2 = colbuf[pl.ds(pb, BK), 2:3]
                        py2 = colbuf[pl.ds(pb, BK), 3:4]
                        par = colbuf[pl.ds(pb, BK), 4:5]
                        pk = colbuf[pl.ds(pb, BK), 5:6]
                        w = jnp.maximum(
                            jnp.minimum(px2, x2) - jnp.maximum(px1, x1), 0.0)
                        h = jnp.maximum(
                            jnp.minimum(py2, y2) - jnp.maximum(py1, y1), 0.0)
                        inter = w * h
                        iou = inter / (par + ar - inter + 1e-9)
                        hit = jnp.where((iou > IOU_THR) & (pk > 0.5), 1.0, 0.0)
                        sup_ref[...] = jnp.maximum(
                            sup_ref[...], jnp.max(hit, axis=0, keepdims=True))
                    return carry2

                lax.fori_loop(0, m_blocks, pull, 0)
                sup = sup_ref[...]
                gidx = base + col_i
                init = jnp.where((sup < 0.5) & (gidx < N_TOPK), 1.0, 0.0)

                tocol = lambda v: jnp.sum(
                    jnp.where(eye, v, 0.0), axis=1, keepdims=True)
                cx1, cy1 = tocol(x1), tocol(y1)
                cx2, cy2 = tocol(x2), tocol(y2)
                car = tocol(ar)
                colbuf[pl.ds(base, BK), 0:1] = cx1
                colbuf[pl.ds(base, BK), 1:2] = cy1
                colbuf[pl.ds(base, BK), 2:3] = cx2
                colbuf[pl.ds(base, BK), 3:4] = cy2
                colbuf[pl.ds(base, BK), 4:5] = car

                w_m = jnp.maximum(
                    jnp.minimum(cx2, x2) - jnp.maximum(cx1, x1), 0.0)
                h_m = jnp.maximum(
                    jnp.minimum(cy2, y2) - jnp.maximum(cy1, y1), 0.0)
                inter = w_m * h_m
                iou = inter / (car + ar - inter + 1e-9)
                amat = (iou > IOU_THR) & tri

                sup_ref[...] = init
                cnt[1] = 0

                def fix(t, c):
                    @pl.when(cnt[1] == 0)
                    def _inner():
                        k = sup_ref[...]
                        kcol = jnp.sum(
                            jnp.where(eye, k, 0.0), axis=1, keepdims=True)
                        s = jnp.max(
                            jnp.where(amat & (kcol > 0.5), 1.0, 0.0),
                            axis=0, keepdims=True)
                        knew = jnp.where(s < 0.5, init, 0.0)
                        sup_ref[...] = knew
                        cnt[1] = jnp.where(
                            jnp.sum(jnp.abs(knew - k)) == 0.0, 1, 0)
                    return c

                lax.fori_loop(0, BK, fix, 0)
                kf = sup_ref[...]
                keep_out[0:1, pl.ds(base, BK)] = kf
                colbuf[pl.ds(base, BK), 5:6] = tocol(kf)
                cnt[0] = cnt[0] + jnp.sum(kf).astype(jnp.int32)

            pl.run_scoped(run_pulls, pltpu.VMEM((1, BK), jnp.float32))
        return carry

    lax.fori_loop(0, m_blocks, block_step, 0)


def _nms_keep(x1, y1, x2, y2, ar):
    bs, w_tot = x1.shape
    spec = pl.BlockSpec((1, 1, w_tot), lambda b: (b, 0, 0))
    r3 = lambda v: v.reshape(bs, 1, w_tot)
    out = pl.pallas_call(
        _nms_body,
        grid=(bs,),
        in_specs=[spec] * 5,
        out_specs=spec,
        out_shape=jax.ShapeDtypeStruct((bs, 1, w_tot), jnp.float32),
        scratch_shapes=[
            pltpu.VMEM((w_tot, 6), jnp.float32),
            pltpu.SMEM((2,), jnp.int32),
        ],
    )(r3(x1), r3(y1), r3(x2), r3(y2), r3(ar))
    return out.reshape(bs, w_tot)


def _thresh_body(keys_ref, qmax_ref, mc_ref):
    keys = keys_ref[0]
    nq, nc = keys.shape
    qmax = qmax_ref[0]

    def step_t(it, lohi):
        lo, hi = lohi
        mid = (lo + hi) // 2
        cnt = jnp.sum(jnp.where(keys >= mid, 1, 0))
        big = cnt >= N_TOPK
        return (jnp.where(big, mid, lo), jnp.where(big, hi, mid))

    lo, hi = lax.fori_loop(
        0, 31, step_t, (jnp.int32(0), jnp.int32(0x7F800000)))
    t_val = lo
    cnt_gt = jnp.sum(jnp.where(keys > t_val, 1, 0))
    m_ties = N_TOPK - cnt_gt

    idx2d = (lax.broadcasted_iota(jnp.int32, (nq, nc), 0) * nc
             + lax.broadcasted_iota(jnp.int32, (nq, nc), 1))
    ties = keys == t_val

    def step_x(it, lohi):
        lo, hi = lohi
        mid = (lo + hi) // 2
        cnt = jnp.sum(jnp.where(ties & (idx2d < mid), 1, 0))
        big = cnt >= m_ties
        return (jnp.where(big, lo, mid), jnp.where(big, mid, hi))

    xlo, xhi = lax.fori_loop(
        0, 18, step_x, (jnp.int32(0), jnp.int32(nq * nc + 1)))
    x_cut = xhi

    selected = (keys > t_val) | (ties & (idx2d < x_cut))
    qsel = jnp.max(jnp.where(selected, 1.0, 0.0), axis=1, keepdims=True)
    mc = jnp.max(jnp.where(qsel > 0.5, qmax, -jnp.inf)) + 1.0
    mc_ref[0] = jnp.broadcast_to(mc, (1, 1))


def _max_coord(keys, qmax):
    bs, nq, nc = keys.shape
    out = pl.pallas_call(
        _thresh_body,
        grid=(bs,),
        in_specs=[pl.BlockSpec((1, nq, nc), lambda b: (b, 0, 0)),
                  pl.BlockSpec((1, nq, 1), lambda b: (b, 0, 0))],
        out_specs=pl.BlockSpec((1, 1, 1), lambda b: (b, 0, 0)),
        out_shape=jax.ShapeDtypeStruct((bs, 1, 1), jnp.float32),
    )(keys, qmax)
    return out.reshape(bs)


def _gather_cands(boxes_scaled, sc, topi, nc, mc):
    bs = sc.shape[0]
    n = sc.shape[1]
    bidx = topi // nc
    lbl = topi % nc
    box = jnp.take_along_axis(
        boxes_scaled, jnp.broadcast_to(bidx[:, :, None], (bs, n, 4)), axis=1)
    offs = lbl.astype(jnp.float32) * mc[:, None]
    boff = box + offs[:, :, None]
    x1, y1, x2, y2 = (boff[..., 0], boff[..., 1], boff[..., 2], boff[..., 3])
    areas = (x2 - x1) * (y2 - y1)
    return box, lbl, x1, y1, x2, y2, areas


def _assemble(box, sc, lbl, keepb, select, n_virtual):
    bs, w_tot = keepb.shape
    idx = jnp.arange(w_tot, dtype=jnp.int32)
    ranks = jnp.sort(
        jnp.where(keepb, idx[None, :], n_virtual), axis=1)[:, :K_OUT]
    valid = ranks < n_virtual
    inds = jnp.clip(ranks, 0, w_tot - 1)
    out_boxes = jnp.take_along_axis(
        box, jnp.broadcast_to(inds[:, :, None], (bs, K_OUT, 4)), axis=1)
    out_scores = jnp.take_along_axis(sc, inds, axis=1)
    out_labels = jnp.take_along_axis(lbl, inds, axis=1)
    valid = valid & (jnp.arange(K_OUT)[None, :] < select)
    return out_boxes, out_scores, out_labels, inds, valid


def kernel(pred_logits, pred_boxes, target_sizes,
           select_box_nums_for_evaluation):
    bs, nq, nc = pred_logits.shape
    n = N_TOPK

    scores3 = jax.nn.sigmoid(pred_logits)
    all_scores = scores3.reshape(bs, nq * nc)
    cx, cy, w, h = (pred_boxes[..., 0], pred_boxes[..., 1],
                    pred_boxes[..., 2], pred_boxes[..., 3])
    boxes_xyxy = jnp.stack(
        [cx - 0.5 * w, cy - 0.5 * h, cx + 0.5 * w, cy + 0.5 * h], axis=-1)
    img_h = target_sizes[:, 0].astype(jnp.float32)
    img_w = target_sizes[:, 1].astype(jnp.float32)
    scale_fct = jnp.stack([img_w, img_h, img_w, img_h], axis=1)
    boxes_scaled = boxes_xyxy * scale_fct[:, None, :]

    keys = lax.bitcast_convert_type(scores3, jnp.int32)
    qmax = jnp.max(boxes_scaled, axis=2, keepdims=True)
    mc = _max_coord(keys, qmax)

    nchunk = 8
    kchunk = 128
    csz = (nq * nc) // nchunk
    s1, i1 = lax.top_k(all_scores.reshape(bs * nchunk, csz), kchunk)
    off = (jnp.arange(bs * nchunk, dtype=jnp.int32) % nchunk * csz)[:, None]
    g1 = (i1 + off).reshape(bs, nchunk * kchunk)
    s2 = s1.reshape(bs, nchunk * kchunk)
    scp, j2 = lax.top_k(s2, P_PRE)
    topip = jnp.take_along_axis(g1, j2, axis=1)
    chunk_last = s1.reshape(bs, nchunk, kchunk)[:, :, kchunk - 1]
    chunks_ok = jnp.all(chunk_last < scp[:, P_PRE - 1:P_PRE])
    boxp, lblp, px1, py1, px2, py2, par = _gather_cands(
        boxes_scaled, scp, topip, nc, mc)
    keep_p = _nms_keep(px1, py1, px2, py2, par)
    cnt_p = jnp.sum(keep_p, axis=1)
    prefix_ok = jnp.all(cnt_p >= K_OUT) & chunks_ok

    def prefix_path(_):
        return _assemble(boxp, scp, lblp, keep_p > 0.5,
                         select_box_nums_for_evaluation, n)

    def full_path(_):
        sc, topi = lax.top_k(all_scores, n)
        box, lbl, x1, y1, x2, y2, areas = _gather_cands(
            boxes_scaled, sc, topi, nc, mc)
        pad = ((0, 0), (0, NPAD - n))
        keep = _nms_keep(jnp.pad(x1, pad), jnp.pad(y1, pad),
                         jnp.pad(x2, pad), jnp.pad(y2, pad),
                         jnp.pad(areas, pad))
        return _assemble(box, sc, lbl, keep[:, :n] > 0.5,
                         select_box_nums_for_evaluation, n)

    return lax.cond(prefix_ok, prefix_path, full_path, 0)

# --- scband reference (transcript-rebuilt; emitter-appended) ---
"""Pipeline reference for scband-nmspost-process-1975684956500 (READ-ONLY COPY).

The authoritative reference and input builder live on the scoring server;
editing this copy changes nothing except your own understanding.
"""

import jax, jax.numpy as jnp
import numpy as np
from functools import partial


def box_cxcywh_to_xyxy(b):
    cx, cy, w, h = b[..., 0], b[..., 1], b[..., 2], b[..., 3]
    return jnp.stack([cx - 0.5 * w, cy - 0.5 * h, cx + 0.5 * w, cy + 0.5 * h], axis=-1)


@partial(jax.jit, static_argnums=(2,))
def nms_keep_mask(boxes, scores, iou_threshold):
    # boxes: [n, 4] xyxy, scores: [n]
    n = boxes.shape[0]
    order = jnp.argsort(-scores)
    b = boxes[order]
    x1, y1, x2, y2 = b[:, 0], b[:, 1], b[:, 2], b[:, 3]
    areas = (x2 - x1) * (y2 - y1)
    idx = jnp.arange(n)

    def body(i, keep):
        xx1 = jnp.maximum(x1[i], x1)
        yy1 = jnp.maximum(y1[i], y1)
        xx2 = jnp.minimum(x2[i], x2)
        yy2 = jnp.minimum(y2[i], y2)
        inter = jnp.clip(xx2 - xx1, 0.0) * jnp.clip(yy2 - yy1, 0.0)
        iou = inter / (areas[i] + areas - inter + 1e-9)
        suppress = (iou > iou_threshold) & (idx > i) & keep[i]
        return keep & (~suppress)

    keep = jax.lax.fori_loop(0, n, body, jnp.ones((n,), dtype=bool))
    return order, keep


def batched_nms_indices(boxes, scores, labels, iou_threshold, k):
    # torchvision batched_nms trick: offset boxes per class so boxes of
    # different classes never overlap
    max_coord = jnp.max(boxes) + 1.0
    offsets = labels.astype(boxes.dtype) * max_coord
    boxes_off = boxes + offsets[:, None]
    order, keep = nms_keep_mask(boxes_off, scores, float(iou_threshold))
    n = boxes.shape[0]
    ranks = jnp.sort(jnp.where(keep, jnp.arange(n), n))[:k]
    valid = ranks < n
    ranks = jnp.clip(ranks, 0, n - 1)
    inds = order[ranks]
    return inds, valid


def setup_inputs(seed: int = 0) -> dict:
    key = jax.random.key(seed)
    k1, k2, k3 = jax.random.split(key, 3)
    pred_logits = jax.random.normal(k1, (4, 900, 80), dtype=jnp.float32)
    pred_boxes = jax.random.uniform(k2, (4, 900, 4), dtype=jnp.float32)
    target_sizes = jax.random.randint(k3, (4, 2), 0, 1333).astype(jnp.int32)
    return {
        "pred_logits": pred_logits,
        "pred_boxes": pred_boxes,
        "target_sizes": target_sizes,
        "select_box_nums_for_evaluation": 300,
    }


def reference(pred_logits, pred_boxes, target_sizes, select_box_nums_for_evaluation):
    bs, nq, nc = pred_logits.shape
    prob = jax.nn.sigmoid(pred_logits)
    all_scores = prob.reshape(bs, nq * nc)
    all_indexes = jnp.tile(jnp.arange(nq * nc)[None, :], (bs, 1))
    all_box_idx = all_indexes // nc
    all_labels = all_indexes % nc
    boxes = box_cxcywh_to_xyxy(pred_boxes)
    gidx = jnp.broadcast_to(all_box_idx[:, :, None], (bs, nq * nc, 4))
    boxes = jnp.take_along_axis(boxes, gidx, axis=1)
    img_h = target_sizes[:, 0].astype(jnp.float32)
    img_w = target_sizes[:, 1].astype(jnp.float32)
    scale_fct = jnp.stack([img_w, img_h, img_w, img_h], axis=1)
    boxes = boxes * scale_fct[:, None, :]
    K = 300
    out_boxes, out_scores, out_labels, keep_all, valid_all = [], [], [], [], []
    for b in range(bs):
        sc, topi = jax.lax.top_k(all_scores[b], 10000)
        box = boxes[b][topi]
        lbl = all_labels[b][topi]
        keep_inds, valid = batched_nms_indices(box, sc, lbl, 0.7, K)
        out_boxes.append(box[keep_inds])
        out_scores.append(sc[keep_inds])
        out_labels.append(lbl[keep_inds])
        keep_all.append(keep_inds)
        valid_all.append(valid)
    valid_stacked = jnp.stack(valid_all) & (
        jnp.arange(K)[None, :] < select_box_nums_for_evaluation
    )
    return (
        jnp.stack(out_boxes),
        jnp.stack(out_scores),
        jnp.stack(out_labels),
        jnp.stack(keep_all),
        valid_stacked,
    )

if __name__ == "__main__":
    import jax
    _d = setup_inputs()
    print(jax.jit(kernel)(*tuple(_d.values())))

</pallas_src>

<mosaic_0001>
module attributes {stable_mosaic.version = 14 : i64} {
  func.func @_thresh_body(%arg0: i32, %arg1: memref<1x900x80xi32, #tpu.memory_space<vmem>>, %arg2: memref<1x900x1xf32, #tpu.memory_space<vmem>>, %arg3: memref<1x1x1xf32, #tpu.memory_space<vmem>>) attributes {dimension_semantics = [#tpu.dimension_semantics<arbitrary>], iteration_bounds = array<i64: 4>, scalar_prefetch = 0 : i64, scratch_operands = 0 : i64, tpu.core_type = #tpu.core_type<tc>, window_params = [{transform_indices = @transform_0, window_bounds = array<i64: 1, 900, 80>}, {transform_indices = @transform_1, window_bounds = array<i64: 1, 900, 1>}, {transform_indices = @transform_2, window_bounds = array<i64: 1, 1, 1>}]} {
    %get3A = arith.constant 0 : index
    %get3A_0 = arith.constant 0 : index
    %get3A_1 = arith.constant 0 : index
    %get3A_2 = vector.load %arg1[%get3A, %get3A_0, %get3A_1] : memref<1x900x80xi32, #tpu.memory_space<vmem>>, vector<1x900x80xi32>
    %get3A_3 = vector.shape_cast %get3A_2 : vector<1x900x80xi32> to vector<900x80xi32>
    %get3A_4 = arith.constant 0 : index
    %get3A_5 = arith.constant 0 : index
    %get3A_6 = arith.constant 0 : index
    %get3A_7 = vector.load %arg2[%get3A_4, %get3A_5, %get3A_6] : memref<1x900x1xf32, #tpu.memory_space<vmem>>, vector<1x900x1xf32>
    %get3A_8 = vector.shape_cast %get3A_7 : vector<1x900x1xf32> to vector<900x1xf32>
    %scan3A = arith.constant 0 : i32
    %scan3A_9 = arith.constant 2139095040 : i32
    %scan3A_10 = arith.constant 0 : i32
    %scan3A_11 = arith.constant 31 : i32
    %scan3A_12 = arith.addi %scan3A_10, %scan3A_11 : i32
    %scan3A_13 = arith.constant 1 : i32
    %scan3A_14:2 = scf.for %scan3A_63 = %scan3A_10 to %scan3A_12 step %scan3A_13 iter_args(%scan3A_64 = %scan3A, %scan3A_65 = %scan3A_9) -> (i32, i32)  : i32 {
      %add3A_66 = arith.addi %scan3A_64, %scan3A_65 : i32
      %jit3A_67 = arith.constant 2 : i32
      %div3A = arith.divsi %add3A_66, %jit3A_67 : i32
      %sign3A = arith.constant 0 : i32
      %sign3A_68 = arith.cmpi sgt, %add3A_66, %sign3A : i32
      %sign3A_69 = arith.extui %sign3A_68 : i1 to i32
      %sign3A_70 = arith.constant 0 : i32
      %sign3A_71 = arith.cmpi slt, %add3A_66, %sign3A_70 : i32
      %sign3A_72 = arith.extui %sign3A_71 : i1 to i32
      %sign3A_73 = arith.subi %sign3A_69, %sign3A_72 : i32
      %sign3A_74 = arith.constant 0 : i32
      %sign3A_75 = arith.cmpi sgt, %jit3A_67, %sign3A_74 : i32
      %sign3A_76 = arith.extui %sign3A_75 : i1 to i32
      %sign3A_77 = arith.constant 0 : i32
      %sign3A_78 = arith.cmpi slt, %jit3A_67, %sign3A_77 : i32
      %sign3A_79 = arith.extui %sign3A_78 : i1 to i32
      %sign3A_80 = arith.subi %sign3A_76, %sign3A_79 : i32
      %ne3A = arith.cmpi ne, %sign3A_73, %sign3A_80 : i32
      %rem3A = arith.remsi %add3A_66, %jit3A_67 : i32
      %ne3A_81 = arith.constant 0 : i32
      %ne3A_82 = arith.cmpi ne, %rem3A, %ne3A_81 : i32
      %and3A_83 = arith.andi %ne3A, %ne3A_82 : i1
      %sub3A_84 = arith.constant 1 : i32
      %sub3A_85 = arith.subi %div3A, %sub3A_84 : i32
      %select_n3A_86 = arith.select %and3A_83, %sub3A_85, %div3A : i32
      %ge3A = vector.broadcast %select_n3A_86 : i32 to vector<900x80xi32>
      %ge3A_87 = arith.cmpi sge, %get3A_3, %ge3A : vector<900x80xi32>
      %jit3A_88 = arith.constant 1 : i32
      %jit3A_89 = arith.constant 0 : i32
      %broadcast_in_dim3A_90 = vector.broadcast %jit3A_88 : i32 to vector<900x80xi32>
      %broadcast_in_dim3A_91 = vector.broadcast %jit3A_89 : i32 to vector<900x80xi32>
      %select_n3A_92 = arith.select %ge3A_87, %broadcast_in_dim3A_90, %broadcast_in_dim3A_91 : vector<900x80xi1>, vector<900x80xi32>
      %reduce_sum3A_93 = vector.shape_cast %select_n3A_92 : vector<900x80xi32> to vector<1x900x80xi32>
      %reduce_sum3A_94 = arith.constant dense<0> : vector<1xi32>
      %reduce_sum3A_95 = vector.multi_reduction <add>, %reduce_sum3A_93, %reduce_sum3A_94 [1, 2] : vector<1x900x80xi32> to vector<1xi32>
      %reduce_sum3A_96 = vector.shape_cast %reduce_sum3A_95 : vector<1xi32> to vector<1x1x1xi32>
      %reduce_sum3A_97 = vector.extract %reduce_sum3A_96[0, 0, 0] : i32 from vector<1x1x1xi32>
      %ge3A_98 = arith.constant 10000 : i32
      %ge3A_99 = arith.cmpi sge, %reduce_sum3A_97, %ge3A_98 : i32
      %select_n3A_100 = arith.select %ge3A_99, %select_n3A_86, %scan3A_64 : i32
      %select_n3A_101 = arith.select %ge3A_99, %scan3A_65, %select_n3A_86 : i32
      scf.yield %select_n3A_100, %select_n3A_101 : i32, i32
    }
    %gt3A = vector.broadcast %scan3A_14#0 : i32 to vector<900x80xi32>
    %gt3A_15 = arith.cmpi sgt, %get3A_3, %gt3A : vector<900x80xi32>
    %jit3A = arith.constant 1 : i32
    %jit3A_16 = arith.constant 0 : i32
    %broadcast_in_dim3A = vector.broadcast %jit3A : i32 to vector<900x80xi32>
    %broadcast_in_dim3A_17 = vector.broadcast %jit3A_16 : i32 to vector<900x80xi32>
    %select_n3A = arith.select %gt3A_15, %broadcast_in_dim3A, %broadcast_in_dim3A_17 : vector<900x80xi1>, vector<900x80xi32>
    %reduce_sum3A = vector.shape_cast %select_n3A : vector<900x80xi32> to vector<1x900x80xi32>
    %reduce_sum3A_18 = arith.constant dense<0> : vector<1xi32>
    %reduce_sum3A_19 = vector.multi_reduction <add>, %reduce_sum3A, %reduce_sum3A_18 [1, 2] : vector<1x900x80xi32> to vector<1xi32>
    %reduce_sum3A_20 = vector.shape_cast %reduce_sum3A_19 : vector<1xi32> to vector<1x1x1xi32>
    %reduce_sum3A_21 = vector.extract %reduce_sum3A_20[0, 0, 0] : i32 from vector<1x1x1xi32>
    %sub3A = arith.constant 10000 : i32
    %sub3A_22 = arith.subi %sub3A, %reduce_sum3A_21 : i32
    %iota3A = tpu.iota {dimensions = array<i32: 0>} : vector<900x80xi32>
    %mul3A = arith.constant 80 : i32
    %mul3A_23 = vector.broadcast %mul3A : i32 to vector<900x80xi32>
    %mul3A_24 = arith.muli %iota3A, %mul3A_23 : vector<900x80xi32>
    %iota3A_25 = tpu.iota {dimensions = array<i32: 1>} : vector<900x80xi32>
    %add3A = arith.addi %mul3A_24, %iota3A_25 : vector<900x80xi32>
    %eq3A = vector.broadcast %scan3A_14#0 : i32 to vector<900x80xi32>
    %eq3A_26 = arith.cmpi eq, %get3A_3, %eq3A : vector<900x80xi32>
    %scan3A_27 = arith.constant 0 : i32
    %scan3A_28 = arith.constant 72001 : i32
    %scan3A_29 = arith.constant 0 : i32
    %scan3A_30 = arith.constant 18 : i32
    %scan3A_31 = arith.addi %scan3A_29, %scan3A_30 : i32
    %scan3A_32 = arith.constant 1 : i32
    %scan3A_33:2 = scf.for %scan3A_63 = %scan3A_29 to %scan3A_31 step %scan3A_32 iter_args(%scan3A_64 = %scan3A_27, %scan3A_65 = %scan3A_28) -> (i32, i32)  : i32 {
      %add3A_66 = arith.addi %scan3A_64, %scan3A_65 : i32
      %jit3A_67 = arith.constant 2 : i32
      %div3A = arith.divsi %add3A_66, %jit3A_67 : i32
      %sign3A = arith.constant 0 : i32
      %sign3A_68 = arith.cmpi sgt, %add3A_66, %sign3A : i32
      %sign3A_69 = arith.extui %sign3A_68 : i1 to i32
      %sign3A_70 = arith.constant 0 : i32
      %sign3A_71 = arith.cmpi slt, %add3A_66, %sign3A_70 : i32
      %sign3A_72 = arith.extui %sign3A_71 : i1 to i32
      %sign3A_73 = arith.subi %sign3A_69, %sign3A_72 : i32
      %sign3A_74 = arith.constant 0 : i32
      %sign3A_75 = arith.cmpi sgt, %jit3A_67, %sign3A_74 : i32
      %sign3A_76 = arith.extui %sign3A_75 : i1 to i32
      %sign3A_77 = arith.constant 0 : i32
      %sign3A_78 = arith.cmpi slt, %jit3A_67, %sign3A_77 : i32
      %sign3A_79 = arith.extui %sign3A_78 : i1 to i32
      %sign3A_80 = arith.subi %sign3A_76, %sign3A_79 : i32
      %ne3A = arith.cmpi ne, %sign3A_73, %sign3A_80 : i32
      %rem3A = arith.remsi %add3A_66, %jit3A_67 : i32
      %ne3A_81 = arith.constant 0 : i32
      %ne3A_82 = arith.cmpi ne, %rem3A, %ne3A_81 : i32
      %and3A_83 = arith.andi %ne3A, %ne3A_82 : i1
      %sub3A_84 = arith.constant 1 : i32
      %sub3A_85 = arith.subi %div3A, %sub3A_84 : i32
      %select_n3A_86 = arith.select %and3A_83, %sub3A_85, %div3A : i32
      %lt3A_87 = vector.broadcast %select_n3A_86 : i32 to vector<900x80xi32>
      %lt3A_88 = arith.cmpi slt, %add3A, %lt3A_87 : vector<900x80xi32>
      %and3A_89 = arith.andi %eq3A_26, %lt3A_88 : vector<900x80xi1>
      %jit3A_90 = arith.constant 1 : i32
      %jit3A_91 = arith.constant 0 : i32
      %broadcast_in_dim3A_92 = vector.broadcast %jit3A_90 : i32 to vector<900x80xi32>
      %broadcast_in_dim3A_93 = vector.broadcast %jit3A_91 : i32 to vector<900x80xi32>
      %select_n3A_94 = arith.select %and3A_89, %broadcast_in_dim3A_92, %broadcast_in_dim3A_93 : vector<900x80xi1>, vector<900x80xi32>
      %reduce_sum3A_95 = vector.shape_cast %select_n3A_94 : vector<900x80xi32> to vector<1x900x80xi32>
      %reduce_sum3A_96 = arith.constant dense<0> : vector<1xi32>
      %reduce_sum3A_97 = vector.multi_reduction <add>, %reduce_sum3A_95, %reduce_sum3A_96 [1, 2] : vector<1x900x80xi32> to vector<1xi32>
      %reduce_sum3A_98 = vector.shape_cast %reduce_sum3A_97 : vector<1xi32> to vector<1x1x1xi32>
      %reduce_sum3A_99 = vector.extract %reduce_sum3A_98[0, 0, 0] : i32 from vector<1x1x1xi32>
      %ge3A = arith.cmpi sge, %reduce_sum3A_99, %sub3A_22 : i32
      %select_n3A_100 = arith.select %ge3A, %scan3A_64, %select_n3A_86 : i32
      %select_n3A_101 = arith.select %ge3A, %select_n3A_86, %scan3A_65 : i32
      scf.yield %select_n3A_100, %select_n3A_101 : i32, i32
    }
    %gt3A_34 = vector.broadcast %scan3A_14#0 : i32 to vector<900x80xi32>
    %gt3A_35 = arith.cmpi sgt, %get3A_3, %gt3A_34 : vector<900x80xi32>
    %lt3A = vector.broadcast %scan3A_33#1 : i32 to vector<900x80xi32>
    %lt3A_36 = arith.cmpi slt, %add3A, %lt3A : vector<900x80xi32>
    %and3A = arith.andi %eq3A_26, %lt3A_36 : vector<900x80xi1>
    %or3A = arith.ori %gt3A_35, %and3A : vector<900x80xi1>
    %jit3A_37 = arith.constant 1.000000e+00 : f32
    %jit3A_38 = arith.constant 0.000000e+00 : f32
    %broadcast_in_dim3A_39 = vector.broadcast %jit3A_37 : f32 to vector<900x80xf32>
    %broadcast_in_dim3A_40 = vector.broadcast %jit3A_38 : f32 to vector<900x80xf32>
    %select_n3A_41 = arith.select %or3A, %broadcast_in_dim3A_39, %broadcast_in_dim3A_40 : vector<900x80xi1>, vector<900x80xf32>
    %reduce_max3A = arith.constant dense<0xFF800000> : vector<900xf32>
    %reduce_max3A_42 = vector.multi_reduction <maximumf>, %select_n3A_41, %reduce_max3A [1] : vector<900x80xf32> to vector<900xf32>
    %broadcast_in_dim3A_43 = vector.shape_cast %reduce_max3A_42 : vector<900xf32> to vector<900x1xf32>
    %gt3A_44 = arith.constant 5.000000e-01 : f32
    %gt3A_45 = vector.broadcast %gt3A_44 : f32 to vector<900x1xf32>
    %gt3A_46 = arith.cmpf ogt, %broadcast_in_dim3A_43, %gt3A_45 : vector<900x1xf32>
    %jit3A_47 = arith.constant 0xFF800000 : f32
    %broadcast_in_dim3A_48 = vector.broadcast %jit3A_47 : f32 to vector<900x1xf32>
    %select_n3A_49 = arith.select %gt3A_46, %get3A_8, %broadcast_in_dim3A_48 : vector<900x1xi1>, vector<900x1xf32>
    %reduce_max3A_50 = vector.shape_cast %select_n3A_49 : vector<900x1xf32> to vector<1x900x1xf32>
    %reduce_max3A_51 = arith.constant dense<0xFF800000> : vector<1xf32>
    %reduce_max3A_52 = vector.multi_reduction <maximumf>, %reduce_max3A_50, %reduce_max3A_51 [1, 2] : vector<1x900x1xf32> to vector<1xf32>
    %reduce_max3A_53 = vector.shape_cast %reduce_max3A_52 : vector<1xf32> to vector<1x1x1xf32>
    %reduce_max3A_54 = vector.extract %reduce_max3A_53[0, 0, 0] : f32 from vector<1x1x1xf32>
    %add3A_55 = arith.constant 1.000000e+00 : f32
    %add3A_56 = arith.addf %reduce_max3A_54, %add3A_55 : f32
    %broadcast_in_dim3A_57 = vector.broadcast %add3A_56 : f32 to vector<1x1xf32>
    %swap3A = arith.constant 0 : index
    %swap3A_58 = arith.constant 0 : index
    %swap3A_59 = arith.constant 0 : index
    %swap3A_60 = vector.load %arg3[%swap3A, %swap3A_58, %swap3A_59] : memref<1x1x1xf32, #tpu.memory_space<vmem>>, vector<1x1x1xf32>
    %swap3A_61 = vector.shape_cast %swap3A_60 : vector<1x1x1xf32> to vector<1x1xf32>
    %swap3A_62 = vector.shape_cast %broadcast_in_dim3A_57 : vector<1x1xf32> to vector<1x1x1xf32>
    tpu.vector_store %arg3[%swap3A, %swap3A_58, %swap3A_59], %swap3A_62 {strides = array<i32>} : memref<1x1x1xf32, #tpu.memory_space<vmem>>, vector<1x1x1xf32>,
    return
  }
  func.func @transform_0(%arg0: i32) -> (i32, i32, i32) {
    %c0_i32 = arith.constant 0 : i32
    %c0_i32_0 = arith.constant 0 : i32
    %c0_i32_1 = arith.constant 0 : i32
    return %arg0, %c0_i32, %c0_i32_0 : i32, i32, i32
  }
  func.func @transform_1(%arg0: i32) -> (i32, i32, i32) {
    %c0_i32 = arith.constant 0 : i32
    %c0_i32_0 = arith.constant 0 : i32
    %c0_i32_1 = arith.constant 0 : i32
    return %arg0, %c0_i32, %c0_i32_0 : i32, i32, i32
  }
  func.func @transform_2(%arg0: i32) -> (i32, i32, i32) {
    %c0_i32 = arith.constant 0 : i32
    %c0_i32_0 = arith.constant 0 : i32
    %c0_i32_1 = arith.constant 0 : i32
    return %arg0, %c0_i32, %c0_i32_0 : i32, i32, i32
  }
}

module attributes {stable_mosaic.version = 14 : i64} {
  func.func @_nms_body(%arg0: i32, %arg1: memref<1x1x512xf32, #tpu.memory_space<vmem>>, %arg2: memref<1x1x512xf32, #tpu.memory_space<vmem>>, %arg3: memref<1x1x512xf32, #tpu.memory_space<vmem>>, %arg4: memref<1x1x512xf32, #tpu.memory_space<vmem>>, %arg5: memref<1x1x512xf32, #tpu.memory_space<vmem>>, %arg6: memref<1x1x512xf32, #tpu.memory_space<vmem>>, %arg7: memref<512x6xf32, #tpu.memory_space<vmem>>, %arg8: memref<2xi32, #tpu.memory_space<smem>>) attributes {dimension_semantics = [#tpu.dimension_semantics<arbitrary>], iteration_bounds = array<i64: 4>, scalar_prefetch = 0 : i64, scratch_operands = 2 : i64, tpu.core_type = #tpu.core_type<tc>, window_params = [{transform_indices = @transform_0, window_bounds = array<i64: 1, 1, 512>}, {transform_indices = @transform_1, window_bounds = array<i64: 1, 1, 512>}, {transform_indices = @transform_2, window_bounds = array<i64: 1, 1, 512>}, {transform_indices = @transform_3, window_bounds = array<i64: 1, 1, 512>}, {transform_indices = @transform_4, window_bounds = array<i64: 1, 1, 512>}, {transform_indices = @transform_5, window_bounds = array<i64: 1, 1, 512>}]} {
    %broadcast_in_dim3A = arith.constant 0.000000e+00 : f32
    %broadcast_in_dim3A_0 = vector.broadcast %broadcast_in_dim3A : f32 to vector<1x512xf32>
    %swap3A = arith.constant 0 : index
    %swap3A_1 = arith.constant 0 : index
    %swap3A_2 = arith.constant 0 : index
    %swap3A_3 = vector.load %arg6[%swap3A, %swap3A_1, %swap3A_2] : memref<1x1x512xf32, #tpu.memory_space<vmem>>, vector<1x1x512xf32>
    %swap3A_4 = vector.shape_cast %swap3A_3 : vector<1x1x512xf32> to vector<1x512xf32>
    %swap3A_5 = vector.shape_cast %broadcast_in_dim3A_0 : vector<1x512xf32> to vector<1x1x512xf32>
    tpu.vector_store %arg6[%swap3A, %swap3A_1, %swap3A_2], %swap3A_5 {strides = array<i32>} : memref<1x1x512xf32, #tpu.memory_space<vmem>>, vector<1x1x512xf32>,
    %swap3A_6 = arith.constant 0 : i32
    %swap3A_7 = arith.constant 0 : index
    %swap3A_8 = memref.load %arg8[%swap3A_7] : memref<2xi32, #tpu.memory_space<smem>>
    memref.store %swap3A_6, %arg8[%swap3A_7] : memref<2xi32, #tpu.memory_space<smem>>
    %swap3A_9 = arith.constant 0 : i32
    %swap3A_10 = arith.constant 1 : index
    %swap3A_11 = memref.load %arg8[%swap3A_10] : memref<2xi32, #tpu.memory_space<smem>>
    memref.store %swap3A_9, %arg8[%swap3A_10] : memref<2xi32, #tpu.memory_space<smem>>
    %iota3A = tpu.iota {dimensions = array<i32: 1>} : vector<1x256xi32>
    %iota3A_12 = tpu.iota {dimensions = array<i32: 0>} : vector<256x256xi32>
    %iota3A_13 = tpu.iota {dimensions = array<i32: 1>} : vector<256x256xi32>
    %eq3A = arith.cmpi eq, %iota3A_12, %iota3A_13 : vector<256x256xi32>
    %lt3A = arith.cmpi slt, %iota3A_12, %iota3A_13 : vector<256x256xi32>
    %scan3A = arith.constant 0 : i32
    %scan3A_14 = arith.constant 0 : i32
    %scan3A_15 = arith.constant 0 : i32
    %scan3A_16 = arith.constant 0 : i32
    %scan3A_17 = arith.constant 0 : i32
    %scan3A_18 = arith.constant 0 : i32
    %scan3A_19 = arith.constant 0 : i32
    %scan3A_20 = arith.constant 2 : i32
    %scan3A_21 = arith.addi %scan3A_19, %scan3A_20 : i32
    %scan3A_22 = arith.constant 1 : i32
    scf.for %scan3A_24 = %scan3A_19 to %scan3A_21 step %scan3A_22  : i32 {
      %get3A = arith.constant 0 : index
      %get3A_25 = memref.load %arg8[%get3A] : memref<2xi32, #tpu.memory_space<smem>>
      %lt3A_26 = arith.constant 300 : i32
      %lt3A_27 = arith.cmpi slt, %get3A_25, %lt3A_26 : i32
      %convert_element_type3A = arith.extui %lt3A_27 : i1 to i32
      %cond3A = arith.constant 0 : i32
      %cond3A_28 = arith.cmpi ne, %convert_element_type3A, %cond3A : i32
      scf.if %cond3A_28 {
        %mul3A = arith.constant 256 : i32
        %mul3A_29 = arith.muli %scan3A_24, %mul3A : i32
        %multiple_of3A = tpu.assume_multiple %mul3A_29, 256 : i32
        %get3A_30 = arith.constant 0 : i32
        %get3A_31 = arith.constant 0 : i32
        %get3A_32 = tpu.memref_slice %arg1[%scan3A, %get3A_30, %get3A_31] : memref<1x1x512xf32, #tpu.memory_space<vmem>> -> memref<1x1x512xf32, #tpu.memory_space<vmem>>
        %get3A_33 = tpu.memref_squeeze %get3A_32 : memref<1x1x512xf32, #tpu.memory_space<vmem>> -> memref<1x512xf32, #tpu.memory_space<vmem>>
        %get3A_34 = arith.constant 0 : index
        %get3A_35 = arith.index_cast %multiple_of3A : i32 to index
        %get3A_36 = vector.load %get3A_33[%get3A_34, %get3A_35] : memref<1x512xf32, #tpu.memory_space<vmem>>, vector<1x256xf32>
        %get3A_37 = arith.constant 0 : i32
        %get3A_38 = arith.constant 0 : i32
        %get3A_39 = tpu.memref_slice %arg2[%scan3A_14, %get3A_37, %get3A_38] : memref<1x1x512xf32, #tpu.memory_space<vmem>> -> memref<1x1x512xf32, #tpu.memory_space<vmem>>
        %get3A_40 = tpu.memref_squeeze %get3A_39 : memref<1x1x512xf32, #tpu.memory_space<vmem>> -> memref<1x512xf32, #tpu.memory_space<vmem>>
        %get3A_41 = arith.constant 0 : index
        %get3A_42 = arith.index_cast %multiple_of3A : i32 to index
        %get3A_43 = vector.load %get3A_40[%get3A_41, %get3A_42] : memref<1x512xf32, #tpu.memory_space<vmem>>, vector<1x256xf32>
        %get3A_44 = arith.constant 0 : i32
        %get3A_45 = arith.constant 0 : i32
        %get3A_46 = tpu.memref_slice %arg3[%scan3A_15, %get3A_44, %get3A_45] : memref<1x1x512xf32, #tpu.memory_space<vmem>> -> memref<1x1x512xf32, #tpu.memory_space<vmem>>
        %get3A_47 = tpu.memref_squeeze %get3A_46 : memref<1x1x512xf32, #tpu.memory_space<vmem>> -> memref<1x512xf32, #tpu.memory_space<vmem>>
        %get3A_48 = arith.constant 0 : index
        %get3A_49 = arith.index_cast %multiple_of3A : i32 to index
        %get3A_50 = vector.load %get3A_47[%get3A_48, %get3A_49] : memref<1x512xf32, #tpu.memory_space<vmem>>, vector<1x256xf32>
        %get3A_51 = arith.constant 0 : i32
        %get3A_52 = arith.constant 0 : i32
        %get3A_53 = tpu.memref_slice %arg4[%scan3A_16, %get3A_51, %get3A_52] : memref<1x1x512xf32, #tpu.memory_space<vmem>> -> memref<1x1x512xf32, #tpu.memory_space<vmem>>
        %get3A_54 = tpu.memref_squeeze %get3A_53 : memref<1x1x512xf32, #tpu.memory_space<vmem>> -> memref<1x512xf32, #tpu.memory_space<vmem>>
        %get3A_55 = arith.constant 0 : index
        %get3A_56 = arith.index_cast %multiple_of3A : i32 to index
        %get3A_57 = vector.load %get3A_54[%get3A_55, %get3A_56] : memref<1x512xf32, #tpu.memory_space<vmem>>, vector<1x256xf32>
        %get3A_58 = arith.constant 0 : i32
        %get3A_59 = arith.constant 0 : i32
        %get3A_60 = tpu.memref_slice %arg5[%scan3A_17, %get3A_58, %get3A_59] : memref<1x1x512xf32, #tpu.memory_space<vmem>> -> memref<1x1x512xf32, #tpu.memory_space<vmem>>
        %get3A_61 = tpu.memref_squeeze %get3A_60 : memref<1x1x512xf32, #tpu.memory_space<vmem>> -> memref<1x512xf32, #tpu.memory_space<vmem>>
        %get3A_62 = arith.constant 0 : index
        %get3A_63 = arith.index_cast %multiple_of3A : i32 to index
        %get3A_64 = vector.load %get3A_61[%get3A_62, %get3A_63] : memref<1x512xf32, #tpu.memory_space<vmem>>, vector<1x256xf32>
        "tpu.region"() ({
          %run_scoped3A = memref.alloca() : memref<1x256xf32, #tpu.memory_space<vmem>>
          %broadcast_in_dim3A_65 = arith.constant 0.000000e+00 : f32
          %broadcast_in_dim3A_66 = vector.broadcast %broadcast_in_dim3A_65 : f32 to vector<1x256xf32>
          %swap3A_67 = arith.constant 0 : index
          %swap3A_68 = arith.constant 0 : index
          %swap3A_69 = vector.load %run_scoped3A[%swap3A_67, %swap3A_68] : memref<1x256xf32, #tpu.memory_space<vmem>>, vector<1x256xf32>
          tpu.vector_store %run_scoped3A[%swap3A_67, %swap3A_68], %broadcast_in_dim3A_66 {strides = array<i32>} : memref<1x256xf32, #tpu.memory_space<vmem>>, vector<1x256xf32>,
          %scan3A_70 = arith.constant 0 : i32
          %scan3A_71 = arith.constant 0 : i32
          %scan3A_72 = arith.constant 2 : i32
          %scan3A_73 = arith.addi %scan3A_71, %scan3A_72 : i32
          %scan3A_74 = arith.constant 1 : i32
          scf.for %scan3A_215 = %scan3A_71 to %scan3A_73 step %scan3A_74  : i32 {
            %lt3A_216 = arith.cmpi slt, %scan3A_215, %scan3A_24 : i32
            %convert_element_type3A_217 = arith.extui %lt3A_216 : i1 to i32
            %cond3A_218 = arith.constant 0 : i32
            %cond3A_219 = arith.cmpi ne, %convert_element_type3A_217, %cond3A_218 : i32
            scf.if %cond3A_219 {
              %mul3A_220 = arith.constant 256 : i32
              %mul3A_221 = arith.muli %scan3A_215, %mul3A_220 : i32
              %multiple_of3A_222 = tpu.assume_multiple %mul3A_221, 256 : i32
              %get3A_223 = arith.index_cast %multiple_of3A_222 : i32 to index
              %get3A_224 = arith.constant 0 : index
              %get3A_225 = vector.load %arg7[%get3A_223, %get3A_224] : memref<512x6xf32, #tpu.memory_space<vmem>>, vector<256x1xf32>
              %get3A_226 = arith.index_cast %multiple_of3A_222 : i32 to index
              %get3A_227 = arith.constant 1 : index
              %get3A_228 = vector.load %arg7[%get3A_226, %get3A_227] : memref<512x6xf32, #tpu.memory_space<vmem>>, vector<256x1xf32>
              %get3A_229 = arith.index_cast %multiple_of3A_222 : i32 to index
              %get3A_230 = arith.constant 2 : index
              %get3A_231 = vector.load %arg7[%get3A_229, %get3A_230] : memref<512x6xf32, #tpu.memory_space<vmem>>, vector<256x1xf32>
              %get3A_232 = arith.index_cast %multiple_of3A_222 : i32 to index
              %get3A_233 = arith.constant 3 : index
              %get3A_234 = vector.load %arg7[%get3A_232, %get3A_233] : memref<512x6xf32, #tpu.memory_space<vmem>>, vector<256x1xf32>
              %get3A_235 = arith.index_cast %multiple_of3A_222 : i32 to index
              %get3A_236 = arith.constant 4 : index
              %get3A_237 = vector.load %arg7[%get3A_235, %get3A_236] : memref<512x6xf32, #tpu.memory_space<vmem>>, vector<256x1xf32>
              %get3A_238 = arith.index_cast %multiple_of3A_222 : i32 to index
              %get3A_239 = arith.constant 5 : index
              %get3A_240 = vector.load %arg7[%get3A_238, %get3A_239] : memref<512x6xf32, #tpu.memory_space<vmem>>, vector<256x1xf32>
              %min3A_241 = vector.broadcast %get3A_231 : vector<256x1xf32> to vector<256x256xf32>
              %min3A_242 = vector.broadcast %get3A_50 : vector<1x256xf32> to vector<256x256xf32>
              %min3A_243 = arith.minimumf %min3A_241, %min3A_242 : vector<256x256xf32>
              %max3A_244 = vector.broadcast %get3A_225 : vector<256x1xf32> to vector<256x256xf32>
              %max3A_245 = vector.broadcast %get3A_36 : vector<1x256xf32> to vector<256x256xf32>
              %max3A_246 = arith.maximumf %max3A_244, %max3A_245 : vector<256x256xf32>
              %sub3A_247 = arith.subf %min3A_243, %max3A_246 : vector<256x256xf32>
              %max3A_248 = arith.constant 0.000000e+00 : f32
              %max3A_249 = vector.broadcast %max3A_248 : f32 to vector<256x256xf32>
              %max3A_250 = arith.maximumf %sub3A_247, %max3A_249 : vector<256x256xf32>
              %min3A_251 = vector.broadcast %get3A_234 : vector<256x1xf32> to vector<256x256xf32>
              %min3A_252 = vector.broadcast %get3A_57 : vector<1x256xf32> to vector<256x256xf32>
              %min3A_253 = arith.minimumf %min3A_251, %min3A_252 : vector<256x256xf32>
              %max3A_254 = vector.broadcast %get3A_228 : vector<256x1xf32> to vector<256x256xf32>
              %max3A_255 = vector.broadcast %get3A_43 : vector<1x256xf32> to vector<256x256xf32>
              %max3A_256 = arith.maximumf %max3A_254, %max3A_255 : vector<256x256xf32>
              %sub3A_257 = arith.subf %min3A_253, %max3A_256 : vector<256x256xf32>
              %max3A_258 = arith.constant 0.000000e+00 : f32
              %max3A_259 = vector.broadcast %max3A_258 : f32 to vector<256x256xf32>
              %max3A_260 = arith.maximumf %sub3A_257, %max3A_259 : vector<256x256xf32>
              %mul3A_261 = arith.mulf %max3A_250, %max3A_260 : vector<256x256xf32>
              %add3A_262 = vector.broadcast %get3A_237 : vector<256x1xf32> to vector<256x256xf32>
              %add3A_263 = vector.broadcast %get3A_64 : vector<1x256xf32> to vector<256x256xf32>
              %add3A_264 = arith.addf %add3A_262, %add3A_263 : vector<256x256xf32>
              %sub3A_265 = arith.subf %add3A_264, %mul3A_261 : vector<256x256xf32>
              %add3A_266 = arith.constant 9.99999971E-10 : f32
              %add3A_267 = vector.broadcast %add3A_266 : f32 to vector<256x256xf32>
              %add3A_268 = arith.addf %sub3A_265, %add3A_267 : vector<256x256xf32>
              %div3A_269 = arith.divf %mul3A_261, %add3A_268 : vector<256x256xf32>
              %gt3A_270 = arith.constant 0.699999988 : f32
              %gt3A_271 = vector.broadcast %gt3A_270 : f32 to vector<256x256xf32>
              %gt3A_272 = arith.cmpf ogt, %div3A_269, %gt3A_271 : vector<256x256xf32>
              %gt3A_273 = arith.constant 5.000000e-01 : f32
              %gt3A_274 = vector.broadcast %gt3A_273 : f32 to vector<256x1xf32>
              %gt3A_275 = arith.cmpf ogt, %get3A_240, %gt3A_274 : vector<256x1xf32>
              %and3A_276 = vector.broadcast %gt3A_275 : vector<256x1xi1> to vector<256x256xi1>
              %and3A_277 = arith.andi %gt3A_272, %and3A_276 : vector<256x256xi1>
              %jit3A_278 = arith.constant 1.000000e+00 : f32
              %jit3A_279 = arith.constant 0.000000e+00 : f32
              %broadcast_in_dim3A_280 = vector.broadcast %jit3A_278 : f32 to vector<256x256xf32>
              %broadcast_in_dim3A_281 = vector.broadcast %jit3A_279 : f32 to vector<256x256xf32>
              %select_n3A_282 = arith.select %and3A_277, %broadcast_in_dim3A_280, %broadcast_in_dim3A_281 : vector<256x256xi1>, vector<256x256xf32>
              %get3A_283 = arith.constant 0 : index
              %get3A_284 = arith.constant 0 : index
              %get3A_285 = vector.load %run_scoped3A[%get3A_283, %get3A_284] : memref<1x256xf32, #tpu.memory_space<vmem>>, vector<1x256xf32>
              %reduce_max3A = arith.constant dense<0xFF800000> : vector<256xf32>
              %reduce_max3A_286 = vector.multi_reduction <maximumf>, %select_n3A_282, %reduce_max3A [0] : vector<256x256xf32> to vector<256xf32>
              %broadcast_in_dim3A_287 = vector.shape_cast %reduce_max3A_286 : vector<256xf32> to vector<1x256xf32>
              %max3A_288 = arith.maximumf %get3A_285, %broadcast_in_dim3A_287 : vector<1x256xf32>
              %swap3A_289 = arith.constant 0 : index
              %swap3A_290 = arith.constant 0 : index
              %swap3A_291 = vector.load %run_scoped3A[%swap3A_289, %swap3A_290] : memref<1x256xf32, #tpu.memory_space<vmem>>, vector<1x256xf32>
              tpu.vector_store %run_scoped3A[%swap3A_289, %swap3A_290], %max3A_288 {strides = array<i32>} : memref<1x256xf32, #tpu.memory_space<vmem>>, vector<1x256xf32>,
            } else {
            }
          }
          %scan3A_75 = arith.constant 2 : i32
          %get3A_76 = arith.constant 0 : index
          %get3A_77 = arith.constant 0 : index
          %get3A_78 = vector.load %run_scoped3A[%get3A_76, %get3A_77] : memref<1x256xf32, #tpu.memory_space<vmem>>, vector<1x256xf32>
          %add3A = vector.broadcast %multiple_of3A : i32 to vector<1x256xi32>
          %add3A_79 = arith.addi %add3A, %iota3A : vector<1x256xi32>
          %lt3A_80 = arith.constant 5.000000e-01 : f32
          %lt3A_81 = vector.broadcast %lt3A_80 : f32 to vector<1x256xf32>
          %lt3A_82 = arith.cmpf olt, %get3A_78, %lt3A_81 : vector<1x256xf32>
          %lt3A_83 = arith.constant 10000 : i32
          %lt3A_84 = vector.broadcast %lt3A_83 : i32 to vector<1x256xi32>
          %lt3A_85 = arith.cmpi slt, %add3A_79, %lt3A_84 : vector<1x256xi32>
          %and3A = arith.andi %lt3A_82, %lt3A_85 : vector<1x256xi1>
          %jit3A = arith.constant 1.000000e+00 : f32
          %jit3A_86 = arith.constant 0.000000e+00 : f32
          %broadcast_in_dim3A_87 = vector.broadcast %jit3A : f32 to vector<1x256xf32>
          %broadcast_in_dim3A_88 = vector.broadcast %jit3A_86 : f32 to vector<1x256xf32>
          %select_n3A = arith.select %and3A, %broadcast_in_dim3A_87, %broadcast_in_dim3A_88 : vector<1x256xi1>, vector<1x256xf32>
          %jit3A_89 = arith.constant 0.000000e+00 : f32
          %broadcast_in_dim3A_90 = vector.shape_cast %get3A_36 : vector<1x256xf32> to vector<1x256xf32>
          %broadcast_in_dim3A_91 = vector.broadcast %broadcast_in_dim3A_90 : vector<1x256xf32> to vector<256x256xf32>
          %broadcast_in_dim3A_92 = vector.broadcast %jit3A_89 : f32 to vector<256x256xf32>
          %select_n3A_93 = arith.select %eq3A, %broadcast_in_dim3A_91, %broadcast_in_dim3A_92 : vector<256x256xi1>, vector<256x256xf32>
          %reduce_sum3A = arith.constant dense<0.000000e+00> : vector<256xf32>
          %reduce_sum3A_94 = vector.multi_reduction <add>, %select_n3A_93, %reduce_sum3A [1] : vector<256x256xf32> to vector<256xf32>
          %broadcast_in_dim3A_95 = vector.shape_cast %reduce_sum3A_94 : vector<256xf32> to vector<256x1xf32>
          %jit3A_96 = arith.constant 0.000000e+00 : f32
          %broadcast_in_dim3A_97 = vector.shape_cast %get3A_43 : vector<1x256xf32> to vector<1x256xf32>
          %broadcast_in_dim3A_98 = vector.broadcast %broadcast_in_dim3A_97 : vector<1x256xf32> to vector<256x256xf32>
          %broadcast_in_dim3A_99 = vector.broadcast %jit3A_96 : f32 to vector<256x256xf32>
          %select_n3A_100 = arith.select %eq3A, %broadcast_in_dim3A_98, %broadcast_in_dim3A_99 : vector<256x256xi1>, vector<256x256xf32>
          %reduce_sum3A_101 = arith.constant dense<0.000000e+00> : vector<256xf32>
          %reduce_sum3A_102 = vector.multi_reduction <add>, %select_n3A_100, %reduce_sum3A_101 [1] : vector<256x256xf32> to vector<256xf32>
          %broadcast_in_dim3A_103 = vector.shape_cast %reduce_sum3A_102 : vector<256xf32> to vector<256x1xf32>
          %jit3A_104 = arith.constant 0.000000e+00 : f32
          %broadcast_in_dim3A_105 = vector.shape_cast %get3A_50 : vector<1x256xf32> to vector<1x256xf32>
          %broadcast_in_dim3A_106 = vector.broadcast %broadcast_in_dim3A_105 : vector<1x256xf32> to vector<256x256xf32>
          %broadcast_in_dim3A_107 = vector.broadcast %jit3A_104 : f32 to vector<256x256xf32>
          %select_n3A_108 = arith.select %eq3A, %broadcast_in_dim3A_106, %broadcast_in_dim3A_107 : vector<256x256xi1>, vector<256x256xf32>
          %reduce_sum3A_109 = arith.constant dense<0.000000e+00> : vector<256xf32>
          %reduce_sum3A_110 = vector.multi_reduction <add>, %select_n3A_108, %reduce_sum3A_109 [1] : vector<256x256xf32> to vector<256xf32>
          %broadcast_in_dim3A_111 = vector.shape_cast %reduce_sum3A_110 : vector<256xf32> to vector<256x1xf32>
          %jit3A_112 = arith.constant 0.000000e+00 : f32
          %broadcast_in_dim3A_113 = vector.shape_cast %get3A_57 : vector<1x256xf32> to vector<1x256xf32>
          %broadcast_in_dim3A_114 = vector.broadcast %broadcast_in_dim3A_113 : vector<1x256xf32> to vector<256x256xf32>
          %broadcast_in_dim3A_115 = vector.broadcast %jit3A_112 : f32 to vector<256x256xf32>
          %select_n3A_116 = arith.select %eq3A, %broadcast_in_dim3A_114, %broadcast_in_dim3A_115 : vector<256x256xi1>, vector<256x256xf32>
          %reduce_sum3A_117 = arith.constant dense<0.000000e+00> : vector<256xf32>
          %reduce_sum3A_118 = vector.multi_reduction <add>, %select_n3A_116, %reduce_sum3A_117 [1] : vector<256x256xf32> to vector<256xf32>
          %broadcast_in_dim3A_119 = vector.shape_cast %reduce_sum3A_118 : vector<256xf32> to vector<256x1xf32>
          %jit3A_120 = arith.constant 0.000000e+00 : f32
          %broadcast_in_dim3A_121 = vector.shape_cast %get3A_64 : vector<1x256xf32> to vector<1x256xf32>
          %broadcast_in_dim3A_122 = vector.broadcast %broadcast_in_dim3A_121 : vector<1x256xf32> to vector<256x256xf32>
          %broadcast_in_dim3A_123 = vector.broadcast %jit3A_120 : f32 to vector<256x256xf32>
          %select_n3A_124 = arith.select %eq3A, %broadcast_in_dim3A_122, %broadcast_in_dim3A_123 : vector<256x256xi1>, vector<256x256xf32>
          %reduce_sum3A_125 = arith.constant dense<0.000000e+00> : vector<256xf32>
          %reduce_sum3A_126 = vector.multi_reduction <add>, %select_n3A_124, %reduce_sum3A_125 [1] : vector<256x256xf32> to vector<256xf32>
          %broadcast_in_dim3A_127 = vector.shape_cast %reduce_sum3A_126 : vector<256xf32> to vector<256x1xf32>
          %swap3A_128 = arith.index_cast %multiple_of3A : i32 to index
          %swap3A_129 = arith.constant 0 : index
          %swap3A_130 = vector.load %arg7[%swap3A_128, %swap3A_129] : memref<512x6xf32, #tpu.memory_space<vmem>>, vector<256x1xf32>
          tpu.vector_store %arg7[%swap3A_128, %swap3A_129], %broadcast_in_dim3A_95 {strides = array<i32>} : memref<512x6xf32, #tpu.memory_space<vmem>>, vector<256x1xf32>,
          %swap3A_131 = arith.index_cast %multiple_of3A : i32 to index
          %swap3A_132 = arith.constant 1 : index
          %swap3A_133 = vector.load %arg7[%swap3A_131, %swap3A_132] : memref<512x6xf32, #tpu.memory_space<vmem>>, vector<256x1xf32>
          tpu.vector_store %arg7[%swap3A_131, %swap3A_132], %broadcast_in_dim3A_103 {strides = array<i32>} : memref<512x6xf32, #tpu.memory_space<vmem>>, vector<256x1xf32>,
          %swap3A_134 = arith.index_cast %multiple_of3A : i32 to index
          %swap3A_135 = arith.constant 2 : index
          %swap3A_136 = vector.load %arg7[%swap3A_134, %swap3A_135] : memref<512x6xf32, #tpu.memory_space<vmem>>, vector<256x1xf32>
          tpu.vector_store %arg7[%swap3A_134, %swap3A_135], %broadcast_in_dim3A_111 {strides = array<i32>} : memref<512x6xf32, #tpu.memory_space<vmem>>, vector<256x1xf32>,
          %swap3A_137 = arith.index_cast %multiple_of3A : i32 to index
          %swap3A_138 = arith.constant 3 : index
          %swap3A_139 = vector.load %arg7[%swap3A_137, %swap3A_138] : memref<512x6xf32, #tpu.memory_space<vmem>>, vector<256x1xf32>
          tpu.vector_store %arg7[%swap3A_137, %swap3A_138], %broadcast_in_dim3A_119 {strides = array<i32>} : memref<512x6xf32, #tpu.memory_space<vmem>>, vector<256x1xf32>,
          %swap3A_140 = arith.index_cast %multiple_of3A : i32 to index
          %swap3A_141 = arith.constant 4 : index
          %swap3A_142 = vector.load %arg7[%swap3A_140, %swap3A_141] : memref<512x6xf32, #tpu.memory_space<vmem>>, vector<256x1xf32>
          tpu.vector_store %arg7[%swap3A_140, %swap3A_141], %broadcast_in_dim3A_127 {strides = array<i32>} : memref<512x6xf32, #tpu.memory_space<vmem>>, vector<256x1xf32>,
          %min3A = vector.broadcast %broadcast_in_dim3A_111 : vector<256x1xf32> to vector<256x256xf32>
          %min3A_143 = vector.broadcast %get3A_50 : vector<1x256xf32> to vector<256x256xf32>
          %min3A_144 = arith.minimumf %min3A, %min3A_143 : vector<256x256xf32>
          %max3A = vector.broadcast %broadcast_in_dim3A_95 : vector<256x1xf32> to vector<256x256xf32>
          %max3A_145 = vector.broadcast %get3A_36 : vector<1x256xf32> to vector<256x256xf32>
          %max3A_146 = arith.maximumf %max3A, %max3A_145 : vector<256x256xf32>
          %sub3A = arith.subf %min3A_144, %max3A_146 : vector<256x256xf32>
          %max3A_147 = arith.constant 0.000000e+00 : f32
          %max3A_148 = vector.broadcast %max3A_147 : f32 to vector<256x256xf32>
          %max3A_149 = arith.maximumf %sub3A, %max3A_148 : vector<256x256xf32>
          %min3A_150 = vector.broadcast %broadcast_in_dim3A_119 : vector<256x1xf32> to vector<256x256xf32>
          %min3A_151 = vector.broadcast %get3A_57 : vector<1x256xf32> to vector<256x256xf32>
          %min3A_152 = arith.minimumf %min3A_150, %min3A_151 : vector<256x256xf32>
          %max3A_153 = vector.broadcast %broadcast_in_dim3A_103 : vector<256x1xf32> to vector<256x256xf32>
          %max3A_154 = vector.broadcast %get3A_43 : vector<1x256xf32> to vector<256x256xf32>
          %max3A_155 = arith.maximumf %max3A_153, %max3A_154 : vector<256x256xf32>
          %sub3A_156 = arith.subf %min3A_152, %max3A_155 : vector<256x256xf32>
          %max3A_157 = arith.constant 0.000000e+00 : f32
          %max3A_158 = vector.broadcast %max3A_157 : f32 to vector<256x256xf32>
          %max3A_159 = arith.maximumf %sub3A_156, %max3A_158 : vector<256x256xf32>
          %mul3A_160 = arith.mulf %max3A_149, %max3A_159 : vector<256x256xf32>
          %add3A_161 = vector.broadcast %broadcast_in_dim3A_127 : vector<256x1xf32> to vector<256x256xf32>
          %add3A_162 = vector.broadcast %get3A_64 : vector<1x256xf32> to vector<256x256xf32>
          %add3A_163 = arith.addf %add3A_161, %add3A_162 : vector<256x256xf32>
          %sub3A_164 = arith.subf %add3A_163, %mul3A_160 : vector<256x256xf32>
          %add3A_165 = arith.constant 9.99999971E-10 : f32
          %add3A_166 = vector.broadcast %add3A_165 : f32 to vector<256x256xf32>
          %add3A_167 = arith.addf %sub3A_164, %add3A_166 : vector<256x256xf32>
          %div3A = arith.divf %mul3A_160, %add3A_167 : vector<256x256xf32>
          %gt3A = arith.constant 0.699999988 : f32
          %gt3A_168 = vector.broadcast %gt3A : f32 to vector<256x256xf32>
          %gt3A_169 = arith.cmpf ogt, %div3A, %gt3A_168 : vector<256x256xf32>
          %and3A_170 = arith.andi %gt3A_169, %lt3A : vector<256x256xi1>
          %swap3A_171 = arith.constant 0 : index
          %swap3A_172 = arith.constant 0 : index
          %swap3A_173 = vector.load %run_scoped3A[%swap3A_171, %swap3A_172] : memref<1x256xf32, #tpu.memory_space<vmem>>, vector<1x256xf32>
          tpu.vector_store %run_scoped3A[%swap3A_171, %swap3A_172], %select_n3A {strides = array<i32>} : memref<1x256xf32, #tpu.memory_space<vmem>>, vector<1x256xf32>,
          %swap3A_174 = arith.constant 0 : i32
          %swap3A_175 = arith.constant 1 : index
          %swap3A_176 = memref.load %arg8[%swap3A_175] : memref<2xi32, #tpu.memory_space<smem>>
          memref.store %swap3A_174, %arg8[%swap3A_175] : memref<2xi32, #tpu.memory_space<smem>>
          %scan3A_177 = arith.constant 0 : i32
          %scan3A_178 = arith.constant 0 : i32
          %scan3A_179 = arith.constant 256 : i32
          %scan3A_180 = arith.addi %scan3A_178, %scan3A_179 : i32
          %scan3A_181 = arith.constant 1 : i32
          scf.for %scan3A_215 = %scan3A_178 to %scan3A_180 step %scan3A_181  : i32 {
            %get3A_216 = arith.constant 1 : index
            %get3A_217 = memref.load %arg8[%get3A_216] : memref<2xi32, #tpu.memory_space<smem>>
            %eq3A_218 = arith.constant 0 : i32
            %eq3A_219 = arith.cmpi eq, %get3A_217, %eq3A_218 : i32
            %convert_element_type3A_220 = arith.extui %eq3A_219 : i1 to i32
            %cond3A_221 = arith.constant 0 : i32
            %cond3A_222 = arith.cmpi ne, %convert_element_type3A_220, %cond3A_221 : i32
            scf.if %cond3A_222 {
              %get3A_223 = arith.constant 0 : index
              %get3A_224 = arith.constant 0 : index
              %get3A_225 = vector.load %run_scoped3A[%get3A_223, %get3A_224] : memref<1x256xf32, #tpu.memory_space<vmem>>, vector<1x256xf32>
              %jit3A_226 = arith.constant 0.000000e+00 : f32
              %broadcast_in_dim3A_227 = vector.shape_cast %get3A_225 : vector<1x256xf32> to vector<1x256xf32>
              %broadcast_in_dim3A_228 = vector.broadcast %broadcast_in_dim3A_227 : vector<1x256xf32> to vector<256x256xf32>
              %broadcast_in_dim3A_229 = vector.broadcast %jit3A_226 : f32 to vector<256x256xf32>
              %select_n3A_230 = arith.select %eq3A, %broadcast_in_dim3A_228, %broadcast_in_dim3A_229 : vector<256x256xi1>, vector<256x256xf32>
              %reduce_sum3A_231 = arith.constant dense<0.000000e+00> : vector<256xf32>
              %reduce_sum3A_232 = vector.multi_reduction <add>, %select_n3A_230, %reduce_sum3A_231 [1] : vector<256x256xf32> to vector<256xf32>
              %broadcast_in_dim3A_233 = vector.shape_cast %reduce_sum3A_232 : vector<256xf32> to vector<256x1xf32>
              %gt3A_234 = arith.constant 5.000000e-01 : f32
              %gt3A_235 = vector.broadcast %gt3A_234 : f32 to vector<256x1xf32>
              %gt3A_236 = arith.cmpf ogt, %broadcast_in_dim3A_233, %gt3A_235 : vector<256x1xf32>
              %and3A_237 = vector.broadcast %gt3A_236 : vector<256x1xi1> to vector<256x256xi1>
              %and3A_238 = arith.andi %and3A_170, %and3A_237 : vector<256x256xi1>
              %jit3A_239 = arith.constant 1.000000e+00 : f32
              %jit3A_240 = arith.constant 0.000000e+00 : f32
              %broadcast_in_dim3A_241 = vector.broadcast %jit3A_239 : f32 to vector<256x256xf32>
              %broadcast_in_dim3A_242 = vector.broadcast %jit3A_240 : f32 to vector<256x256xf32>
              %select_n3A_243 = arith.select %and3A_238, %broadcast_in_dim3A_241, %broadcast_in_dim3A_242 : vector<256x256xi1>, vector<256x256xf32>
              %reduce_max3A = arith.constant dense<0xFF800000> : vector<256xf32>
              %reduce_max3A_244 = vector.multi_reduction <maximumf>, %select_n3A_243, %reduce_max3A [0] : vector<256x256xf32> to vector<256xf32>
              %broadcast_in_dim3A_245 = vector.shape_cast %reduce_max3A_244 : vector<256xf32> to vector<1x256xf32>
              %lt3A_246 = arith.constant 5.000000e-01 : f32
              %lt3A_247 = vector.broadcast %lt3A_246 : f32 to vector<1x256xf32>
              %lt3A_248 = arith.cmpf olt, %broadcast_in_dim3A_245, %lt3A_247 : vector<1x256xf32>
              %jit3A_249 = arith.constant 0.000000e+00 : f32
              %broadcast_in_dim3A_250 = vector.broadcast %jit3A_249 : f32 to vector<1x256xf32>
              %select_n3A_251 = arith.select %lt3A_248, %select_n3A, %broadcast_in_dim3A_250 : vector<1x256xi1>, vector<1x256xf32>
              %swap3A_252 = arith.constant 0 : index
              %swap3A_253 = arith.constant 0 : index
              %swap3A_254 = vector.load %run_scoped3A[%swap3A_252, %swap3A_253] : memref<1x256xf32, #tpu.memory_space<vmem>>, vector<1x256xf32>
              tpu.vector_store %run_scoped3A[%swap3A_252, %swap3A_253], %select_n3A_251 {strides = array<i32>} : memref<1x256xf32, #tpu.memory_space<vmem>>, vector<1x256xf32>,
              %sub3A_255 = arith.subf %select_n3A_251, %get3A_225 : vector<1x256xf32>
              %abs3A = math.absf %sub3A_255 : vector<1x256xf32>
              %reduce_sum3A_256 = vector.shape_cast %abs3A : vector<1x256xf32> to vector<1x1x256xf32>
              %reduce_sum3A_257 = arith.constant dense<0.000000e+00> : vector<1xf32>
              %reduce_sum3A_258 = vector.multi_reduction <add>, %reduce_sum3A_256, %reduce_sum3A_257 [1, 2] : vector<1x1x256xf32> to vector<1xf32>
              %reduce_sum3A_259 = vector.shape_cast %reduce_sum3A_258 : vector<1xf32> to vector<1x1x1xf32>
              %reduce_sum3A_260 = vector.extract %reduce_sum3A_259[0, 0, 0] : f32 from vector<1x1x1xf32>
              %eq3A_261 = arith.constant 0.000000e+00 : f32
              %eq3A_262 = arith.cmpf oeq, %reduce_sum3A_260, %eq3A_261 : f32
              %jit3A_263 = arith.constant 1 : i32
              %jit3A_264 = arith.constant 0 : i32
              %select_n3A_265 = arith.select %eq3A_262, %jit3A_263, %jit3A_264 : i32
              %swap3A_266 = arith.constant 1 : index
              %swap3A_267 = memref.load %arg8[%swap3A_266] : memref<2xi32, #tpu.memory_space<smem>>
              memref.store %select_n3A_265, %arg8[%swap3A_266] : memref<2xi32, #tpu.memory_space<smem>>
            } else {
            }
          }
          %scan3A_182 = arith.constant 256 : i32
          %get3A_183 = arith.constant 0 : index
          %get3A_184 = arith.constant 0 : index
          %get3A_185 = vector.load %run_scoped3A[%get3A_183, %get3A_184] : memref<1x256xf32, #tpu.memory_space<vmem>>, vector<1x256xf32>
          %swap3A_186 = arith.constant 0 : i32
          %swap3A_187 = arith.constant 0 : i32
          %swap3A_188 = tpu.memref_slice %arg6[%scan3A_18, %swap3A_186, %swap3A_187] : memref<1x1x512xf32, #tpu.memory_space<vmem>> -> memref<1x1x512xf32, #tpu.memory_space<vmem>>
          %swap3A_189 = tpu.memref_squeeze %swap3A_188 : memref<1x1x512xf32, #tpu.memory_space<vmem>> -> memref<1x512xf32, #tpu.memory_space<vmem>>
          %swap3A_190 = arith.constant 0 : index
          %swap3A_191 = arith.index_cast %multiple_of3A : i32 to index
          %swap3A_192 = vector.load %swap3A_189[%swap3A_190, %swap3A_191] : memref<1x512xf32, #tpu.memory_space<vmem>>, vector<1x256xf32>
          tpu.vector_store %swap3A_189[%swap3A_190, %swap3A_191], %get3A_185 {strides = array<i32>} : memref<1x512xf32, #tpu.memory_space<vmem>>, vector<1x256xf32>,
          %jit3A_193 = arith.constant 0.000000e+00 : f32
          %broadcast_in_dim3A_194 = vector.shape_cast %get3A_185 : vector<1x256xf32> to vector<1x256xf32>
          %broadcast_in_dim3A_195 = vector.broadcast %broadcast_in_dim3A_194 : vector<1x256xf32> to vector<256x256xf32>
          %broadcast_in_dim3A_196 = vector.broadcast %jit3A_193 : f32 to vector<256x256xf32>
          %select_n3A_197 = arith.select %eq3A, %broadcast_in_dim3A_195, %broadcast_in_dim3A_196 : vector<256x256xi1>, vector<256x256xf32>
          %reduce_sum3A_198 = arith.constant dense<0.000000e+00> : vector<256xf32>
          %reduce_sum3A_199 = vector.multi_reduction <add>, %select_n3A_197, %reduce_sum3A_198 [1] : vector<256x256xf32> to vector<256xf32>
          %broadcast_in_dim3A_200 = vector.shape_cast %reduce_sum3A_199 : vector<256xf32> to vector<256x1xf32>
          %swap3A_201 = arith.index_cast %multiple_of3A : i32 to index
          %swap3A_202 = arith.constant 5 : index
          %swap3A_203 = vector.load %arg7[%swap3A_201, %swap3A_202] : memref<512x6xf32, #tpu.memory_space<vmem>>, vector<256x1xf32>
          tpu.vector_store %arg7[%swap3A_201, %swap3A_202], %broadcast_in_dim3A_200 {strides = array<i32>} : memref<512x6xf32, #tpu.memory_space<vmem>>, vector<256x1xf32>,
          %get3A_204 = arith.constant 0 : index
          %get3A_205 = memref.load %arg8[%get3A_204] : memref<2xi32, #tpu.memory_space<smem>>
          %reduce_sum3A_206 = vector.shape_cast %get3A_185 : vector<1x256xf32> to vector<1x1x256xf32>
          %reduce_sum3A_207 = arith.constant dense<0.000000e+00> : vector<1xf32>
          %reduce_sum3A_208 = vector.multi_reduction <add>, %reduce_sum3A_206, %reduce_sum3A_207 [1, 2] : vector<1x1x256xf32> to vector<1xf32>
          %reduce_sum3A_209 = vector.shape_cast %reduce_sum3A_208 : vector<1xf32> to vector<1x1x1xf32>
          %reduce_sum3A_210 = vector.extract %reduce_sum3A_209[0, 0, 0] : f32 from vector<1x1x1xf32>
          %convert_element_type3A_211 = arith.fptosi %reduce_sum3A_210 : f32 to i32
          %add3A_212 = arith.addi %get3A_205, %convert_element_type3A_211 : i32
          %swap3A_213 = arith.constant 0 : index
          %swap3A_214 = memref.load %arg8[%swap3A_213] : memref<2xi32, #tpu.memory_space<smem>>
          memref.store %add3A_212, %arg8[%swap3A_213] : memref<2xi32, #tpu.memory_space<smem>>
          tpu.yield
        }) : () -> ()
      } else {
      }
    }
    %scan3A_23 = arith.constant 2 : i32
    return
  }
  func.func @transform_0(%arg0: i32) -> (i32, i32, i32) {
    %c0_i32 = arith.constant 0 : i32
    %c0_i32_0 = arith.constant 0 : i32
    %c0_i32_1 = arith.constant 0 : i32
    return %arg0, %c0_i32, %c0_i32_0 : i32, i32, i32
  }
  func.func @transform_1(%arg0: i32) -> (i32, i32, i32) {
    %c0_i32 = arith.constant 0 : i32
    %c0_i32_0 = arith.constant 0 : i32
    %c0_i32_1 = arith.constant 0 : i32
    return %arg0, %c0_i32, %c0_i32_0 : i32, i32, i32
  }
  func.func @transform_2(%arg0: i32) -> (i32, i32, i32) {
    %c0_i32 = arith.constant 0 : i32
    %c0_i32_0 = arith.constant 0 : i32
    %c0_i32_1 = arith.constant 0 : i32
    return %arg0, %c0_i32, %c0_i32_0 : i32, i32, i32
  }
  func.func @transform_3(%arg0: i32) -> (i32, i32, i32) {
    %c0_i32 = arith.constant 0 : i32
    %c0_i32_0 = arith.constant 0 : i32
    %c0_i32_1 = arith.constant 0 : i32
    return %arg0, %c0_i32, %c0_i32_0 : i32, i32, i32
  }
  func.func @transform_4(%arg0: i32) -> (i32, i32, i32) {
    %c0_i32 = arith.constant 0 : i32
    %c0_i32_0 = arith.constant 0 : i32
    %c0_i32_1 = arith.constant 0 : i32
    return %arg0, %c0_i32, %c0_i32_0 : i32, i32, i32
  }
  func.func @transform_5(%arg0: i32) -> (i32, i32, i32) {
    %c0_i32 = arith.constant 0 : i32
    %c0_i32_0 = arith.constant 0 : i32
    %c0_i32_1 = arith.constant 0 : i32
    return %arg0, %c0_i32, %c0_i32_0 : i32, i32, i32
  }
}

module attributes {stable_mosaic.version = 14 : i64} {
  func.func @_nms_body(%arg0: i32, %arg1: memref<1x1x10240xf32, #tpu.memory_space<vmem>>, %arg2: memref<1x1x10240xf32, #tpu.memory_space<vmem>>, %arg3: memref<1x1x10240xf32, #tpu.memory_space<vmem>>, %arg4: memref<1x1x10240xf32, #tpu.memory_space<vmem>>, %arg5: memref<1x1x10240xf32, #tpu.memory_space<vmem>>, %arg6: memref<1x1x10240xf32, #tpu.memory_space<vmem>>, %arg7: memref<10240x6xf32, #tpu.memory_space<vmem>>, %arg8: memref<2xi32, #tpu.memory_space<smem>>) attributes {dimension_semantics = [#tpu.dimension_semantics<arbitrary>], iteration_bounds = array<i64: 4>, scalar_prefetch = 0 : i64, scratch_operands = 2 : i64, tpu.core_type = #tpu.core_type<tc>, window_params = [{transform_indices = @transform_0, window_bounds = array<i64: 1, 1, 10240>}, {transform_indices = @transform_1, window_bounds = array<i64: 1, 1, 10240>}, {transform_indices = @transform_2, window_bounds = array<i64: 1, 1, 10240>}, {transform_indices = @transform_3, window_bounds = array<i64: 1, 1, 10240>}, {transform_indices = @transform_4, window_bounds = array<i64: 1, 1, 10240>}, {transform_indices = @transform_5, window_bounds = array<i64: 1, 1, 10240>}]} {
    %broadcast_in_dim3A = arith.constant 0.000000e+00 : f32
    %broadcast_in_dim3A_0 = vector.broadcast %broadcast_in_dim3A : f32 to vector<1x10240xf32>
    %swap3A = arith.constant 0 : index
    %swap3A_1 = arith.constant 0 : index
    %swap3A_2 = arith.constant 0 : index
    %swap3A_3 = vector.load %arg6[%swap3A, %swap3A_1, %swap3A_2] : memref<1x1x10240xf32, #tpu.memory_space<vmem>>, vector<1x1x10240xf32>
    %swap3A_4 = vector.shape_cast %swap3A_3 : vector<1x1x10240xf32> to vector<1x10240xf32>
    %swap3A_5 = vector.shape_cast %broadcast_in_dim3A_0 : vector<1x10240xf32> to vector<1x1x10240xf32>
    tpu.vector_store %arg6[%swap3A, %swap3A_1, %swap3A_2], %swap3A_5 {strides = array<i32>} : memref<1x1x10240xf32, #tpu.memory_space<vmem>>, vector<1x1x10240xf32>,
    %swap3A_6 = arith.constant 0 : i32
    %swap3A_7 = arith.constant 0 : index
    %swap3A_8 = memref.load %arg8[%swap3A_7] : memref<2xi32, #tpu.memory_space<smem>>
    memref.store %swap3A_6, %arg8[%swap3A_7] : memref<2xi32, #tpu.memory_space<smem>>
    %swap3A_9 = arith.constant 0 : i32
    %swap3A_10 = arith.constant 1 : index
    %swap3A_11 = memref.load %arg8[%swap3A_10] : memref<2xi32, #tpu.memory_space<smem>>
    memref.store %swap3A_9, %arg8[%swap3A_10] : memref<2xi32, #tpu.memory_space<smem>>
    %iota3A = tpu.iota {dimensions = array<i32: 1>} : vector<1x256xi32>
    %iota3A_12 = tpu.iota {dimensions = array<i32: 0>} : vector<256x256xi32>
    %iota3A_13 = tpu.iota {dimensions = array<i32: 1>} : vector<256x256xi32>
    %eq3A = arith.cmpi eq, %iota3A_12, %iota3A_13 : vector<256x256xi32>
    %lt3A = arith.cmpi slt, %iota3A_12, %iota3A_13 : vector<256x256xi32>
    %scan3A = arith.constant 0 : i32
    %scan3A_14 = arith.constant 0 : i32
    %scan3A_15 = arith.constant 0 : i32
    %scan3A_16 = arith.constant 0 : i32
    %scan3A_17 = arith.constant 0 : i32
    %scan3A_18 = arith.constant 0 : i32
    %scan3A_19 = arith.constant 0 : i32
    %scan3A_20 = arith.constant 40 : i32
    %scan3A_21 = arith.addi %scan3A_19, %scan3A_20 : i32
    %scan3A_22 = arith.constant 1 : i32
    scf.for %scan3A_24 = %scan3A_19 to %scan3A_21 step %scan3A_22  : i32 {
      %get3A = arith.constant 0 : index
      %get3A_25 = memref.load %arg8[%get3A] : memref<2xi32, #tpu.memory_space<smem>>
      %lt3A_26 = arith.constant 300 : i32
      %lt3A_27 = arith.cmpi slt, %get3A_25, %lt3A_26 : i32
      %convert_element_type3A = arith.extui %lt3A_27 : i1 to i32
      %cond3A = arith.constant 0 : i32
      %cond3A_28 = arith.cmpi ne, %convert_element_type3A, %cond3A : i32
      scf.if %cond3A_28 {
        %mul3A = arith.constant 256 : i32
        %mul3A_29 = arith.muli %scan3A_24, %mul3A : i32
        %multiple_of3A = tpu.assume_multiple %mul3A_29, 256 : i32
        %get3A_30 = arith.constant 0 : i32
        %get3A_31 = arith.constant 0 : i32
        %get3A_32 = tpu.memref_slice %arg1[%scan3A, %get3A_30, %get3A_31] : memref<1x1x10240xf32, #tpu.memory_space<vmem>> -> memref<1x1x10240xf32, #tpu.memory_space<vmem>>
        %get3A_33 = tpu.memref_squeeze %get3A_32 : memref<1x1x10240xf32, #tpu.memory_space<vmem>> -> memref<1x10240xf32, #tpu.memory_space<vmem>>
        %get3A_34 = arith.constant 0 : index
        %get3A_35 = arith.index_cast %multiple_of3A : i32 to index
        %get3A_36 = vector.load %get3A_33[%get3A_34, %get3A_35] : memref<1x10240xf32, #tpu.memory_space<vmem>>, vector<1x256xf32>
        %get3A_37 = arith.constant 0 : i32
        %get3A_38 = arith.constant 0 : i32
        %get3A_39 = tpu.memref_slice %arg2[%scan3A_14, %get3A_37, %get3A_38] : memref<1x1x10240xf32, #tpu.memory_space<vmem>> -> memref<1x1x10240xf32, #tpu.memory_space<vmem>>
        %get3A_40 = tpu.memref_squeeze %get3A_39 : memref<1x1x10240xf32, #tpu.memory_space<vmem>> -> memref<1x10240xf32, #tpu.memory_space<vmem>>
        %get3A_41 = arith.constant 0 : index
        %get3A_42 = arith.index_cast %multiple_of3A : i32 to index
        %get3A_43 = vector.load %get3A_40[%get3A_41, %get3A_42] : memref<1x10240xf32, #tpu.memory_space<vmem>>, vector<1x256xf32>
        %get3A_44 = arith.constant 0 : i32
        %get3A_45 = arith.constant 0 : i32
        %get3A_46 = tpu.memref_slice %arg3[%scan3A_15, %get3A_44, %get3A_45] : memref<1x1x10240xf32, #tpu.memory_space<vmem>> -> memref<1x1x10240xf32, #tpu.memory_space<vmem>>
        %get3A_47 = tpu.memref_squeeze %get3A_46 : memref<1x1x10240xf32, #tpu.memory_space<vmem>> -> memref<1x10240xf32, #tpu.memory_space<vmem>>
        %get3A_48 = arith.constant 0 : index
        %get3A_49 = arith.index_cast %multiple_of3A : i32 to index
        %get3A_50 = vector.load %get3A_47[%get3A_48, %get3A_49] : memref<1x10240xf32, #tpu.memory_space<vmem>>, vector<1x256xf32>
        %get3A_51 = arith.constant 0 : i32
        %get3A_52 = arith.constant 0 : i32
        %get3A_53 = tpu.memref_slice %arg4[%scan3A_16, %get3A_51, %get3A_52] : memref<1x1x10240xf32, #tpu.memory_space<vmem>> -> memref<1x1x10240xf32, #tpu.memory_space<vmem>>
        %get3A_54 = tpu.memref_squeeze %get3A_53 : memref<1x1x10240xf32, #tpu.memory_space<vmem>> -> memref<1x10240xf32, #tpu.memory_space<vmem>>
        %get3A_55 = arith.constant 0 : index
        %get3A_56 = arith.index_cast %multiple_of3A : i32 to index
        %get3A_57 = vector.load %get3A_54[%get3A_55, %get3A_56] : memref<1x10240xf32, #tpu.memory_space<vmem>>, vector<1x256xf32>
        %get3A_58 = arith.constant 0 : i32
        %get3A_59 = arith.constant 0 : i32
        %get3A_60 = tpu.memref_slice %arg5[%scan3A_17, %get3A_58, %get3A_59] : memref<1x1x10240xf32, #tpu.memory_space<vmem>> -> memref<1x1x10240xf32, #tpu.memory_space<vmem>>
        %get3A_61 = tpu.memref_squeeze %get3A_60 : memref<1x1x10240xf32, #tpu.memory_space<vmem>> -> memref<1x10240xf32, #tpu.memory_space<vmem>>
        %get3A_62 = arith.constant 0 : index
        %get3A_63 = arith.index_cast %multiple_of3A : i32 to index
        %get3A_64 = vector.load %get3A_61[%get3A_62, %get3A_63] : memref<1x10240xf32, #tpu.memory_space<vmem>>, vector<1x256xf32>
        "tpu.region"() ({
          %run_scoped3A = memref.alloca() : memref<1x256xf32, #tpu.memory_space<vmem>>
          %broadcast_in_dim3A_65 = arith.constant 0.000000e+00 : f32
          %broadcast_in_dim3A_66 = vector.broadcast %broadcast_in_dim3A_65 : f32 to vector<1x256xf32>
          %swap3A_67 = arith.constant 0 : index
          %swap3A_68 = arith.constant 0 : index
          %swap3A_69 = vector.load %run_scoped3A[%swap3A_67, %swap3A_68] : memref<1x256xf32, #tpu.memory_space<vmem>>, vector<1x256xf32>
          tpu.vector_store %run_scoped3A[%swap3A_67, %swap3A_68], %broadcast_in_dim3A_66 {strides = array<i32>} : memref<1x256xf32, #tpu.memory_space<vmem>>, vector<1x256xf32>,
          %scan3A_70 = arith.constant 0 : i32
          %scan3A_71 = arith.constant 0 : i32
          %scan3A_72 = arith.constant 40 : i32
          %scan3A_73 = arith.addi %scan3A_71, %scan3A_72 : i32
          %scan3A_74 = arith.constant 1 : i32
          scf.for %scan3A_215 = %scan3A_71 to %scan3A_73 step %scan3A_74  : i32 {
            %lt3A_216 = arith.cmpi slt, %scan3A_215, %scan3A_24 : i32
            %convert_element_type3A_217 = arith.extui %lt3A_216 : i1 to i32
            %cond3A_218 = arith.constant 0 : i32
            %cond3A_219 = arith.cmpi ne, %convert_element_type3A_217, %cond3A_218 : i32
            scf.if %cond3A_219 {
              %mul3A_220 = arith.constant 256 : i32
              %mul3A_221 = arith.muli %scan3A_215, %mul3A_220 : i32
              %multiple_of3A_222 = tpu.assume_multiple %mul3A_221, 256 : i32
              %get3A_223 = arith.index_cast %multiple_of3A_222 : i32 to index
              %get3A_224 = arith.constant 0 : index
              %get3A_225 = vector.load %arg7[%get3A_223, %get3A_224] : memref<10240x6xf32, #tpu.memory_space<vmem>>, vector<256x1xf32>
              %get3A_226 = arith.index_cast %multiple_of3A_222 : i32 to index
              %get3A_227 = arith.constant 1 : index
              %get3A_228 = vector.load %arg7[%get3A_226, %get3A_227] : memref<10240x6xf32, #tpu.memory_space<vmem>>, vector<256x1xf32>
              %get3A_229 = arith.index_cast %multiple_of3A_222 : i32 to index
              %get3A_230 = arith.constant 2 : index
              %get3A_231 = vector.load %arg7[%get3A_229, %get3A_230] : memref<10240x6xf32, #tpu.memory_space<vmem>>, vector<256x1xf32>
              %get3A_232 = arith.index_cast %multiple_of3A_222 : i32 to index
              %get3A_233 = arith.constant 3 : index
              %get3A_234 = vector.load %arg7[%get3A_232, %get3A_233] : memref<10240x6xf32, #tpu.memory_space<vmem>>, vector<256x1xf32>
              %get3A_235 = arith.index_cast %multiple_of3A_222 : i32 to index
              %get3A_236 = arith.constant 4 : index
              %get3A_237 = vector.load %arg7[%get3A_235, %get3A_236] : memref<10240x6xf32, #tpu.memory_space<vmem>>, vector<256x1xf32>
              %get3A_238 = arith.index_cast %multiple_of3A_222 : i32 to index
              %get3A_239 = arith.constant 5 : index
              %get3A_240 = vector.load %arg7[%get3A_238, %get3A_239] : memref<10240x6xf32, #tpu.memory_space<vmem>>, vector<256x1xf32>
              %min3A_241 = vector.broadcast %get3A_231 : vector<256x1xf32> to vector<256x256xf32>
              %min3A_242 = vector.broadcast %get3A_50 : vector<1x256xf32> to vector<256x256xf32>
              %min3A_243 = arith.minimumf %min3A_241, %min3A_242 : vector<256x256xf32>
              %max3A_244 = vector.broadcast %get3A_225 : vector<256x1xf32> to vector<256x256xf32>
              %max3A_245 = vector.broadcast %get3A_36 : vector<1x256xf32> to vector<256x256xf32>
              %max3A_246 = arith.maximumf %max3A_244, %max3A_245 : vector<256x256xf32>
              %sub3A_247 = arith.subf %min3A_243, %max3A_246 : vector<256x256xf32>
              %max3A_248 = arith.constant 0.000000e+00 : f32
              %max3A_249 = vector.broadcast %max3A_248 : f32 to vector<256x256xf32>
              %max3A_250 = arith.maximumf %sub3A_247, %max3A_249 : vector<256x256xf32>
              %min3A_251 = vector.broadcast %get3A_234 : vector<256x1xf32> to vector<256x256xf32>
              %min3A_252 = vector.broadcast %get3A_57 : vector<1x256xf32> to vector<256x256xf32>
              %min3A_253 = arith.minimumf %min3A_251, %min3A_252 : vector<256x256xf32>
              %max3A_254 = vector.broadcast %get3A_228 : vector<256x1xf32> to vector<256x256xf32>
              %max3A_255 = vector.broadcast %get3A_43 : vector<1x256xf32> to vector<256x256xf32>
              %max3A_256 = arith.maximumf %max3A_254, %max3A_255 : vector<256x256xf32>
              %sub3A_257 = arith.subf %min3A_253, %max3A_256 : vector<256x256xf32>
              %max3A_258 = arith.constant 0.000000e+00 : f32
              %max3A_259 = vector.broadcast %max3A_258 : f32 to vector<256x256xf32>
              %max3A_260 = arith.maximumf %sub3A_257, %max3A_259 : vector<256x256xf32>
              %mul3A_261 = arith.mulf %max3A_250, %max3A_260 : vector<256x256xf32>
              %add3A_262 = vector.broadcast %get3A_237 : vector<256x1xf32> to vector<256x256xf32>
              %add3A_263 = vector.broadcast %get3A_64 : vector<1x256xf32> to vector<256x256xf32>
              %add3A_264 = arith.addf %add3A_262, %add3A_263 : vector<256x256xf32>
              %sub3A_265 = arith.subf %add3A_264, %mul3A_261 : vector<256x256xf32>
              %add3A_266 = arith.constant 9.99999971E-10 : f32
              %add3A_267 = vector.broadcast %add3A_266 : f32 to vector<256x256xf32>
              %add3A_268 = arith.addf %sub3A_265, %add3A_267 : vector<256x256xf32>
              %div3A_269 = arith.divf %mul3A_261, %add3A_268 : vector<256x256xf32>
              %gt3A_270 = arith.constant 0.699999988 : f32
              %gt3A_271 = vector.broadcast %gt3A_270 : f32 to vector<256x256xf32>
              %gt3A_272 = arith.cmpf ogt, %div3A_269, %gt3A_271 : vector<256x256xf32>
              %gt3A_273 = arith.constant 5.000000e-01 : f32
              %gt3A_274 = vector.broadcast %gt3A_273 : f32 to vector<256x1xf32>
              %gt3A_275 = arith.cmpf ogt, %get3A_240, %gt3A_274 : vector<256x1xf32>
              %and3A_276 = vector.broadcast %gt3A_275 : vector<256x1xi1> to vector<256x256xi1>
              %and3A_277 = arith.andi %gt3A_272, %and3A_276 : vector<256x256xi1>
              %jit3A_278 = arith.constant 1.000000e+00 : f32
              %jit3A_279 = arith.constant 0.000000e+00 : f32
              %broadcast_in_dim3A_280 = vector.broadcast %jit3A_278 : f32 to vector<256x256xf32>
              %broadcast_in_dim3A_281 = vector.broadcast %jit3A_279 : f32 to vector<256x256xf32>
              %select_n3A_282 = arith.select %and3A_277, %broadcast_in_dim3A_280, %broadcast_in_dim3A_281 : vector<256x256xi1>, vector<256x256xf32>
              %get3A_283 = arith.constant 0 : index
              %get3A_284 = arith.constant 0 : index
              %get3A_285 = vector.load %run_scoped3A[%get3A_283, %get3A_284] : memref<1x256xf32, #tpu.memory_space<vmem>>, vector<1x256xf32>
              %reduce_max3A = arith.constant dense<0xFF800000> : vector<256xf32>
              %reduce_max3A_286 = vector.multi_reduction <maximumf>, %select_n3A_282, %reduce_max3A [0] : vector<256x256xf32> to vector<256xf32>
              %broadcast_in_dim3A_287 = vector.shape_cast %reduce_max3A_286 : vector<256xf32> to vector<1x256xf32>
              %max3A_288 = arith.maximumf %get3A_285, %broadcast_in_dim3A_287 : vector<1x256xf32>
              %swap3A_289 = arith.constant 0 : index
              %swap3A_290 = arith.constant 0 : index
              %swap3A_291 = vector.load %run_scoped3A[%swap3A_289, %swap3A_290] : memref<1x256xf32, #tpu.memory_space<vmem>>, vector<1x256xf32>
              tpu.vector_store %run_scoped3A[%swap3A_289, %swap3A_290], %max3A_288 {strides = array<i32>} : memref<1x256xf32, #tpu.memory_space<vmem>>, vector<1x256xf32>,
            } else {
            }
          }
          %scan3A_75 = arith.constant 40 : i32
          %get3A_76 = arith.constant 0 : index
          %get3A_77 = arith.constant 0 : index
          %get3A_78 = vector.load %run_scoped3A[%get3A_76, %get3A_77] : memref<1x256xf32, #tpu.memory_space<vmem>>, vector<1x256xf32>
          %add3A = vector.broadcast %multiple_of3A : i32 to vector<1x256xi32>
          %add3A_79 = arith.addi %add3A, %iota3A : vector<1x256xi32>
          %lt3A_80 = arith.constant 5.000000e-01 : f32
          %lt3A_81 = vector.broadcast %lt3A_80 : f32 to vector<1x256xf32>
          %lt3A_82 = arith.cmpf olt, %get3A_78, %lt3A_81 : vector<1x256xf32>
          %lt3A_83 = arith.constant 10000 : i32
          %lt3A_84 = vector.broadcast %lt3A_83 : i32 to vector<1x256xi32>
          %lt3A_85 = arith.cmpi slt, %add3A_79, %lt3A_84 : vector<1x256xi32>
          %and3A = arith.andi %lt3A_82, %lt3A_85 : vector<1x256xi1>
          %jit3A = arith.constant 1.000000e+00 : f32
          %jit3A_86 = arith.constant 0.000000e+00 : f32
          %broadcast_in_dim3A_87 = vector.broadcast %jit3A : f32 to vector<1x256xf32>
          %broadcast_in_dim3A_88 = vector.broadcast %jit3A_86 : f32 to vector<1x256xf32>
          %select_n3A = arith.select %and3A, %broadcast_in_dim3A_87, %broadcast_in_dim3A_88 : vector<1x256xi1>, vector<1x256xf32>
          %jit3A_89 = arith.constant 0.000000e+00 : f32
          %broadcast_in_dim3A_90 = vector.shape_cast %get3A_36 : vector<1x256xf32> to vector<1x256xf32>
          %broadcast_in_dim3A_91 = vector.broadcast %broadcast_in_dim3A_90 : vector<1x256xf32> to vector<256x256xf32>
          %broadcast_in_dim3A_92 = vector.broadcast %jit3A_89 : f32 to vector<256x256xf32>
          %select_n3A_93 = arith.select %eq3A, %broadcast_in_dim3A_91, %broadcast_in_dim3A_92 : vector<256x256xi1>, vector<256x256xf32>
          %reduce_sum3A = arith.constant dense<0.000000e+00> : vector<256xf32>
          %reduce_sum3A_94 = vector.multi_reduction <add>, %select_n3A_93, %reduce_sum3A [1] : vector<256x256xf32> to vector<256xf32>
          %broadcast_in_dim3A_95 = vector.shape_cast %reduce_sum3A_94 : vector<256xf32> to vector<256x1xf32>
          %jit3A_96 = arith.constant 0.000000e+00 : f32
          %broadcast_in_dim3A_97 = vector.shape_cast %get3A_43 : vector<1x256xf32> to vector<1x256xf32>
          %broadcast_in_dim3A_98 = vector.broadcast %broadcast_in_dim3A_97 : vector<1x256xf32> to vector<256x256xf32>
          %broadcast_in_dim3A_99 = vector.broadcast %jit3A_96 : f32 to vector<256x256xf32>
          %select_n3A_100 = arith.select %eq3A, %broadcast_in_dim3A_98, %broadcast_in_dim3A_99 : vector<256x256xi1>, vector<256x256xf32>
          %reduce_sum3A_101 = arith.constant dense<0.000000e+00> : vector<256xf32>
          %reduce_sum3A_102 = vector.multi_reduction <add>, %select_n3A_100, %reduce_sum3A_101 [1] : vector<256x256xf32> to vector<256xf32>
          %broadcast_in_dim3A_103 = vector.shape_cast %reduce_sum3A_102 : vector<256xf32> to vector<256x1xf32>
          %jit3A_104 = arith.constant 0.000000e+00 : f32
          %broadcast_in_dim3A_105 = vector.shape_cast %get3A_50 : vector<1x256xf32> to vector<1x256xf32>
          %broadcast_in_dim3A_106 = vector.broadcast %broadcast_in_dim3A_105 : vector<1x256xf32> to vector<256x256xf32>
          %broadcast_in_dim3A_107 = vector.broadcast %jit3A_104 : f32 to vector<256x256xf32>
          %select_n3A_108 = arith.select %eq3A, %broadcast_in_dim3A_106, %broadcast_in_dim3A_107 : vector<256x256xi1>, vector<256x256xf32>
          %reduce_sum3A_109 = arith.constant dense<0.000000e+00> : vector<256xf32>
          %reduce_sum3A_110 = vector.multi_reduction <add>, %select_n3A_108, %reduce_sum3A_109 [1] : vector<256x256xf32> to vector<256xf32>
          %broadcast_in_dim3A_111 = vector.shape_cast %reduce_sum3A_110 : vector<256xf32> to vector<256x1xf32>
          %jit3A_112 = arith.constant 0.000000e+00 : f32
          %broadcast_in_dim3A_113 = vector.shape_cast %get3A_57 : vector<1x256xf32> to vector<1x256xf32>
          %broadcast_in_dim3A_114 = vector.broadcast %broadcast_in_dim3A_113 : vector<1x256xf32> to vector<256x256xf32>
          %broadcast_in_dim3A_115 = vector.broadcast %jit3A_112 : f32 to vector<256x256xf32>
          %select_n3A_116 = arith.select %eq3A, %broadcast_in_dim3A_114, %broadcast_in_dim3A_115 : vector<256x256xi1>, vector<256x256xf32>
          %reduce_sum3A_117 = arith.constant dense<0.000000e+00> : vector<256xf32>
          %reduce_sum3A_118 = vector.multi_reduction <add>, %select_n3A_116, %reduce_sum3A_117 [1] : vector<256x256xf32> to vector<256xf32>
          %broadcast_in_dim3A_119 = vector.shape_cast %reduce_sum3A_118 : vector<256xf32> to vector<256x1xf32>
          %jit3A_120 = arith.constant 0.000000e+00 : f32
          %broadcast_in_dim3A_121 = vector.shape_cast %get3A_64 : vector<1x256xf32> to vector<1x256xf32>
          %broadcast_in_dim3A_122 = vector.broadcast %broadcast_in_dim3A_121 : vector<1x256xf32> to vector<256x256xf32>
          %broadcast_in_dim3A_123 = vector.broadcast %jit3A_120 : f32 to vector<256x256xf32>
          %select_n3A_124 = arith.select %eq3A, %broadcast_in_dim3A_122, %broadcast_in_dim3A_123 : vector<256x256xi1>, vector<256x256xf32>
          %reduce_sum3A_125 = arith.constant dense<0.000000e+00> : vector<256xf32>
          %reduce_sum3A_126 = vector.multi_reduction <add>, %select_n3A_124, %reduce_sum3A_125 [1] : vector<256x256xf32> to vector<256xf32>
          %broadcast_in_dim3A_127 = vector.shape_cast %reduce_sum3A_126 : vector<256xf32> to vector<256x1xf32>
          %swap3A_128 = arith.index_cast %multiple_of3A : i32 to index
          %swap3A_129 = arith.constant 0 : index
          %swap3A_130 = vector.load %arg7[%swap3A_128, %swap3A_129] : memref<10240x6xf32, #tpu.memory_space<vmem>>, vector<256x1xf32>
          tpu.vector_store %arg7[%swap3A_128, %swap3A_129], %broadcast_in_dim3A_95 {strides = array<i32>} : memref<10240x6xf32, #tpu.memory_space<vmem>>, vector<256x1xf32>,
          %swap3A_131 = arith.index_cast %multiple_of3A : i32 to index
          %swap3A_132 = arith.constant 1 : index
          %swap3A_133 = vector.load %arg7[%swap3A_131, %swap3A_132] : memref<10240x6xf32, #tpu.memory_space<vmem>>, vector<256x1xf32>
          tpu.vector_store %arg7[%swap3A_131, %swap3A_132], %broadcast_in_dim3A_103 {strides = array<i32>} : memref<10240x6xf32, #tpu.memory_space<vmem>>, vector<256x1xf32>,
          %swap3A_134 = arith.index_cast %multiple_of3A : i32 to index
          %swap3A_135 = arith.constant 2 : index
          %swap3A_136 = vector.load %arg7[%swap3A_134, %swap3A_135] : memref<10240x6xf32, #tpu.memory_space<vmem>>, vector<256x1xf32>
          tpu.vector_store %arg7[%swap3A_134, %swap3A_135], %broadcast_in_dim3A_111 {strides = array<i32>} : memref<10240x6xf32, #tpu.memory_space<vmem>>, vector<256x1xf32>,
          %swap3A_137 = arith.index_cast %multiple_of3A : i32 to index
          %swap3A_138 = arith.constant 3 : index
          %swap3A_139 = vector.load %arg7[%swap3A_137, %swap3A_138] : memref<10240x6xf32, #tpu.memory_space<vmem>>, vector<256x1xf32>
          tpu.vector_store %arg7[%swap3A_137, %swap3A_138], %broadcast_in_dim3A_119 {strides = array<i32>} : memref<10240x6xf32, #tpu.memory_space<vmem>>, vector<256x1xf32>,
          %swap3A_140 = arith.index_cast %multiple_of3A : i32 to index
          %swap3A_141 = arith.constant 4 : index
          %swap3A_142 = vector.load %arg7[%swap3A_140, %swap3A_141] : memref<10240x6xf32, #tpu.memory_space<vmem>>, vector<256x1xf32>
          tpu.vector_store %arg7[%swap3A_140, %swap3A_141], %broadcast_in_dim3A_127 {strides = array<i32>} : memref<10240x6xf32, #tpu.memory_space<vmem>>, vector<256x1xf32>,
          %min3A = vector.broadcast %broadcast_in_dim3A_111 : vector<256x1xf32> to vector<256x256xf32>
          %min3A_143 = vector.broadcast %get3A_50 : vector<1x256xf32> to vector<256x256xf32>
          %min3A_144 = arith.minimumf %min3A, %min3A_143 : vector<256x256xf32>
          %max3A = vector.broadcast %broadcast_in_dim3A_95 : vector<256x1xf32> to vector<256x256xf32>
          %max3A_145 = vector.broadcast %get3A_36 : vector<1x256xf32> to vector<256x256xf32>
          %max3A_146 = arith.maximumf %max3A, %max3A_145 : vector<256x256xf32>
          %sub3A = arith.subf %min3A_144, %max3A_146 : vector<256x256xf32>
          %max3A_147 = arith.constant 0.000000e+00 : f32
          %max3A_148 = vector.broadcast %max3A_147 : f32 to vector<256x256xf32>
          %max3A_149 = arith.maximumf %sub3A, %max3A_148 : vector<256x256xf32>
          %min3A_150 = vector.broadcast %broadcast_in_dim3A_119 : vector<256x1xf32> to vector<256x256xf32>
          %min3A_151 = vector.broadcast %get3A_57 : vector<1x256xf32> to vector<256x256xf32>
          %min3A_152 = arith.minimumf %min3A_150, %min3A_151 : vector<256x256xf32>
          %max3A_153 = vector.broadcast %broadcast_in_dim3A_103 : vector<256x1xf32> to vector<256x256xf32>
          %max3A_154 = vector.broadcast %get3A_43 : vector<1x256xf32> to vector<256x256xf32>
          %max3A_155 = arith.maximumf %max3A_153, %max3A_154 : vector<256x256xf32>
          %sub3A_156 = arith.subf %min3A_152, %max3A_155 : vector<256x256xf32>
          %max3A_157 = arith.constant 0.000000e+00 : f32
          %max3A_158 = vector.broadcast %max3A_157 : f32 to vector<256x256xf32>
          %max3A_159 = arith.maximumf %sub3A_156, %max3A_158 : vector<256x256xf32>
          %mul3A_160 = arith.mulf %max3A_149, %max3A_159 : vector<256x256xf32>
          %add3A_161 = vector.broadcast %broadcast_in_dim3A_127 : vector<256x1xf32> to vector<256x256xf32>
          %add3A_162 = vector.broadcast %get3A_64 : vector<1x256xf32> to vector<256x256xf32>
          %add3A_163 = arith.addf %add3A_161, %add3A_162 : vector<256x256xf32>
          %sub3A_164 = arith.subf %add3A_163, %mul3A_160 : vector<256x256xf32>
          %add3A_165 = arith.constant 9.99999971E-10 : f32
          %add3A_166 = vector.broadcast %add3A_165 : f32 to vector<256x256xf32>
          %add3A_167 = arith.addf %sub3A_164, %add3A_166 : vector<256x256xf32>
          %div3A = arith.divf %mul3A_160, %add3A_167 : vector<256x256xf32>
          %gt3A = arith.constant 0.699999988 : f32
          %gt3A_168 = vector.broadcast %gt3A : f32 to vector<256x256xf32>
          %gt3A_169 = arith.cmpf ogt, %div3A, %gt3A_168 : vector<256x256xf32>
          %and3A_170 = arith.andi %gt3A_169, %lt3A : vector<256x256xi1>
          %swap3A_171 = arith.constant 0 : index
          %swap3A_172 = arith.constant 0 : index
          %swap3A_173 = vector.load %run_scoped3A[%swap3A_171, %swap3A_172] : memref<1x256xf32, #tpu.memory_space<vmem>>, vector<1x256xf32>
          tpu.vector_store %run_scoped3A[%swap3A_171, %swap3A_172], %select_n3A {strides = array<i32>} : memref<1x256xf32, #tpu.memory_space<vmem>>, vector<1x256xf32>,
          %swap3A_174 = arith.constant 0 : i32
          %swap3A_175 = arith.constant 1 : index
          %swap3A_176 = memref.load %arg8[%swap3A_175] : memref<2xi32, #tpu.memory_space<smem>>
          memref.store %swap3A_174, %arg8[%swap3A_175] : memref<2xi32, #tpu.memory_space<smem>>
          %scan3A_177 = arith.constant 0 : i32
          %scan3A_178 = arith.constant 0 : i32
          %scan3A_179 = arith.constant 256 : i32
          %scan3A_180 = arith.addi %scan3A_178, %scan3A_179 : i32
          %scan3A_181 = arith.constant 1 : i32
          scf.for %scan3A_215 = %scan3A_178 to %scan3A_180 step %scan3A_181  : i32 {
            %get3A_216 = arith.constant 1 : index
            %get3A_217 = memref.load %arg8[%get3A_216] : memref<2xi32, #tpu.memory_space<smem>>
            %eq3A_218 = arith.constant 0 : i32
            %eq3A_219 = arith.cmpi eq, %get3A_217, %eq3A_218 : i32
            %convert_element_type3A_220 = arith.extui %eq3A_219 : i1 to i32
            %cond3A_221 = arith.constant 0 : i32
            %cond3A_222 = arith.cmpi ne, %convert_element_type3A_220, %cond3A_221 : i32
            scf.if %cond3A_222 {
              %get3A_223 = arith.constant 0 : index
              %get3A_224 = arith.constant 0 : index
              %get3A_225 = vector.load %run_scoped3A[%get3A_223, %get3A_224] : memref<1x256xf32, #tpu.memory_space<vmem>>, vector<1x256xf32>
              %jit3A_226 = arith.constant 0.000000e+00 : f32
              %broadcast_in_dim3A_227 = vector.shape_cast %get3A_225 : vector<1x256xf32> to vector<1x256xf32>
              %broadcast_in_dim3A_228 = vector.broadcast %broadcast_in_dim3A_227 : vector<1x256xf32> to vector<256x256xf32>
              %broadcast_in_dim3A_229 = vector.broadcast %jit3A_226 : f32 to vector<256x256xf32>
              %select_n3A_230 = arith.select %eq3A, %broadcast_in_dim3A_228, %broadcast_in_dim3A_229 : vector<256x256xi1>, vector<256x256xf32>
              %reduce_sum3A_231 = arith.constant dense<0.000000e+00> : vector<256xf32>
              %reduce_sum3A_232 = vector.multi_reduction <add>, %select_n3A_230, %reduce_sum3A_231 [1] : vector<256x256xf32> to vector<256xf32>
              %broadcast_in_dim3A_233 = vector.shape_cast %reduce_sum3A_232 : vector<256xf32> to vector<256x1xf32>
              %gt3A_234 = arith.constant 5.000000e-01 : f32
              %gt3A_235 = vector.broadcast %gt3A_234 : f32 to vector<256x1xf32>
              %gt3A_236 = arith.cmpf ogt, %broadcast_in_dim3A_233, %gt3A_235 : vector<256x1xf32>
              %and3A_237 = vector.broadcast %gt3A_236 : vector<256x1xi1> to vector<256x256xi1>
              %and3A_238 = arith.andi %and3A_170, %and3A_237 : vector<256x256xi1>
              %jit3A_239 = arith.constant 1.000000e+00 : f32
              %jit3A_240 = arith.constant 0.000000e+00 : f32
              %broadcast_in_dim3A_241 = vector.broadcast %jit3A_239 : f32 to vector<256x256xf32>
              %broadcast_in_dim3A_242 = vector.broadcast %jit3A_240 : f32 to vector<256x256xf32>
              %select_n3A_243 = arith.select %and3A_238, %broadcast_in_dim3A_241, %broadcast_in_dim3A_242 : vector<256x256xi1>, vector<256x256xf32>
              %reduce_max3A = arith.constant dense<0xFF800000> : vector<256xf32>
              %reduce_max3A_244 = vector.multi_reduction <maximumf>, %select_n3A_243, %reduce_max3A [0] : vector<256x256xf32> to vector<256xf32>
              %broadcast_in_dim3A_245 = vector.shape_cast %reduce_max3A_244 : vector<256xf32> to vector<1x256xf32>
              %lt3A_246 = arith.constant 5.000000e-01 : f32
              %lt3A_247 = vector.broadcast %lt3A_246 : f32 to vector<1x256xf32>
              %lt3A_248 = arith.cmpf olt, %broadcast_in_dim3A_245, %lt3A_247 : vector<1x256xf32>
              %jit3A_249 = arith.constant 0.000000e+00 : f32
              %broadcast_in_dim3A_250 = vector.broadcast %jit3A_249 : f32 to vector<1x256xf32>
              %select_n3A_251 = arith.select %lt3A_248, %select_n3A, %broadcast_in_dim3A_250 : vector<1x256xi1>, vector<1x256xf32>
              %swap3A_252 = arith.constant 0 : index
              %swap3A_253 = arith.constant 0 : index
              %swap3A_254 = vector.load %run_scoped3A[%swap3A_252, %swap3A_253] : memref<1x256xf32, #tpu.memory_space<vmem>>, vector<1x256xf32>
              tpu.vector_store %run_scoped3A[%swap3A_252, %swap3A_253], %select_n3A_251 {strides = array<i32>} : memref<1x256xf32, #tpu.memory_space<vmem>>, vector<1x256xf32>,
              %sub3A_255 = arith.subf %select_n3A_251, %get3A_225 : vector<1x256xf32>
              %abs3A = math.absf %sub3A_255 : vector<1x256xf32>
              %reduce_sum3A_256 = vector.shape_cast %abs3A : vector<1x256xf32> to vector<1x1x256xf32>
              %reduce_sum3A_257 = arith.constant dense<0.000000e+00> : vector<1xf32>
              %reduce_sum3A_258 = vector.multi_reduction <add>, %reduce_sum3A_256, %reduce_sum3A_257 [1, 2] : vector<1x1x256xf32> to vector<1xf32>
              %reduce_sum3A_259 = vector.shape_cast %reduce_sum3A_258 : vector<1xf32> to vector<1x1x1xf32>
              %reduce_sum3A_260 = vector.extract %reduce_sum3A_259[0, 0, 0] : f32 from vector<1x1x1xf32>
              %eq3A_261 = arith.constant 0.000000e+00 : f32
              %eq3A_262 = arith.cmpf oeq, %reduce_sum3A_260, %eq3A_261 : f32
              %jit3A_263 = arith.constant 1 : i32
              %jit3A_264 = arith.constant 0 : i32
              %select_n3A_265 = arith.select %eq3A_262, %jit3A_263, %jit3A_264 : i32
              %swap3A_266 = arith.constant 1 : index
              %swap3A_267 = memref.load %arg8[%swap3A_266] : memref<2xi32, #tpu.memory_space<smem>>
              memref.store %select_n3A_265, %arg8[%swap3A_266] : memref<2xi32, #tpu.memory_space<smem>>
            } else {
            }
          }
          %scan3A_182 = arith.constant 256 : i32
          %get3A_183 = arith.constant 0 : index
          %get3A_184 = arith.constant 0 : index
          %get3A_185 = vector.load %run_scoped3A[%get3A_183, %get3A_184] : memref<1x256xf32, #tpu.memory_space<vmem>>, vector<1x256xf32>
          %swap3A_186 = arith.constant 0 : i32
          %swap3A_187 = arith.constant 0 : i32
          %swap3A_188 = tpu.memref_slice %arg6[%scan3A_18, %swap3A_186, %swap3A_187] : memref<1x1x10240xf32, #tpu.memory_space<vmem>> -> memref<1x1x10240xf32, #tpu.memory_space<vmem>>
          %swap3A_189 = tpu.memref_squeeze %swap3A_188 : memref<1x1x10240xf32, #tpu.memory_space<vmem>> -> memref<1x10240xf32, #tpu.memory_space<vmem>>
          %swap3A_190 = arith.constant 0 : index
          %swap3A_191 = arith.index_cast %multiple_of3A : i32 to index
          %swap3A_192 = vector.load %swap3A_189[%swap3A_190, %swap3A_191] : memref<1x10240xf32, #tpu.memory_space<vmem>>, vector<1x256xf32>
          tpu.vector_store %swap3A_189[%swap3A_190, %swap3A_191], %get3A_185 {strides = array<i32>} : memref<1x10240xf32, #tpu.memory_space<vmem>>, vector<1x256xf32>,
          %jit3A_193 = arith.constant 0.000000e+00 : f32
          %broadcast_in_dim3A_194 = vector.shape_cast %get3A_185 : vector<1x256xf32> to vector<1x256xf32>
          %broadcast_in_dim3A_195 = vector.broadcast %broadcast_in_dim3A_194 : vector<1x256xf32> to vector<256x256xf32>
          %broadcast_in_dim3A_196 = vector.broadcast %jit3A_193 : f32 to vector<256x256xf32>
          %select_n3A_197 = arith.select %eq3A, %broadcast_in_dim3A_195, %broadcast_in_dim3A_196 : vector<256x256xi1>, vector<256x256xf32>
          %reduce_sum3A_198 = arith.constant dense<0.000000e+00> : vector<256xf32>
          %reduce_sum3A_199 = vector.multi_reduction <add>, %select_n3A_197, %reduce_sum3A_198 [1] : vector<256x256xf32> to vector<256xf32>
          %broadcast_in_dim3A_200 = vector.shape_cast %reduce_sum3A_199 : vector<256xf32> to vector<256x1xf32>
          %swap3A_201 = arith.index_cast %multiple_of3A : i32 to index
          %swap3A_202 = arith.constant 5 : index
          %swap3A_203 = vector.load %arg7[%swap3A_201, %swap3A_202] : memref<10240x6xf32, #tpu.memory_space<vmem>>, vector<256x1xf32>
          tpu.vector_store %arg7[%swap3A_201, %swap3A_202], %broadcast_in_dim3A_200 {strides = array<i32>} : memref<10240x6xf32, #tpu.memory_space<vmem>>, vector<256x1xf32>,
          %get3A_204 = arith.constant 0 : index
          %get3A_205 = memref.load %arg8[%get3A_204] : memref<2xi32, #tpu.memory_space<smem>>
          %reduce_sum3A_206 = vector.shape_cast %get3A_185 : vector<1x256xf32> to vector<1x1x256xf32>
          %reduce_sum3A_207 = arith.constant dense<0.000000e+00> : vector<1xf32>
          %reduce_sum3A_208 = vector.multi_reduction <add>, %reduce_sum3A_206, %reduce_sum3A_207 [1, 2] : vector<1x1x256xf32> to vector<1xf32>
          %reduce_sum3A_209 = vector.shape_cast %reduce_sum3A_208 : vector<1xf32> to vector<1x1x1xf32>
          %reduce_sum3A_210 = vector.extract %reduce_sum3A_209[0, 0, 0] : f32 from vector<1x1x1xf32>
          %convert_element_type3A_211 = arith.fptosi %reduce_sum3A_210 : f32 to i32
          %add3A_212 = arith.addi %get3A_205, %convert_element_type3A_211 : i32
          %swap3A_213 = arith.constant 0 : index
          %swap3A_214 = memref.load %arg8[%swap3A_213] : memref<2xi32, #tpu.memory_space<smem>>
          memref.store %add3A_212, %arg8[%swap3A_213] : memref<2xi32, #tpu.memory_space<smem>>
          tpu.yield
        }) : () -> ()
      } else {
      }
    }
    %scan3A_23 = arith.constant 40 : i32
    return
  }
  func.func @transform_0(%arg0: i32) -> (i32, i32, i32) {
    %c0_i32 = arith.constant 0 : i32
    %c0_i32_0 = arith.constant 0 : i32
    %c0_i32_1 = arith.constant 0 : i32
    return %arg0, %c0_i32, %c0_i32_0 : i32, i32, i32
  }
  func.func @transform_1(%arg0: i32) -> (i32, i32, i32) {
    %c0_i32 = arith.constant 0 : i32
    %c0_i32_0 = arith.constant 0 : i32
    %c0_i32_1 = arith.constant 0 : i32
    return %arg0, %c0_i32, %c0_i32_0 : i32, i32, i32
  }
  func.func @transform_2(%arg0: i32) -> (i32, i32, i32) {
    %c0_i32 = arith.constant 0 : i32
    %c0_i32_0 = arith.constant 0 : i32
    %c0_i32_1 = arith.constant 0 : i32
    return %arg0, %c0_i32, %c0_i32_0 : i32, i32, i32
  }
  func.func @transform_3(%arg0: i32) -> (i32, i32, i32) {
    %c0_i32 = arith.constant 0 : i32
    %c0_i32_0 = arith.constant 0 : i32
    %c0_i32_1 = arith.constant 0 : i32
    return %arg0, %c0_i32, %c0_i32_0 : i32, i32, i32
  }
  func.func @transform_4(%arg0: i32) -> (i32, i32, i32) {
    %c0_i32 = arith.constant 0 : i32
    %c0_i32_0 = arith.constant 0 : i32
    %c0_i32_1 = arith.constant 0 : i32
    return %arg0, %c0_i32, %c0_i32_0 : i32, i32, i32
  }
  func.func @transform_5(%arg0: i32) -> (i32, i32, i32) {
    %c0_i32 = arith.constant 0 : i32
    %c0_i32_0 = arith.constant 0 : i32
    %c0_i32_1 = arith.constant 0 : i32
    return %arg0, %c0_i32, %c0_i32_0 : i32, i32, i32
  }
}

</mosaic_0001>

<sc_bundles>
// kernel: gather_offload_async_start.1
scs
__scs_entry_jumppad:
0x0: {  	(pc) =	sbr.rel $0x88, $3  }
0x1: {  	(tag) =	ssettag $0x0;
	lr =	simm.s32 $0x1  }
0x2: {  	[smem:$0x3F9D] =	sst lr;
	_ =	strace $0xD0000000  }
0x3: {  	_ = 	snop  }
0x4: {  	_ = 	snop  }
0x5: {  	_ = 	snop  }
0x6: {  	_ = 	snop  }
0x7: {  	_ = 	snop  }
__scs_overlays_trampoline_lowered:
0x8: {  	[smem:$0x3FAC] =	sst s0  }
0x9: {  	[smem:$0x3FAD] =	sst s1  }
0xa: {  	[smem:$0x3FAE] =	sst s2  }
0xb: {  	[smem:$0x3FAF] =	sst s3  }
0xc: {  	[smem:$0x3FB0] =	sst s4  }
0xd: {  	[smem:$0x3FB1] =	sst s5  }
0xe: {  	[smem:$0x3FB2] =	sst s6  }
0xf: {  	[smem:$0x3FB3] =	sst s7  }
0x10: {  	[smem:$0x3FB4] =	sst s8  }
0x11: {  	[smem:$0x3FB5] =	sst s9;
	s0 =	simm.s32 @!p0 $0x0  }
0x12: {  	s1 =	sld [smem:$0x3F9B];
	s0 =	simm.s32 @p0 $0x1  }
0x13: {  	[smem:$0x3FB6] =	sst s0;
	s0 =	simm.s32 @!p1 $0x0  }
0x14: {  	s2 =	sld [smem:$0x3F9A];
	s0 =	simm.s32 @p1 $0x1  }
0x15: {  	[smem:$0x3FB7] =	sst s0;
	s0 =	simm.s32 @!p2 $0x0  }
0x16: {  	s3 =	sld [smem:$0x3FDB];
	s0 =	simm.s32 @p2 $0x1  }
0x17: {  	s4 =	simm.s32 $0x1BF5;
	[smem:$0x3FB9] =	sst s0  }
0x18: {  	s0 =	sld [smem:$0x3F9C];
	_ =	swait.ge [sflag:s4], $0x0  }
0x19: {  	s7 =	sld [smem:$0x3F9D]  }
0x1a: {  	s8 =	sadd.s32 $0xFFFFE003, lr  }
0x1b: {  	s9 =	sadd.s32 $0xFFFFFEF7, lr;
	s5 =	simm.s32 $0xFFFFFFFF;
	p2 =	slt.u32 s8, $0xFFFFF086  }
0x1c: {  	p1 =	slt.u32 s9, $0xF7A;
	s5 =	simm.s32 @!p2 $0x0  }
0x1d: {  	s5 =	simm.s32 @p1 $0x1;
	p0 =	seq.s32 s7, s2  }
0x1e: {  	s7 =	smul.u32 @!p0 $0xF7A, s2;
	p2 =	seq.s32 @!p0 s5, $0x0  }
0x1f: {  	s9 =	smul.u32 $0xF7A, s1;
	s8 =	simm.s32 @!p0 $0x1BF5;
	p2 =	por !p2, p0  }
0x20: {  	[sflag:s8] =	ssyncset.s32 @!p0 $0xFFFFF086;
	s6 =	sadd.s32 @!p0 s3, s7;
	s7 =	simm.s32 @!p0 $0x108  }
0x21: {  	s3 =	sadd.s32 s3, s9;
	s6 =	sadd.s32 @!p0 $0x88, s6;
	s7 =	simm.s32 @p2 $0x1082  }
0x22: {  	[simem:s7], [sflag:s8] =	dma.local @!p0 [hbm:s6], $0xF7A  }
0x23: {  	s9 =	sor.u32 $0xD0000000, s2;
	s6 =	simm.s32 $0x108;
	_ =	swait.ge @!p0 [sflag:s8], $0x0  }
0x24: {  	s3 =	sadd.s32 $0x88, s3;
	s6 =	simm.s32 @!p1 $0x1082;
	[sflag:s4] =	ssyncset.s32 $0xFFFFF086  }
0x25: {  	[simem:s6], [sflag:s4] =	dma.local [hbm:s3], $0xF7A  }
0x26: {  	[smem:$0x3F9D] =	sst s1;
	(tag) =	ssettag s2;
	_ =	strace s9  }
0x27: {  	s1 =	sld [smem:$0x3FAD]  }
0x28: {  	s2 =	sld [smem:$0x3FAE]  }
0x29: {  	s4 =	sld [smem:$0x3FB0]  }
0x2a: {  	p0 =	seq.s32 s5, $0x0;
	s5 =	sld [smem:$0x3FB1]  }
0x2b: {  	s6 =	sld [smem:$0x3FB2]  }
0x2c: {  	s7 =	sld [smem:$0x3FB3]  }
0x2d: {  	s3 =	simm.s32 $0x108;
	s8 =	sld [smem:$0x3FB4]  }
0x2e: {  	s3 =	simm.s32 @!p0 $0x1082;
	s9 =	sld [smem:$0x3FB5]  }
0x2f: {  	lr =	sadd.s32 s0, s3;
	s0 =	sld [smem:$0x3FAC]  }
0x30: {  	s3 =	sld [smem:$0x3FAF]  }
0x31: {  	[smem:$0x3FB8] =	sst s10  }
0x32: {  	s10 =	sld [smem:$0x3FB6];
	_ =	sdelay $0x3  }
0x33: {  	p0 =	seq.s32 s10, $0x1;
	s10 =	sld [smem:$0x3FB8];
	_ =	sdelay $0x3  }
0x34: {  	[smem:$0x3FB8] =	sst s10  }
0x35: {  	s10 =	sld [smem:$0x3FB7];
	_ =	sdelay $0x3  }
0x36: {  	p1 =	seq.s32 s10, $0x1;
	s10 =	sld [smem:$0x3FB8];
	_ =	sdelay $0x3  }
0x37: {  	[smem:$0x3FB8] =	sst s10  }
0x38: {  	s10 =	sld [smem:$0x3FB9]  }
0x39: {  	_ = 	snop;
	(pc) =	sbr.ind lr, $3  }
0x3a: {  	_ = 	snop  }
0x3b: {  	_ = 	snop  }
0x3c: {  	p2 =	seq.s32 s10, $0x1;
	s10 =	sld [smem:$0x3FB8]  }
0x3d: {  	_ =	shalt  }
0x3e: {  	_ =	shalt  }
0x3f: {  	_ =	shalt  }
0x40: {  	_ =	shalt  }
0x41: {  	_ =	shalt  }
0x42: {  	_ =	shalt  }
0x43: {  	_ =	shalt  }
0x44: {  	_ =	shalt  }
0x45: {  	_ =	shalt  }
0x46: {  	_ =	shalt  }
0x47: {  	_ =	shalt  }
0x48: {  	_ =	shalt  }
0x49: {  	_ =	shalt  }
0x4a: {  	_ =	shalt  }
0x4b: {  	_ =	shalt  }
0x4c: {  	_ =	shalt  }
0x4d: {  	_ =	shalt  }
0x4e: {  	_ =	shalt  }
0x4f: {  	_ =	shalt  }
0x50: {  	_ =	shalt  }
0x51: {  	_ =	shalt  }
0x52: {  	_ =	shalt  }
0x53: {  	_ =	shalt  }
0x54: {  	_ =	shalt  }
0x55: {  	_ =	shalt  }
0x56: {  	_ =	shalt  }
0x57: {  	_ =	shalt  }
0x58: {  	_ =	shalt  }
0x59: {  	_ =	shalt  }
0x5a: {  	_ =	shalt  }
0x5b: {  	_ =	shalt  }
0x5c: {  	_ =	shalt  }
0x5d: {  	_ =	shalt  }
0x5e: {  	_ =	shalt  }
0x5f: {  	_ =	shalt  }
0x60: {  	_ =	shalt  }
0x61: {  	_ =	shalt  }
0x62: {  	_ =	shalt  }
0x63: {  	_ =	shalt  }
0x64: {  	_ =	shalt  }
0x65: {  	_ =	shalt  }
0x66: {  	_ =	shalt  }
0x67: {  	_ =	shalt  }
0x68: {  	_ =	shalt  }
0x69: {  	_ =	shalt  }
0x6a: {  	_ =	shalt  }
0x6b: {  	_ =	shalt  }
0x6c: {  	_ =	shalt  }
0x6d: {  	_ =	shalt  }
0x6e: {  	_ =	shalt  }
0x6f: {  	_ =	shalt  }
0x70: {  	_ =	shalt  }
0x71: {  	_ =	shalt  }
0x72: {  	_ =	shalt  }
0x73: {  	_ =	shalt  }
0x74: {  	_ =	shalt  }
0x75: {  	_ =	shalt  }
0x76: {  	_ =	shalt  }
0x77: {  	_ =	shalt  }
0x78: {  	_ =	shalt  }
0x79: {  	_ =	shalt  }
0x7a: {  	_ =	shalt  }
0x7b: {  	_ =	shalt  }
0x7c: {  	_ =	shalt  }
0x7d: {  	_ =	shalt  }
0x7e: {  	_ =	shalt  }
0x7f: {  	_ =	shalt  }
0x80: {  	_ =	shalt  }
0x81: {  	_ =	shalt  }
0x82: {  	_ =	shalt  }
0x83: {  	_ =	shalt  }
0x84: {  	_ =	shalt  }
0x85: {  	_ =	shalt  }
0x86: {  	_ =	shalt  }
0x87: {  	_ =	shalt  }
.Lfunc_end0:
.L_simem_size_0:
called_computation.1_lowered:
.L_overlay_start_0:
0x88: {  	s0 =	sld [smem:$0x3FD9]  }
0x89: {  	s1 =	sld [smem:$0x3FFE];
	_ =	sdelay $0x3  }
0x8a: {  	s0 =	sadd.s32 s1, s0  }
0x8b: {  	[smem:$0x3FC4] =	sst s0  }
0x8c: {  	_ = 	snop  }
0x8d: {  	(tm) =	ssettm $0x1  }
0x8e: {  	s15 =	sld [smem:$0x3FFB];
	_ =	sdelay $0x3  }
0x8f: {  	_ =	strace s15  }
0x90: {  	s0 =	sld [smem:$0x3FFC];
	_ =	sdelay $0x3  }
0x91: {  	_ =	strace s0  }
0x92: {  	s0 =	sld [smem:$0x3FFD];
	_ =	sdelay $0x3  }
0x93: {  	_ =	strace s0  }
0x94: {  	_ =	strace $0x8FFFFFFF  }
0x95: {  	s16 =	sld [smem:$0x3FDB];
	_ =	sdelay $0x1  }
0x96: {  	s17 =	simm.s32 $_scs_section_size  }
0x97: {  	s2 =	simm.s32 $_size__tile_overlayer_lowered;
	s3 =	simm.s32 $_tile_overlayer_lowered  }
0x98: {  	s20 =	simm.s32 $0x1BFF;
	s19 =	sshll.u32 s3, $0x1;
	s0 =	sadd.s32 s17, s16  }
0x99: {  	s4 =	simm.s32 $0x0;
	s18 =	sshll.u32 s2, $0x1;
	s2 =	sadd.s32 s19, s0  }
0x9a: {  	[timem:s4], [sflag:s20] =	dma.local [hbm:s2], s18  }
0x9b: {  	_ =	swait.ge [sflag:s20], s18  }
0x9c: {  	s1 =	ssub.s32 $0x0, s18;
	[sflag:s20] =	ssyncset.done $0x0  }
0x9d: {  	[sflag:s20] =	ssyncadd.s32 s1;
	_ =	sdelay $0x1  }
0x9e: {  	s21 =	simm.s32 $0x1B8B  }
0x9f: {  	_ =	swait.ge [sflag:s21], $0x1  }
0xa0: {  	[sflag:s21] =	ssyncset.done $0x0  }
0xa1: {  	s23 =	simm.s32 $0x1B8E;
	s22 =	sld [smem:$0x3FFE];
	[sflag:s21] =	ssyncadd.s32 $0xFFFFFFFF  }
0xa2: {  	s24 =	simm.s32 $execute0_lowered;
	[smem:$0x3FD2] =	sst s23  }
0xa3: {  	s2 =	sshll.u32 s24, $0x1;
	_ =	strace $0x80000049;
	[dreg:$0x1] =	wrdreg $0xFFFFFFFF  }
0xa4: {  	s25 =	simm.s32 $_size_execute0_lowered;
	s0 =	sadd.s32 s0, s2;
	[dreg:$0x0] =	wrdreg $0x0  }
0xa5: {  	s2 =	sshll.u32 s25, $0x1;
	[dreg:$0x2] =	wrdreg s0  }
0xa6: {  	[dreg:$0x3] =	wrdreg s2  }
0xa7: {  	[dreg:$0x4] =	wrdreg $0xC0  }
0xa8: {  	_ =	task [dreg:s4], $0x5FFFF  }
0xa9: {  	[dreg:$0x1] =	wrdreg $0xFFFFFFFF  }
0xaa: {  	[dreg:$0x0] =	wrdreg $0x60  }
0xab: {  	[dreg:$0x2] =	wrdreg s22  }
0xac: {  	[dreg:$0x3] =	wrdreg $0x9  }
0xad: {  	_ =	task.clear_ibuf [dreg:s4], $0x4FFFF;
	_ =	strace $0x90000049  }
0xae: {  	s26 =	simm.s32 $0x9;
	_ =	strace $0x8000004B  }
0xaf: {  	_ =	swait.ge [sflag:s26], $0x1  }
0xb0: {  	[sflag:s26] =	ssyncadd.s32 $0xFFFFFFFF  }
0xb1: {  	_ =	strace $0x9000004B  }
0xb2: {  	_ =	sfence  }
0xb3: {  	s28 =	sld [smem:$0x0];
	_ =	sdelay $0x1  }
0xb4: {  	s29 =	srdreg.scid  }
0xb5: {  	s30 =	sshll.u32 s29, $0xD;
	s31 =	sshrl.u32 s29, $0x2  }
0xb6: {  	s1 =	sand.u32 $0x1, s29;
	s2 =	sand.u32 $0x4000, s30;
	s0 =	sadd.s32 s31, s28  }
0xb7: {  	s1 =	sor.u32 s2, s1;
	s0 =	sshll.u32 s0, $0x11  }
0xb8: {  	s0 =	sor.u32 s0, s1  }
0xb9: {  	s0 =	sadd.s32 $0x8F2B, s0  }
0xba: {  	[sflag:s0] =	ssyncadd.remote.s32 $0x1  }
0xbb: {  	_ =	sfence.sel $0xFFFF  }
0xbc: {  	[dreg:$0x0] =	wrdreg $0xFFFFFFFF;
	(pc) =	sbr.abs _section_cstart, $3  }
0xbd: {  	[dreg:$0x1] =	wrdreg $0xFFFFFFFF  }
0xbe: {  	_ =	task.clear_ibuf [dreg:s4], $0x2FFFF;
	_ =	strace $0x9FFFFFFF  }
0xbf: {  	(tm) =	ssettm $0x7FFFFFFF  }
tec
execute0_lowered:
.L_overlay_start_1:
0x0: {  	(tag) =	ssettag $0x1  }
0x1: {  	s8 =	rddreg [dreg:$0x0]  }
0x2: {  	s0 =	rddreg [dreg:$0x1];
	_ =	strace $0x8000004A  }
0x3: {  	s4 =	simm.s32 $0x1;
	s1 =	stileid.u32;
	s7 =	simm.s32 $0x1  }
0x4: {  	s9 =	simm.s32 $0x1;
	s6 =	simm.s32 $0x2;
	s10 =	simm.s32 $0x3  }
0x5: {  	s13 =	simm.s32 $0x0;
	s12 =	simm.s32 $0x0;
	s2 =	sadd.s32 $0xA600, s8  }
.Ltmp0:
0x6: {  	s3 =	sadd.s32 $0xA400, s8;
	p0 =	slt.u32 s1, $0xA;
	(pc) =	sbr.rel .LBB2_1-.Ltmp0, $4  }
0x7: {  	[sflag:s4] =	ssyncpa.u1 $0x0;
	s7 =	simm.s32 @!p0 $0x0;
	p0 =	sne.s32 s1, $0x9  }
0x8: {  	s5 =	smul.u32 $0x30, s1;
	[sflag:s6] =	ssyncpa.u1 $0x0;
	s9 =	simm.s32 @!p0 $0x0  }
0x9: {  	s8 =	sadd.s32 $0xBC00, s8;
	[sflag:s10] =	ssyncpa.u1 $0x0;
	s7 =	sadd.s32 s9, s7  }
0xa: {  	vm0 =	vmmov $0xffff;
	s10 =	simm.s32 $0x0;
	s11 =	smov.u32 s5;
	s9 =	sadd.s32 $0x1, s7  }
.LBB2_4:
0xb: {  	v3 =	vmul.u32 $0x9E00, v3;
	v4 =	vshll.u32 v1, $0x2  }
0xc: {  	v2 =	vshll.u32 v2, $0x7;
	v4 =	vand.u32 $0xFFFFFE00, v4  }
0xd: {  	v2 =	vand.u32 $0x180, v2;
	v3 =	vadd.s32 v3, v4  }
0xe: {  	v63 =	vand.u32 $0x7F, v1;
	v2 =	vor.u32 v2, v3  }
0xf: {  	v1 =	vor.u32 v63, v2;
	_ =	sdelay $0x2  }
0x10: {  	[tilespmem:s15], [sflag:$0x1] =	stream.indirect_vreg.gather [hbm4b:s2+s10], $0x1, v0, vm0, $0x4038;
	[tilespmem:$0xC0] =	vst v63  }
0x11: {  	(ifvalue) =	ssetifvalue $0x7FFFFFFF;
	s29 =	sadd.s32 $0x10, s15  }
0x12: {  	[tilespmem:s29], [sflag:$0x1] =	stream.indirect_vreg.gather [hbm4b:s2+s10], $0x1, v1, vm0, $0x4038;
	[tilespmem:$0xC0] =	vst v63  }
0x13: {  	_ =	swait.ge [sflag:s4], $0x30  }
0x14: {  	s30 =	sshrl.u32 s13, $0x3;
	[sflag:s4] =	ssyncset.done $0x0  }
0x15: {  	s31 =	sand.u32 $0x7, s13;
	s15 =	sadd.s32 s8, s30;
	[sflag:s4] =	ssyncadd.s32 $0xFFFFFFD0  }
0x16: {  	[hbm4b:s15+s31] =	stream.linear.scatter [tilespmem:s14], [sflag:$0x3], $0x30, $0x38;
	[tilespmem:$0xC0] =	vst v63  }
.LBB2_5:
0x17: {  	s15 =	sadd.s32 $0x300, s11  }
0x18: {  	p1 =	sgt.s32 s15, $0x4AF  }
0x19: {  	s15 =	smov.u32 @p1 s5;
	p1 =	sne.s32 s12, s9  }
.Ltmp1:
0x1a: {  	p0 =	slt.u32 s12, $0x2;
	(pc) =	sbr.rel @!p1 .LBB2_6-.Ltmp1, $4  }
0x1b: {  	s14 =	simm.s32 @!p0 $0x3  }
0x1c: {  	_ =	swait.ge @!p0 [sflag:s14], $0x30  }
0x1d: {  	s16 =	sadd.s32 $0x1, s12;
	s13 =	smov.u32 s11;
	[sflag:s14] =	ssyncset.done @!p0 $0x0  }
0x1e: {  	s12 =	smov.u32 s16;
	s11 =	smov.u32 s15;
	[sflag:s14] =	ssyncadd.s32 @!p0 $0xFFFFFFD0  }
.LBB2_1:
0x1f: {  	p0 =	sge.u32 s12, s7  }
0x20: {  	s14 =	sxor.u32 @!p0 $0x1, s12  }
0x21: {  	s14 =	smul.u32 @!p0 $0xC0, s14  }
0x22: {  	s31 =	sadd.s32 $0xFFFFFFFF, s12;
	s15 =	sshrl.u32 @!p0 s11, $0x3  }
0x23: {  	s16 =	sand.u32 @!p0 $0x7, s11;
	s15 =	sadd.s32 @!p0 s3, s15;
	s14 =	sshra.s32 @!p0 s14, $0x2  }
0x24: {  	[tilespmem:s14], [sflag:$0x2] =	stream.linear.gather @!p0 [hbm4b:s15+s16], $0x30, $0x38;
	[tilespmem:$0xC0] =	vst v63  }
0x25: {  	p0 =	sge.u32 s31, s7  }
.Ltmp2:
0x26: {  	_ = 	snop;
	(pc) =	sbr.rel @p0 .LBB2_5-.Ltmp2, $1  }
0x27: {  	_ =	sdelay $0x3  }
0x28: {  	s14 =	sand.u32 $0x1, s12  }
0x29: {  	_ =	swait.ge [sflag:s6], $0x30;
	p0 =	seq.s32 s14, $0x1;
	s14 =	simm.s32 $0x30  }
0x2a: {  	[sflag:s6] =	ssyncset.done $0x0;
	s14 =	simm.s32 @!p0 $0x0  }
0x2b: {  	[sflag:s6] =	ssyncadd.s32 $0xFFFFFFD0;
	(ifvalue) =	ssetifvalue $0x7FFFFFFF;
	v0 =	vld.msk [tilespmem:s14+$0x0 ss:$0x1], $0xffff;
	_ =	sdelay $0x4  }
0x2c: {  	vm1 =	veq.s32 v0, $0x80000000;
	v1 =	vand.u32 $0x3, v0;
	v0 =	vshrl.u32 v0, $0x2  }
0x2d: {  	v1 =	vsel vm1, $0xFFFFFFFF, v1;
	v0 =	vand.u32 $0x3FFF, v0  }
0x2e: {  	v0 =	vsel vm1, $0xFFFFFFFF, v0;
	v2 =	vshrl.u32 v1, $0x2  }
0x2f: {  	s15 =	sadd.s32 $0x10, s14;
	v2 =	vmul.u32 $0x9E00, v2;
	v4 =	vshll.u32 v0, $0x2  }
0x30: {  	v3 =	vld.msk [tilespmem:s15+$0x0 ss:$0x1], $0xffff;
	v1 =	vshll.u32 v1, $0x7;
	v4 =	vand.u32 $0xFFFFFE00, v4  }
0x31: {  	v1 =	vand.u32 $0x180, v1;
	v2 =	vadd.s32 v2, v4  }
0x32: {  	v0 =	vand.u32 $0x7F, v0;
	v1 =	vor.u32 v1, v2  }
0x33: {  	v0 =	vor.u32 v0, v1;
	_ =	sdelay $0x1  }
0x34: {  	vm1 =	veq.s32 v3, $0x80000000;
	v2 =	vand.u32 $0x3, v3;
	v3 =	vshrl.u32 v3, $0x2  }
0x35: {  	s16 =	simm.s32 $0x10;
	s14 =	sadd.s32 $0x60, s14;
	v2 =	vsel vm1, $0xFFFFFFFF, v2;
	v3 =	vand.u32 $0x3FFF, v3  }
0x36: {  	s17 =	sadd.s32 $0x10, s15;
	(ifvalue) =	ssetifvalue $0x7FFFFFFF;
	s15 =	smov.u32 s14;
	v1 =	vsel vm1, $0xFFFFFFFF, v3;
	v3 =	vshrl.u32 v2, $0x2  }
.LBB2_3:
0x37: {  	v4 =	vld.msk [tilespmem:s17+$0x0 ss:$0x1], $0xffff;
	v3 =	vmul.u32 $0x9E00, v3;
	v5 =	vshll.u32 v1, $0x2;
	[tilespmem:s15], [sflag:$0x1] =	stream.indirect_vreg.gather [hbm4b:s2+s10], $0x1, v0, vm0, $0x4038  }
0x38: {  	s16 =	sadd.s32 $0x10, s16;
	v2 =	vshll.u32 v2, $0x7;
	v0 =	vand.u32 $0xFFFFFE00, v5  }
0x39: {  	p0 =	slt.u32 s16, $0x20;
	v2 =	vand.u32 $0x180, v2;
	v0 =	vadd.s32 v3, v0  }
0x3a: {  	v1 =	vand.u32 $0x7F, v1;
	v0 =	vor.u32 v2, v0  }
.Ltmp3:
0x3b: {  	v0 =	vor.u32 v1, v0;
	(pc) =	sbr.rel @p0 .LBB2_3-.Ltmp3, $4  }
0x3c: {  	_ = 	snop  }
0x3d: {  	vm1 =	veq.s32 v4, $0x80000000;
	v1 =	vand.u32 $0x3, v4;
	v3 =	vshrl.u32 v4, $0x2  }
0x3e: {  	v2 =	vsel vm1, $0xFFFFFFFF, v1;
	v1 =	vand.u32 $0x3FFF, v3  }
0x3f: {  	s17 =	sadd.s32 $0x10, s17;
	s15 =	sadd.s32 $0x10, s15;
	v1 =	vsel vm1, $0xFFFFFFFF, v1;
	v3 =	vshrl.u32 v2, $0x2;
	(ifvalue) =	ssetifvalue $0x7FFFFFFF  }
.Ltmp4:
0x40: {  	_ = 	snop;
	(pc) =	sbr.rel .LBB2_4-.Ltmp4, $1  }
0x41: {  	_ =	sdelay $0x3  }
.LBB2_6:
0x42: {  	_ =	sfence.sel $0x180000  }
0x43: {  	s2 =	simm.s32 $0x2;
	[bflag:$0x0] =	sbarrier.arrive $0xFFFF  }
0x44: {  	s30 =	simm.s32 $0x3;
	[sflag:s2] =	ssyncpa.u1 $0x1  }
0x45: {  	s31 =	simm.s32 $0x1;
	[sflag:s30] =	ssyncpa.u1 $0x1  }
0x46: {  	[sflag:s31] =	ssyncpa.u1 $0x1  }
0x47: {  	p0 =	sne.s32 s1, $0x0;
	_ =	strace $0x9000004A  }
0x48: {  	s0 =	sadd.s32 @!p0 $0x100000, s0;
	[bflag:$0x2] =	sbarrier.arrive $0xFFFF  }
0x49: {  	[sflag:s0] =	ssyncadd.tile.s32 @!p0 $0x1;
	_ =	shalt  }
.Lfunc_end2:
_tile_overlayer_lowered:
.L_overlay_start_2:
0x4a: {  	(tag) =	ssettag $0x2  }
0x4b: {  	s0 =	rddreg [dreg:$0x0];
	s2 =	stileid.u32  }
0x4c: {  	s1 =	rddreg [dreg:$0x1];
	p0 =	sne.s32 s2, $0x0  }
0x4d: {  	s3 =	rddreg [dreg:$0x2];
	[bflag:$0x3] =	sbarrier.arrive $0xFFFF;
	s2 =	simm.s32 @!p0 $0x1C01  }
0x4e: {  	[timem:s3], [sflag:s2] =	dma.local @!p0 [hbm:s0], s1  }
0x4f: {  	s0 =	simm.s32 @!p0 $0x1  }
0x50: {  	_ =	swait.ge @!p0 [sflag:s0], s1  }
0x51: {  	s1 =	ssub.s32 @!p0 $0x0, s1;
	[sflag:s0] =	ssyncset.done @!p0 $0x0  }
0x52: {  	[sflag:s0] =	ssyncadd.s32 @!p0 s1  }
0x53: {  	[bflag:$0x3] =	sbarrier.arrive $0xFFFF  }
0x54: {  	_ =	shalt  }

// kernel: gather_offload_async_start.2
scs
__scs_entry_jumppad:
0x0: {  	(pc) =	sbr.rel $0x88, $3  }
0x1: {  	(tag) =	ssettag $0x0;
	lr =	simm.s32 $0x1  }
0x2: {  	[smem:$0x3F9D] =	sst lr;
	_ =	strace $0xD0000000  }
0x3: {  	_ = 	snop  }
0x4: {  	_ = 	snop  }
0x5: {  	_ = 	snop  }
0x6: {  	_ = 	snop  }
0x7: {  	_ = 	snop  }
__scs_overlays_trampoline_lowered:
0x8: {  	[smem:$0x3FAC] =	sst s0  }
0x9: {  	[smem:$0x3FAD] =	sst s1  }
0xa: {  	[smem:$0x3FAE] =	sst s2  }
0xb: {  	[smem:$0x3FAF] =	sst s3  }
0xc: {  	[smem:$0x3FB0] =	sst s4  }
0xd: {  	[smem:$0x3FB1] =	sst s5  }
0xe: {  	[smem:$0x3FB2] =	sst s6  }
0xf: {  	[smem:$0x3FB3] =	sst s7  }
0x10: {  	[smem:$0x3FB4] =	sst s8  }
0x11: {  	[smem:$0x3FB5] =	sst s9;
	s0 =	simm.s32 @!p0 $0x0  }
0x12: {  	s1 =	sld [smem:$0x3F9B];
	s0 =	simm.s32 @p0 $0x1  }
0x13: {  	[smem:$0x3FB6] =	sst s0;
	s0 =	simm.s32 @!p1 $0x0  }
0x14: {  	s2 =	sld [smem:$0x3F9A];
	s0 =	simm.s32 @p1 $0x1  }
0x15: {  	[smem:$0x3FB7] =	sst s0;
	s0 =	simm.s32 @!p2 $0x0  }
0x16: {  	s3 =	sld [smem:$0x3FDB];
	s0 =	simm.s32 @p2 $0x1  }
0x17: {  	s4 =	simm.s32 $0x1BF5;
	[smem:$0x3FB9] =	sst s0  }
0x18: {  	s0 =	sld [smem:$0x3F9C];
	_ =	swait.ge [sflag:s4], $0x0  }
0x19: {  	s7 =	sld [smem:$0x3F9D]  }
0x1a: {  	s8 =	sadd.s32 $0xFFFFE003, lr  }
0x1b: {  	s9 =	sadd.s32 $0xFFFFFEF7, lr;
	s5 =	simm.s32 $0xFFFFFFFF;
	p2 =	slt.u32 s8, $0xFFFFF086  }
0x1c: {  	p1 =	slt.u32 s9, $0xF7A;
	s5 =	simm.s32 @!p2 $0x0  }
0x1d: {  	s5 =	simm.s32 @p1 $0x1;
	p0 =	seq.s32 s7, s2  }
0x1e: {  	s7 =	smul.u32 @!p0 $0xF7A, s2;
	p2 =	seq.s32 @!p0 s5, $0x0  }
0x1f: {  	s9 =	smul.u32 $0xF7A, s1;
	s8 =	simm.s32 @!p0 $0x1BF5;
	p2 =	por !p2, p0  }
0x20: {  	[sflag:s8] =	ssyncset.s32 @!p0 $0xFFFFF086;
	s6 =	sadd.s32 @!p0 s3, s7;
	s7 =	simm.s32 @!p0 $0x108  }
0x21: {  	s3 =	sadd.s32 s3, s9;
	s6 =	sadd.s32 @!p0 $0x88, s6;
	s7 =	simm.s32 @p2 $0x1082  }
0x22: {  	[simem:s7], [sflag:s8] =	dma.local @!p0 [hbm:s6], $0xF7A  }
0x23: {  	s9 =	sor.u32 $0xD0000000, s2;
	s6 =	simm.s32 $0x108;
	_ =	swait.ge @!p0 [sflag:s8], $0x0  }
0x24: {  	s3 =	sadd.s32 $0x88, s3;
	s6 =	simm.s32 @!p1 $0x1082;
	[sflag:s4] =	ssyncset.s32 $0xFFFFF086  }
0x25: {  	[simem:s6], [sflag:s4] =	dma.local [hbm:s3], $0xF7A  }
0x26: {  	[smem:$0x3F9D] =	sst s1;
	(tag) =	ssettag s2;
	_ =	strace s9  }
0x27: {  	s1 =	sld [smem:$0x3FAD]  }
0x28: {  	s2 =	sld [smem:$0x3FAE]  }
0x29: {  	s4 =	sld [smem:$0x3FB0]  }
0x2a: {  	p0 =	seq.s32 s5, $0x0;
	s5 =	sld [smem:$0x3FB1]  }
0x2b: {  	s6 =	sld [smem:$0x3FB2]  }
0x2c: {  	s7 =	sld [smem:$0x3FB3]  }
0x2d: {  	s3 =	simm.s32 $0x108;
	s8 =	sld [smem:$0x3FB4]  }
0x2e: {  	s3 =	simm.s32 @!p0 $0x1082;
	s9 =	sld [smem:$0x3FB5]  }
0x2f: {  	lr =	sadd.s32 s0, s3;
	s0 =	sld [smem:$0x3FAC]  }
0x30: {  	s3 =	sld [smem:$0x3FAF]  }
0x31: {  	[smem:$0x3FB8] =	sst s10  }
0x32: {  	s10 =	sld [smem:$0x3FB6];
	_ =	sdelay $0x3  }
0x33: {  	p0 =	seq.s32 s10, $0x1;
	s10 =	sld [smem:$0x3FB8];
	_ =	sdelay $0x3  }
0x34: {  	[smem:$0x3FB8] =	sst s10  }
0x35: {  	s10 =	sld [smem:$0x3FB7];
	_ =	sdelay $0x3  }
0x36: {  	p1 =	seq.s32 s10, $0x1;
	s10 =	sld [smem:$0x3FB8];
	_ =	sdelay $0x3  }
0x37: {  	[smem:$0x3FB8] =	sst s10  }
0x38: {  	s10 =	sld [smem:$0x3FB9]  }
0x39: {  	_ = 	snop;
	(pc) =	sbr.ind lr, $3  }
0x3a: {  	_ = 	snop  }
0x3b: {  	_ = 	snop  }
0x3c: {  	p2 =	seq.s32 s10, $0x1;
	s10 =	sld [smem:$0x3FB8]  }
0x3d: {  	_ =	shalt  }
0x3e: {  	_ =	shalt  }
0x3f: {  	_ =	shalt  }
0x40: {  	_ =	shalt  }
0x41: {  	_ =	shalt  }
0x42: {  	_ =	shalt  }
0x43: {  	_ =	shalt  }
0x44: {  	_ =	shalt  }
0x45: {  	_ =	shalt  }
0x46: {  	_ =	shalt  }
0x47: {  	_ =	shalt  }
0x48: {  	_ =	shalt  }
0x49: {  	_ =	shalt  }
0x4a: {  	_ =	shalt  }
0x4b: {  	_ =	shalt  }
0x4c: {  	_ =	shalt  }
0x4d: {  	_ =	shalt  }
0x4e: {  	_ =	shalt  }
0x4f: {  	_ =	shalt  }
0x50: {  	_ =	shalt  }
0x51: {  	_ =	shalt  }
0x52: {  	_ =	shalt  }
0x53: {  	_ =	shalt  }
0x54: {  	_ =	shalt  }
0x55: {  	_ =	shalt  }
0x56: {  	_ =	shalt  }
0x57: {  	_ =	shalt  }
0x58: {  	_ =	shalt  }
0x59: {  	_ =	shalt  }
0x5a: {  	_ =	shalt  }
0x5b: {  	_ =	shalt  }
0x5c: {  	_ =	shalt  }
0x5d: {  	_ =	shalt  }
0x5e: {  	_ =	shalt  }
0x5f: {  	_ =	shalt  }
0x60: {  	_ =	shalt  }
0x61: {  	_ =	shalt  }
0x62: {  	_ =	shalt  }
0x63: {  	_ =	shalt  }
0x64: {  	_ =	shalt  }
0x65: {  	_ =	shalt  }
0x66: {  	_ =	shalt  }
0x67: {  	_ =	shalt  }
0x68: {  	_ =	shalt  }
0x69: {  	_ =	shalt  }
0x6a: {  	_ =	shalt  }
0x6b: {  	_ =	shalt  }
0x6c: {  	_ =	shalt  }
0x6d: {  	_ =	shalt  }
0x6e: {  	_ =	shalt  }
0x6f: {  	_ =	shalt  }
0x70: {  	_ =	shalt  }
0x71: {  	_ =	shalt  }
0x72: {  	_ =	shalt  }
0x73: {  	_ =	shalt  }
0x74: {  	_ =	shalt  }
0x75: {  	_ =	shalt  }
0x76: {  	_ =	shalt  }
0x77: {  	_ =	shalt  }
0x78: {  	_ =	shalt  }
0x79: {  	_ =	shalt  }
0x7a: {  	_ =	shalt  }
0x7b: {  	_ =	shalt  }
0x7c: {  	_ =	shalt  }
0x7d: {  	_ =	shalt  }
0x7e: {  	_ =	shalt  }
0x7f: {  	_ =	shalt  }
0x80: {  	_ =	shalt  }
0x81: {  	_ =	shalt  }
0x82: {  	_ =	shalt  }
0x83: {  	_ =	shalt  }
0x84: {  	_ =	shalt  }
0x85: {  	_ =	shalt  }
0x86: {  	_ =	shalt  }
0x87: {  	_ =	shalt  }
.Lfunc_end0:
.L_simem_size_0:
called_computation.2_lowered:
.L_overlay_start_0:
0x88: {  	s0 =	sld [smem:$0x3FD9]  }
0x89: {  	s1 =	sld [smem:$0x3FFE];
	_ =	sdelay $0x3  }
0x8a: {  	s0 =	sadd.s32 s1, s0  }
0x8b: {  	[smem:$0x3FC4] =	sst s0  }
0x8c: {  	_ = 	snop  }
0x8d: {  	s0 =	sld [smem:$0x3FD0];
	_ =	sdelay $0x2  }
0x8e: {  	s13 =	simm.s32 $0xA;
	s2 =	simm.s32 $0x10  }
0x8f: {  	[smem:s2], [sflag:s13] =	dma.local [hbm:s0], $0x1  }
0x90: {  	_ =	swait.eq [sflag:s13], $0x1  }
0x91: {  	[sflag:s13] =	ssyncset.done $0x0  }
0x92: {  	[sflag:s13] =	ssyncadd.s32 $0xFFFFFFFF  }
0x93: {  	s14 =	sld [smem:$0x10];
	(tm) =	ssettm $0x1  }
0x94: {  	s15 =	sld [smem:$0x3FFB];
	_ =	sdelay $0x3  }
0x95: {  	_ =	strace s15  }
0x96: {  	s1 =	sld [smem:$0x3FFC];
	_ =	sdelay $0x3  }
0x97: {  	_ =	strace s1  }
0x98: {  	s1 =	sld [smem:$0x3FFD];
	_ =	sdelay $0x3  }
0x99: {  	_ =	strace s1  }
0x9a: {  	_ =	strace $0x8FFFFFFF  }
0x9b: {  	s16 =	sld [smem:$0x3FDB];
	_ =	sdelay $0x1  }
0x9c: {  	s17 =	simm.s32 $_scs_section_size  }
0x9d: {  	s3 =	simm.s32 $_size__tile_overlayer_lowered;
	s4 =	simm.s32 $_tile_overlayer_lowered  }
0x9e: {  	s20 =	simm.s32 $0x1BFF;
	s19 =	sshll.u32 s4, $0x1;
	s1 =	sadd.s32 s17, s16  }
0x9f: {  	s5 =	simm.s32 $0x0;
	s18 =	sshll.u32 s3, $0x1;
	s3 =	sadd.s32 s19, s1  }
0xa0: {  	[timem:s5], [sflag:s20] =	dma.local [hbm:s3], s18  }
0xa1: {  	_ =	swait.ge [sflag:s20], s18  }
0xa2: {  	s2 =	ssub.s32 $0x0, s18;
	[sflag:s20] =	ssyncset.done $0x0  }
0xa3: {  	[sflag:s20] =	ssyncadd.s32 s2;
	_ =	sdelay $0x1  }
0xa4: {  	s21 =	simm.s32 $0x1B8B  }
0xa5: {  	_ =	swait.ge [sflag:s21], $0x1  }
0xa6: {  	[sflag:s21] =	ssyncset.done $0x0  }
0xa7: {  	s23 =	simm.s32 $0x1B8E;
	s22 =	sld [smem:$0x3FFE];
	[sflag:s21] =	ssyncadd.s32 $0xFFFFFFFF  }
0xa8: {  	s24 =	simm.s32 $execute0_lowered;
	[smem:$0x3FD2] =	sst s23  }
0xa9: {  	s3 =	sshll.u32 s24, $0x1;
	_ =	strace $0x80000046;
	[dreg:$0x1] =	wrdreg $0xFFFFFFFF  }
0xaa: {  	s25 =	simm.s32 $_size_execute0_lowered;
	s1 =	sadd.s32 s1, s3;
	[dreg:$0x0] =	wrdreg $0x0  }
0xab: {  	s3 =	sshll.u32 s25, $0x1;
	[dreg:$0x2] =	wrdreg s1  }
0xac: {  	[dreg:$0x3] =	wrdreg s3  }
0xad: {  	[dreg:$0x4] =	wrdreg $0xC0  }
0xae: {  	_ =	task [dreg:s5], $0x5FFFF  }
0xaf: {  	[dreg:$0x1] =	wrdreg $0xFFFFFFFF  }
0xb0: {  	[dreg:$0x0] =	wrdreg $0x60  }
0xb1: {  	[dreg:$0x2] =	wrdreg s22  }
0xb2: {  	[dreg:$0x3] =	wrdreg s14  }
0xb3: {  	[dreg:$0x4] =	wrdreg $0x9  }
0xb4: {  	_ =	task.clear_ibuf [dreg:s5], $0x5FFFF;
	_ =	strace $0x90000046  }
0xb5: {  	s26 =	simm.s32 $0x9;
	_ =	strace $0x80000048  }
0xb6: {  	_ =	swait.ge [sflag:s26], $0x1  }
0xb7: {  	[sflag:s26] =	ssyncadd.s32 $0xFFFFFFFF  }
0xb8: {  	_ =	strace $0x90000048  }
0xb9: {  	_ =	sfence  }
0xba: {  	s28 =	sld [smem:$0x0];
	_ =	sdelay $0x1  }
0xbb: {  	s29 =	srdreg.scid  }
0xbc: {  	s30 =	sshll.u32 s29, $0xD;
	s31 =	sshrl.u32 s29, $0x2  }
0xbd: {  	s2 =	sand.u32 $0x4000, s30;
	s1 =	sand.u32 $0x1, s29;
	s0 =	sadd.s32 s31, s28  }
0xbe: {  	s1 =	sor.u32 s2, s1;
	s0 =	sshll.u32 s0, $0x11  }
0xbf: {  	s0 =	sor.u32 s0, s1  }
0xc0: {  	s0 =	sadd.s32 $0x8F2B, s0  }
0xc1: {  	[sflag:s0] =	ssyncadd.remote.s32 $0x1  }
0xc2: {  	_ =	sfence.sel $0xFFFF  }
0xc3: {  	[dreg:$0x0] =	wrdreg $0xFFFFFFFF;
	(pc) =	sbr.abs _section_cstart, $3  }
0xc4: {  	[dreg:$0x1] =	wrdreg $0xFFFFFFFF  }
0xc5: {  	_ =	task.clear_ibuf [dreg:s5], $0x2FFFF;
	_ =	strace $0x9FFFFFFF  }
0xc6: {  	(tm) =	ssettm $0x7FFFFFFF  }
0xc7: {  	_ =	shalt  }
tec
execute0_lowered:
.L_overlay_start_1:
0x0: {  	(tag) =	ssettag $0x1  }
0x1: {  	s8 =	rddreg [dreg:$0x0]  }
0x2: {  	s2 =	rddreg [dreg:$0x1]  }
0x3: {  	s0 =	rddreg [dreg:$0x2]  }
0x4: {  	_ =	strace $0x80000047;
	s4 =	simm.s32 $0x1;
	s1 =	stileid.u32  }
0x5: {  	s7 =	simm.s32 $0x1;
	s9 =	simm.s32 $0x1;
	s6 =	simm.s32 $0x2  }
0x6: {  	s10 =	simm.s32 $0x3;
	s13 =	simm.s32 $0x0;
	s12 =	simm.s32 $0x0  }
.Ltmp0:
0x7: {  	s3 =	sadd.s32 $0x8E00, s8;
	p0 =	slt.u32 s1, $0xA;
	(pc) =	sbr.rel .LBB2_1-.Ltmp0, $4  }
0x8: {  	[sflag:s4] =	ssyncpa.u1 $0x0;
	s7 =	simm.s32 @!p0 $0x0;
	p0 =	sne.s32 s1, $0x9  }
0x9: {  	s5 =	smul.u32 $0x30, s1;
	[sflag:s6] =	ssyncpa.u1 $0x0;
	s9 =	simm.s32 @!p0 $0x0  }
0xa: {  	s8 =	sadd.s32 $0xA400, s8;
	[sflag:s10] =	ssyncpa.u1 $0x0;
	s7 =	sadd.s32 s9, s7  }
0xb: {  	vm0 =	vmmov $0xffff;
	s10 =	simm.s32 $0x0;
	s11 =	smov.u32 s5;
	s9 =	sadd.s32 $0x1, s7  }
.LBB2_4:
0xc: {  	v3 =	vmul.u32 $0x9E00, v3;
	v4 =	vshll.u32 v1, $0x2  }
0xd: {  	v2 =	vshll.u32 v2, $0x7;
	v4 =	vand.u32 $0xFFFFFE00, v4  }
0xe: {  	v2 =	vand.u32 $0x180, v2;
	v3 =	vadd.s32 v3, v4  }
0xf: {  	v63 =	vand.u32 $0x7F, v1;
	v2 =	vor.u32 v2, v3  }
0x10: {  	v1 =	vor.u32 v63, v2;
	_ =	sdelay $0x2  }
0x11: {  	[tilespmem:s15], [sflag:$0x1] =	stream.indirect_vreg.gather [hbm4b:s3+s10], $0x1, v0, vm0, $0x4038;
	[tilespmem:$0xC0] =	vst v63  }
0x12: {  	(ifvalue) =	ssetifvalue $0x7FFFFFFF;
	s29 =	sadd.s32 $0x10, s15  }
0x13: {  	[tilespmem:s29], [sflag:$0x1] =	stream.indirect_vreg.gather [hbm4b:s3+s10], $0x1, v1, vm0, $0x4038;
	[tilespmem:$0xC0] =	vst v63  }
0x14: {  	_ =	swait.ge [sflag:s4], $0x30  }
0x15: {  	s30 =	sshrl.u32 s13, $0x3;
	[sflag:s4] =	ssyncset.done $0x0  }
0x16: {  	s31 =	sand.u32 $0x7, s13;
	s15 =	sadd.s32 s2, s30;
	[sflag:s4] =	ssyncadd.s32 $0xFFFFFFD0  }
0x17: {  	[hbm4b:s15+s31] =	stream.linear.scatter [tilespmem:s14], [sflag:$0x3], $0x30, $0x38;
	[tilespmem:$0xC0] =	vst v63  }
.LBB2_5:
0x18: {  	s15 =	sadd.s32 $0x300, s11  }
0x19: {  	p1 =	sgt.s32 s15, $0x4AF  }
0x1a: {  	s15 =	smov.u32 @p1 s5;
	p1 =	sne.s32 s12, s9  }
.Ltmp1:
0x1b: {  	p0 =	slt.u32 s12, $0x2;
	(pc) =	sbr.rel @!p1 .LBB2_6-.Ltmp1, $4  }
0x1c: {  	s14 =	simm.s32 @!p0 $0x3  }
0x1d: {  	_ =	swait.ge @!p0 [sflag:s14], $0x30  }
0x1e: {  	s16 =	sadd.s32 $0x1, s12;
	s13 =	smov.u32 s11;
	[sflag:s14] =	ssyncset.done @!p0 $0x0  }
0x1f: {  	s12 =	smov.u32 s16;
	s11 =	smov.u32 s15;
	[sflag:s14] =	ssyncadd.s32 @!p0 $0xFFFFFFD0  }
.LBB2_1:
0x20: {  	p0 =	sge.u32 s12, s7  }
0x21: {  	s14 =	sxor.u32 @!p0 $0x1, s12  }
0x22: {  	s14 =	smul.u32 @!p0 $0xC0, s14  }
0x23: {  	s31 =	sadd.s32 $0xFFFFFFFF, s12;
	s15 =	sshrl.u32 @!p0 s11, $0x3  }
0x24: {  	s16 =	sand.u32 @!p0 $0x7, s11;
	s15 =	sadd.s32 @!p0 s8, s15;
	s14 =	sshra.s32 @!p0 s14, $0x2  }
0x25: {  	[tilespmem:s14], [sflag:$0x2] =	stream.linear.gather @!p0 [hbm4b:s15+s16], $0x30, $0x38;
	[tilespmem:$0xC0] =	vst v63  }
0x26: {  	p0 =	sge.u32 s31, s7  }
.Ltmp2:
0x27: {  	_ = 	snop;
	(pc) =	sbr.rel @p0 .LBB2_5-.Ltmp2, $1  }
0x28: {  	_ =	sdelay $0x3  }
0x29: {  	s14 =	sand.u32 $0x1, s12  }
0x2a: {  	_ =	swait.ge [sflag:s6], $0x30;
	p0 =	seq.s32 s14, $0x1;
	s14 =	simm.s32 $0x30  }
0x2b: {  	[sflag:s6] =	ssyncset.done $0x0;
	s14 =	simm.s32 @!p0 $0x0  }
0x2c: {  	[sflag:s6] =	ssyncadd.s32 $0xFFFFFFD0;
	(ifvalue) =	ssetifvalue $0x7FFFFFFF;
	v0 =	vld.msk [tilespmem:s14+$0x0 ss:$0x1], $0xffff;
	_ =	sdelay $0x4  }
0x2d: {  	vm1 =	veq.s32 v0, $0x80000000;
	v1 =	vand.u32 $0x3, v0;
	v0 =	vshrl.u32 v0, $0x2  }
0x2e: {  	v1 =	vsel vm1, $0xFFFFFFFF, v1;
	v0 =	vand.u32 $0x3FFF, v0  }
0x2f: {  	v0 =	vsel vm1, $0xFFFFFFFF, v0;
	v2 =	vshrl.u32 v1, $0x2  }
0x30: {  	s15 =	sadd.s32 $0x10, s14;
	v2 =	vmul.u32 $0x9E00, v2;
	v4 =	vshll.u32 v0, $0x2  }
0x31: {  	v3 =	vld.msk [tilespmem:s15+$0x0 ss:$0x1], $0xffff;
	v1 =	vshll.u32 v1, $0x7;
	v4 =	vand.u32 $0xFFFFFE00, v4  }
0x32: {  	v1 =	vand.u32 $0x180, v1;
	v2 =	vadd.s32 v2, v4  }
0x33: {  	v0 =	vand.u32 $0x7F, v0;
	v1 =	vor.u32 v1, v2  }
0x34: {  	v0 =	vor.u32 v0, v1;
	_ =	sdelay $0x1  }
0x35: {  	vm1 =	veq.s32 v3, $0x80000000;
	v2 =	vand.u32 $0x3, v3;
	v3 =	vshrl.u32 v3, $0x2  }
0x36: {  	s16 =	simm.s32 $0x10;
	s14 =	sadd.s32 $0x60, s14;
	v2 =	vsel vm1, $0xFFFFFFFF, v2;
	v3 =	vand.u32 $0x3FFF, v3  }
0x37: {  	s17 =	sadd.s32 $0x10, s15;
	(ifvalue) =	ssetifvalue $0x7FFFFFFF;
	s15 =	smov.u32 s14;
	v1 =	vsel vm1, $0xFFFFFFFF, v3;
	v3 =	vshrl.u32 v2, $0x2  }
.LBB2_3:
0x38: {  	v4 =	vld.msk [tilespmem:s17+$0x0 ss:$0x1], $0xffff;
	v3 =	vmul.u32 $0x9E00, v3;
	v5 =	vshll.u32 v1, $0x2;
	[tilespmem:s15], [sflag:$0x1] =	stream.indirect_vreg.gather [hbm4b:s3+s10], $0x1, v0, vm0, $0x4038  }
0x39: {  	s16 =	sadd.s32 $0x10, s16;
	v2 =	vshll.u32 v2, $0x7;
	v0 =	vand.u32 $0xFFFFFE00, v5  }
0x3a: {  	p0 =	slt.u32 s16, $0x20;
	v2 =	vand.u32 $0x180, v2;
	v0 =	vadd.s32 v3, v0  }
0x3b: {  	v1 =	vand.u32 $0x7F, v1;
	v0 =	vor.u32 v2, v0  }
.Ltmp3:
0x3c: {  	v0 =	vor.u32 v1, v0;
	(pc) =	sbr.rel @p0 .LBB2_3-.Ltmp3, $4  }
0x3d: {  	_ = 	snop  }
0x3e: {  	vm1 =	veq.s32 v4, $0x80000000;
	v1 =	vand.u32 $0x3, v4;
	v3 =	vshrl.u32 v4, $0x2  }
0x3f: {  	v2 =	vsel vm1, $0xFFFFFFFF, v1;
	v1 =	vand.u32 $0x3FFF, v3  }
0x40: {  	s17 =	sadd.s32 $0x10, s17;
	s15 =	sadd.s32 $0x10, s15;
	v1 =	vsel vm1, $0xFFFFFFFF, v1;
	v3 =	vshrl.u32 v2, $0x2;
	(ifvalue) =	ssetifvalue $0x7FFFFFFF  }
.Ltmp4:
0x41: {  	_ = 	snop;
	(pc) =	sbr.rel .LBB2_4-.Ltmp4, $1  }
0x42: {  	_ =	sdelay $0x3  }
.LBB2_6:
0x43: {  	_ =	sfence.sel $0x180000  }
0x44: {  	s2 =	simm.s32 $0x2;
	[bflag:$0x0] =	sbarrier.arrive $0xFFFF  }
0x45: {  	s30 =	simm.s32 $0x3;
	[sflag:s2] =	ssyncpa.u1 $0x1  }
0x46: {  	s31 =	simm.s32 $0x1;
	[sflag:s30] =	ssyncpa.u1 $0x1  }
0x47: {  	[sflag:s31] =	ssyncpa.u1 $0x1  }
0x48: {  	p0 =	sne.s32 s1, $0x0;
	_ =	strace $0x90000047  }
0x49: {  	s0 =	sadd.s32 @!p0 $0x100000, s0;
	[bflag:$0x2] =	sbarrier.arrive $0xFFFF  }
0x4a: {  	[sflag:s0] =	ssyncadd.tile.s32 @!p0 $0x1;
	_ =	shalt  }
.Lfunc_end2:
_tile_overlayer_lowered:
.L_overlay_start_2:
0x4b: {  	(tag) =	ssettag $0x2  }
0x4c: {  	s0 =	rddreg [dreg:$0x0];
	s2 =	stileid.u32  }
0x4d: {  	s1 =	rddreg [dreg:$0x1];
	p0 =	sne.s32 s2, $0x0  }
0x4e: {  	s3 =	rddreg [dreg:$0x2];
	[bflag:$0x3] =	sbarrier.arrive $0xFFFF;
	s2 =	simm.s32 @!p0 $0x1C01  }
0x4f: {  	[timem:s3], [sflag:s2] =	dma.local @!p0 [hbm:s0], s1  }
0x50: {  	s0 =	simm.s32 @!p0 $0x1  }
0x51: {  	_ =	swait.ge @!p0 [sflag:s0], s1  }
0x52: {  	s1 =	ssub.s32 @!p0 $0x0, s1;
	[sflag:s0] =	ssyncset.done @!p0 $0x0  }
0x53: {  	[sflag:s0] =	ssyncadd.s32 @!p0 s1  }
0x54: {  	[bflag:$0x3] =	sbarrier.arrive $0xFFFF  }
0x55: {  	_ =	shalt  }

// kernel: gather_offload_async_start.3
scs
__scs_entry_jumppad:
0x0: {  	(pc) =	sbr.rel $0x88, $3  }
0x1: {  	(tag) =	ssettag $0x0;
	lr =	simm.s32 $0x1  }
0x2: {  	[smem:$0x3F9D] =	sst lr;
	_ =	strace $0xD0000000  }
0x3: {  	_ = 	snop  }
0x4: {  	_ = 	snop  }
0x5: {  	_ = 	snop  }
0x6: {  	_ = 	snop  }
0x7: {  	_ = 	snop  }
__scs_overlays_trampoline_lowered:
0x8: {  	[smem:$0x3FAC] =	sst s0  }
0x9: {  	[smem:$0x3FAD] =	sst s1  }
0xa: {  	[smem:$0x3FAE] =	sst s2  }
0xb: {  	[smem:$0x3FAF] =	sst s3  }
0xc: {  	[smem:$0x3FB0] =	sst s4  }
0xd: {  	[smem:$0x3FB1] =	sst s5  }
0xe: {  	[smem:$0x3FB2] =	sst s6  }
0xf: {  	[smem:$0x3FB3] =	sst s7  }
0x10: {  	[smem:$0x3FB4] =	sst s8  }
0x11: {  	[smem:$0x3FB5] =	sst s9;
	s0 =	simm.s32 @!p0 $0x0  }
0x12: {  	s1 =	sld [smem:$0x3F9B];
	s0 =	simm.s32 @p0 $0x1  }
0x13: {  	[smem:$0x3FB6] =	sst s0;
	s0 =	simm.s32 @!p1 $0x0  }
0x14: {  	s2 =	sld [smem:$0x3F9A];
	s0 =	simm.s32 @p1 $0x1  }
0x15: {  	[smem:$0x3FB7] =	sst s0;
	s0 =	simm.s32 @!p2 $0x0  }
0x16: {  	s3 =	sld [smem:$0x3FDB];
	s0 =	simm.s32 @p2 $0x1  }
0x17: {  	s4 =	simm.s32 $0x1BF5;
	[smem:$0x3FB9] =	sst s0  }
0x18: {  	s0 =	sld [smem:$0x3F9C];
	_ =	swait.ge [sflag:s4], $0x0  }
0x19: {  	s7 =	sld [smem:$0x3F9D]  }
0x1a: {  	s8 =	sadd.s32 $0xFFFFE003, lr  }
0x1b: {  	s9 =	sadd.s32 $0xFFFFFEF7, lr;
	s5 =	simm.s32 $0xFFFFFFFF;
	p2 =	slt.u32 s8, $0xFFFFF086  }
0x1c: {  	p1 =	slt.u32 s9, $0xF7A;
	s5 =	simm.s32 @!p2 $0x0  }
0x1d: {  	s5 =	simm.s32 @p1 $0x1;
	p0 =	seq.s32 s7, s2  }
0x1e: {  	s7 =	smul.u32 @!p0 $0xF7A, s2;
	p2 =	seq.s32 @!p0 s5, $0x0  }
0x1f: {  	s9 =	smul.u32 $0xF7A, s1;
	s8 =	simm.s32 @!p0 $0x1BF5;
	p2 =	por !p2, p0  }
0x20: {  	[sflag:s8] =	ssyncset.s32 @!p0 $0xFFFFF086;
	s6 =	sadd.s32 @!p0 s3, s7;
	s7 =	simm.s32 @!p0 $0x108  }
0x21: {  	s3 =	sadd.s32 s3, s9;
	s6 =	sadd.s32 @!p0 $0x88, s6;
	s7 =	simm.s32 @p2 $0x1082  }
0x22: {  	[simem:s7], [sflag:s8] =	dma.local @!p0 [hbm:s6], $0xF7A  }
0x23: {  	s9 =	sor.u32 $0xD0000000, s2;
	s6 =	simm.s32 $0x108;
	_ =	swait.ge @!p0 [sflag:s8], $0x0  }
0x24: {  	s3 =	sadd.s32 $0x88, s3;
	s6 =	simm.s32 @!p1 $0x1082;
	[sflag:s4] =	ssyncset.s32 $0xFFFFF086  }
0x25: {  	[simem:s6], [sflag:s4] =	dma.local [hbm:s3], $0xF7A  }
0x26: {  	[smem:$0x3F9D] =	sst s1;
	(tag) =	ssettag s2;
	_ =	strace s9  }
0x27: {  	s1 =	sld [smem:$0x3FAD]  }
0x28: {  	s2 =	sld [smem:$0x3FAE]  }
0x29: {  	s4 =	sld [smem:$0x3FB0]  }
0x2a: {  	p0 =	seq.s32 s5, $0x0;
	s5 =	sld [smem:$0x3FB1]  }
0x2b: {  	s6 =	sld [smem:$0x3FB2]  }
0x2c: {  	s7 =	sld [smem:$0x3FB3]  }
0x2d: {  	s3 =	simm.s32 $0x108;
	s8 =	sld [smem:$0x3FB4]  }
0x2e: {  	s3 =	simm.s32 @!p0 $0x1082;
	s9 =	sld [smem:$0x3FB5]  }
0x2f: {  	lr =	sadd.s32 s0, s3;
	s0 =	sld [smem:$0x3FAC]  }
0x30: {  	s3 =	sld [smem:$0x3FAF]  }
0x31: {  	[smem:$0x3FB8] =	sst s10  }
0x32: {  	s10 =	sld [smem:$0x3FB6];
	_ =	sdelay $0x3  }
0x33: {  	p0 =	seq.s32 s10, $0x1;
	s10 =	sld [smem:$0x3FB8];
	_ =	sdelay $0x3  }
0x34: {  	[smem:$0x3FB8] =	sst s10  }
0x35: {  	s10 =	sld [smem:$0x3FB7];
	_ =	sdelay $0x3  }
0x36: {  	p1 =	seq.s32 s10, $0x1;
	s10 =	sld [smem:$0x3FB8];
	_ =	sdelay $0x3  }
0x37: {  	[smem:$0x3FB8] =	sst s10  }
0x38: {  	s10 =	sld [smem:$0x3FB9]  }
0x39: {  	_ = 	snop;
	(pc) =	sbr.ind lr, $3  }
0x3a: {  	_ = 	snop  }
0x3b: {  	_ = 	snop  }
0x3c: {  	p2 =	seq.s32 s10, $0x1;
	s10 =	sld [smem:$0x3FB8]  }
0x3d: {  	_ =	shalt  }
0x3e: {  	_ =	shalt  }
0x3f: {  	_ =	shalt  }
0x40: {  	_ =	shalt  }
0x41: {  	_ =	shalt  }
0x42: {  	_ =	shalt  }
0x43: {  	_ =	shalt  }
0x44: {  	_ =	shalt  }
0x45: {  	_ =	shalt  }
0x46: {  	_ =	shalt  }
0x47: {  	_ =	shalt  }
0x48: {  	_ =	shalt  }
0x49: {  	_ =	shalt  }
0x4a: {  	_ =	shalt  }
0x4b: {  	_ =	shalt  }
0x4c: {  	_ =	shalt  }
0x4d: {  	_ =	shalt  }
0x4e: {  	_ =	shalt  }
0x4f: {  	_ =	shalt  }
0x50: {  	_ =	shalt  }
0x51: {  	_ =	shalt  }
0x52: {  	_ =	shalt  }
0x53: {  	_ =	shalt  }
0x54: {  	_ =	shalt  }
0x55: {  	_ =	shalt  }
0x56: {  	_ =	shalt  }
0x57: {  	_ =	shalt  }
0x58: {  	_ =	shalt  }
0x59: {  	_ =	shalt  }
0x5a: {  	_ =	shalt  }
0x5b: {  	_ =	shalt  }
0x5c: {  	_ =	shalt  }
0x5d: {  	_ =	shalt  }
0x5e: {  	_ =	shalt  }
0x5f: {  	_ =	shalt  }
0x60: {  	_ =	shalt  }
0x61: {  	_ =	shalt  }
0x62: {  	_ =	shalt  }
0x63: {  	_ =	shalt  }
0x64: {  	_ =	shalt  }
0x65: {  	_ =	shalt  }
0x66: {  	_ =	shalt  }
0x67: {  	_ =	shalt  }
0x68: {  	_ =	shalt  }
0x69: {  	_ =	shalt  }
0x6a: {  	_ =	shalt  }
0x6b: {  	_ =	shalt  }
0x6c: {  	_ =	shalt  }
0x6d: {  	_ =	shalt  }
0x6e: {  	_ =	shalt  }
0x6f: {  	_ =	shalt  }
0x70: {  	_ =	shalt  }
0x71: {  	_ =	shalt  }
0x72: {  	_ =	shalt  }
0x73: {  	_ =	shalt  }
0x74: {  	_ =	shalt  }
0x75: {  	_ =	shalt  }
0x76: {  	_ =	shalt  }
0x77: {  	_ =	shalt  }
0x78: {  	_ =	shalt  }
0x79: {  	_ =	shalt  }
0x7a: {  	_ =	shalt  }
0x7b: {  	_ =	shalt  }
0x7c: {  	_ =	shalt  }
0x7d: {  	_ =	shalt  }
0x7e: {  	_ =	shalt  }
0x7f: {  	_ =	shalt  }
0x80: {  	_ =	shalt  }
0x81: {  	_ =	shalt  }
0x82: {  	_ =	shalt  }
0x83: {  	_ =	shalt  }
0x84: {  	_ =	shalt  }
0x85: {  	_ =	shalt  }
0x86: {  	_ =	shalt  }
0x87: {  	_ =	shalt  }
.Lfunc_end0:
.L_simem_size_0:
called_computation.3_lowered:
.L_overlay_start_0:
0x88: {  	s2 =	sld [smem:$0x3FD9]  }
0x89: {  	s3 =	sld [smem:$0x3FFE];
	_ =	sdelay $0x1  }
0x8a: {  	s1 =	srdreg.scid  }
0x8b: {  	s0 =	sand.u32 $0x1, s1  }
0x8c: {  	s14 =	sshll.u32 s0, $0xA;
	s2 =	sadd.s32 s3, s2  }
0x8d: {  	s2 =	sadd.s32 s2, s14  }
0x8e: {  	[smem:$0x3FC4] =	sst s2  }
0x8f: {  	_ = 	snop  }
0x90: {  	s2 =	sld [smem:$0x3FD0];
	_ =	sdelay $0x2  }
0x91: {  	s15 =	simm.s32 $0xA;
	s4 =	simm.s32 $0x10  }
0x92: {  	[smem:s4], [sflag:s15] =	dma.local [hbm:s2], $0x1  }
0x93: {  	_ =	swait.eq [sflag:s15], $0x1  }
0x94: {  	[sflag:s15] =	ssyncset.done $0x0  }
0x95: {  	[sflag:s15] =	ssyncadd.s32 $0xFFFFFFFF  }
0x96: {  	s16 =	sld [smem:$0x10];
	(tm) =	ssettm $0x1  }
0x97: {  	s17 =	sld [smem:$0x3FFB];
	_ =	sdelay $0x3  }
0x98: {  	_ =	strace s17  }
0x99: {  	s3 =	sld [smem:$0x3FFC];
	_ =	sdelay $0x3  }
0x9a: {  	_ =	strace s3  }
0x9b: {  	s3 =	sld [smem:$0x3FFD];
	_ =	sdelay $0x3  }
0x9c: {  	_ =	strace s3  }
0x9d: {  	_ =	strace $0x8FFFFFFF  }
0x9e: {  	s18 =	sld [smem:$0x3FDB];
	_ =	sdelay $0x1  }
0x9f: {  	s19 =	simm.s32 $_scs_section_size  }
0xa0: {  	s5 =	simm.s32 $_size__tile_overlayer_lowered;
	s6 =	simm.s32 $_tile_overlayer_lowered  }
0xa1: {  	s22 =	simm.s32 $0x1BFF;
	s21 =	sshll.u32 s6, $0x1;
	s3 =	sadd.s32 s19, s18  }
0xa2: {  	s7 =	simm.s32 $0x0;
	s20 =	sshll.u32 s5, $0x1;
	s5 =	sadd.s32 s21, s3  }
0xa3: {  	[timem:s7], [sflag:s22] =	dma.local [hbm:s5], s20  }
0xa4: {  	_ =	swait.ge [sflag:s22], s20  }
0xa5: {  	s4 =	ssub.s32 $0x0, s20;
	[sflag:s22] =	ssyncset.done $0x0  }
0xa6: {  	[sflag:s22] =	ssyncadd.s32 s4;
	_ =	sdelay $0x1  }
0xa7: {  	s23 =	simm.s32 $0x1B8B  }
0xa8: {  	_ =	swait.ge [sflag:s23], $0x1  }
0xa9: {  	[sflag:s23] =	ssyncset.done $0x0  }
0xaa: {  	s25 =	simm.s32 $0x1B8E;
	s24 =	sld [smem:$0x3FFE];
	[sflag:s23] =	ssyncadd.s32 $0xFFFFFFFF  }
0xab: {  	s26 =	simm.s32 $execute0_lowered;
	[smem:$0x3FD2] =	sst s25  }
0xac: {  	s5 =	sshll.u32 s26, $0x1;
	_ =	strace $0x8000005B;
	[dreg:$0x1] =	wrdreg $0xFFFFFFFF  }
0xad: {  	s28 =	simm.s32 $_size_execute0_lowered;
	s3 =	sadd.s32 s3, s5;
	[dreg:$0x0] =	wrdreg $0x0  }
0xae: {  	s5 =	sshll.u32 s28, $0x1;
	[dreg:$0x2] =	wrdreg s3  }
0xaf: {  	[dreg:$0x3] =	wrdreg s5  }
0xb0: {  	[dreg:$0x4] =	wrdreg $0xC0  }
0xb1: {  	_ =	task [dreg:s7], $0x5FFFF  }
0xb2: {  	[dreg:$0x1] =	wrdreg $0xFFFFFFFF  }
0xb3: {  	[dreg:$0x0] =	wrdreg $0x60  }
0xb4: {  	[dreg:$0x2] =	wrdreg s24  }
0xb5: {  	[dreg:$0x3] =	wrdreg s16  }
0xb6: {  	[dreg:$0x4] =	wrdreg $0x9  }
0xb7: {  	_ =	task.clear_ibuf [dreg:s7], $0x5FFFF;
	_ =	strace $0x9000005B  }
0xb8: {  	s29 =	simm.s32 $0x9;
	_ =	strace $0x8000005D  }
0xb9: {  	_ =	swait.ge [sflag:s29], $0x1  }
0xba: {  	[sflag:s29] =	ssyncadd.s32 $0xFFFFFFFF  }
0xbb: {  	_ =	strace $0x9000005D  }
0xbc: {  	_ =	sfence  }
0xbd: {  	s30 =	sld [smem:$0x0];
	_ =	sdelay $0x2  }
0xbe: {  	s31 =	sshll.u32 s1, $0xD;
	s1 =	sshrl.u32 s1, $0x2  }
0xbf: {  	s3 =	sand.u32 $0x4000, s31;
	s1 =	sadd.s32 s1, s30  }
0xc0: {  	s0 =	sor.u32 s3, s0;
	s1 =	sshll.u32 s1, $0x11  }
0xc1: {  	s0 =	sor.u32 s1, s0  }
0xc2: {  	s0 =	sadd.s32 $0x8F2B, s0  }
0xc3: {  	[sflag:s0] =	ssyncadd.remote.s32 $0x1  }
0xc4: {  	_ =	sfence.sel $0xFFFF  }
0xc5: {  	[dreg:$0x0] =	wrdreg $0xFFFFFFFF;
	(pc) =	sbr.abs _section_cstart, $3  }
0xc6: {  	[dreg:$0x1] =	wrdreg $0xFFFFFFFF  }
0xc7: {  	_ =	task.clear_ibuf [dreg:s7], $0x2FFFF;
	_ =	strace $0x9FFFFFFF  }
0xc8: {  	(tm) =	ssettm $0x7FFFFFFF  }
0xc9: {  	_ =	shalt  }
tec
execute0_lowered:
.L_overlay_start_1:
0x0: {  	(tag) =	ssettag $0x1  }
0x1: {  	s8 =	rddreg [dreg:$0x0]  }
0x2: {  	s2 =	rddreg [dreg:$0x1]  }
0x3: {  	s0 =	rddreg [dreg:$0x2];
	s1 =	stileid.u32  }
0x4: {  	s3 =	srdreg.scid;
	_ =	strace $0x8000005C;
	s4 =	simm.s32 $0x1  }
0x5: {  	s7 =	simm.s32 $0x1;
	s9 =	simm.s32 $0x1;
	s10 =	simm.s32 $0x3  }
0x6: {  	s13 =	simm.s32 $0x0;
	s5 =	sand.u32 $0x1, s3;
	s6 =	sshll.u32 s1, $0x1  }
0x7: {  	s12 =	simm.s32 $0x0;
	s3 =	sadd.s32 $0xEE00, s8;
	s5 =	sor.u32 s6, s5  }
.Ltmp0:
0x8: {  	[sflag:s4] =	ssyncpa.u1 $0x0;
	p0 =	slt.u32 s5, $0x13;
	(pc) =	sbr.rel .LBB2_1-.Ltmp0, $4  }
0x9: {  	s6 =	simm.s32 $0x2;
	s7 =	simm.s32 @!p0 $0x0;
	p0 =	sne.s32 s5, $0x12  }
0xa: {  	[sflag:s6] =	ssyncpa.u1 $0x0;
	s5 =	smul.u32 $0x60, s5;
	s9 =	simm.s32 @!p0 $0x0  }
0xb: {  	s8 =	sadd.s32 $0x600, s8;
	[sflag:s10] =	ssyncpa.u1 $0x0;
	s7 =	sadd.s32 s9, s7  }
0xc: {  	vm0 =	vmmov $0xffff;
	s10 =	simm.s32 $0x0;
	s11 =	smov.u32 s5;
	s9 =	sadd.s32 $0x1, s7  }
.LBB2_4:
0xd: {  	v2 =	vand.u32 $0x3, v2;
	v3 =	vshrl.u32 v0, $0x4;
	v63 =	vshll.u32 v0, $0xB  }
0xe: {  	v2 =	vsel vm1, $0xFFFFFFFF, v2;
	v3 =	vand.u32 $0x1FF, v3;
	v0 =	vand.u32 $0x1800, v63  }
0xf: {  	v3 =	vsel vm1, $0xFFFFFFFF, v3;
	v0 =	vsel vm1, $0xFFFFF800, v0;
	v4 =	vand.u32 $0xFFFFF800, v2  }
0x10: {  	v5 =	vand.u32 $0x7F, v3;
	v0 =	vadd.s32 v0, v4;
	v3 =	vshll.u32 v3, $0x2  }
0x11: {  	v2 =	vshll.u32 v2, $0x7;
	v3 =	vand.u32 $0xFFFFFE00, v3;
	v0 =	vor.u32 v5, v0  }
0x12: {  	v2 =	vand.u32 $0x180, v2;
	v0 =	vadd.s32 v3, v0  }
0x13: {  	v0 =	vor.u32 v2, v0;
	_ =	sdelay $0x1  }
0x14: {  	(ifvalue) =	ssetifvalue $0x7FFFFFFF;
	s15 =	sadd.s32 $0x10, s15  }
0x15: {  	[tilespmem:s15], [sflag:$0x1] =	stream.indirect_vreg.gather [hbm4b:s3+s10], $0x1, v1, vm0, $0x4038;
	[tilespmem:$0x180] =	vst v63  }
0x16: {  	(ifvalue) =	ssetifvalue $0x7FFFFFFF;
	s15 =	sadd.s32 $0x10, s15  }
0x17: {  	[tilespmem:s15], [sflag:$0x1] =	stream.indirect_vreg.gather [hbm4b:s3+s10], $0x1, v0, vm0, $0x4038;
	[tilespmem:$0x180] =	vst v63  }
0x18: {  	_ =	swait.ge [sflag:s4], $0x60  }
0x19: {  	s30 =	sshrl.u32 s13, $0x3;
	[sflag:s4] =	ssyncset.done $0x0  }
0x1a: {  	s31 =	sand.u32 $0x7, s13;
	s15 =	sadd.s32 s8, s30;
	[sflag:s4] =	ssyncadd.s32 $0xFFFFFFA0  }
0x1b: {  	[hbm4b:s15+s31] =	stream.linear.scatter [tilespmem:s14], [sflag:$0x3], $0x60, $0x38;
	[tilespmem:$0x180] =	vst v63  }
.LBB2_5:
0x1c: {  	s15 =	sadd.s32 $0xC00, s11  }
0x1d: {  	p1 =	sgt.s32 s15, $0x12BF  }
0x1e: {  	s15 =	smov.u32 @p1 s5;
	p1 =	sne.s32 s12, s9  }
.Ltmp1:
0x1f: {  	p0 =	slt.u32 s12, $0x2;
	(pc) =	sbr.rel @!p1 .LBB2_6-.Ltmp1, $4  }
0x20: {  	s14 =	simm.s32 @!p0 $0x3  }
0x21: {  	_ =	swait.ge @!p0 [sflag:s14], $0x60  }
0x22: {  	s16 =	sadd.s32 $0x1, s12;
	s13 =	smov.u32 s11;
	[sflag:s14] =	ssyncset.done @!p0 $0x0  }
0x23: {  	s12 =	smov.u32 s16;
	s11 =	smov.u32 s15;
	[sflag:s14] =	ssyncadd.s32 @!p0 $0xFFFFFFA0  }
.LBB2_1:
0x24: {  	p0 =	sge.u32 s12, s7  }
0x25: {  	s14 =	sxor.u32 @!p0 $0x1, s12  }
0x26: {  	s14 =	smul.u32 @!p0 $0x180, s14  }
0x27: {  	s31 =	sadd.s32 $0xFFFFFFFF, s12;
	s15 =	sshrl.u32 @!p0 s11, $0x3  }
0x28: {  	s16 =	sand.u32 @!p0 $0x7, s11;
	s15 =	sadd.s32 @!p0 s2, s15;
	s14 =	sshra.s32 @!p0 s14, $0x2  }
0x29: {  	[tilespmem:s14], [sflag:$0x2] =	stream.linear.gather @!p0 [hbm4b:s15+s16], $0x60, $0x38;
	[tilespmem:$0x180] =	vst v63  }
0x2a: {  	p0 =	sge.u32 s31, s7  }
.Ltmp2:
0x2b: {  	_ = 	snop;
	(pc) =	sbr.rel @p0 .LBB2_5-.Ltmp2, $1  }
0x2c: {  	_ =	sdelay $0x3  }
0x2d: {  	s14 =	sand.u32 $0x1, s12  }
0x2e: {  	_ =	swait.ge [sflag:s6], $0x60;
	p0 =	seq.s32 s14, $0x1;
	s14 =	simm.s32 $0x60  }
0x2f: {  	[sflag:s6] =	ssyncset.done $0x0;
	s14 =	simm.s32 @!p0 $0x0  }
0x30: {  	[sflag:s6] =	ssyncadd.s32 $0xFFFFFFA0;
	(ifvalue) =	ssetifvalue $0x7FFFFFFF;
	v0 =	vld.msk [tilespmem:s14+$0x0 ss:$0x1], $0xffff;
	_ =	sdelay $0x1  }
0x31: {  	s15 =	sadd.s32 $0x10, s14  }
0x32: {  	v3 =	vld.msk [tilespmem:s15+$0x0 ss:$0x1], $0xffff;
	_ =	sdelay $0x1  }
0x33: {  	vm1 =	veq.s32 v0, $0x80000000  }
0x34: {  	v1 =	vshrl.u32 v0, $0x2;
	v2 =	vshrl.u32 v0, $0x4;
	v0 =	vshll.u32 v0, $0xB  }
0x35: {  	v1 =	vand.u32 $0x3, v1;
	v2 =	vand.u32 $0x1FF, v2;
	v0 =	vand.u32 $0x1800, v0  }
0x36: {  	v62 =	vshrl.u32 v3, $0x4;
	v1 =	vsel vm1, $0xFFFFFFFF, v1;
	v2 =	vsel vm1, $0xFFFFFFFF, v2  }
0x37: {  	v0 =	vsel vm1, $0xFFFFF800, v0;
	vm1 =	veq.s32 v3, $0x80000000;
	v4 =	vand.u32 $0xFFFFF800, v1  }
0x38: {  	v5 =	vand.u32 $0x7F, v2;
	v2 =	vshll.u32 v2, $0x2;
	v0 =	vadd.s32 v0, v4  }
0x39: {  	v1 =	vshll.u32 v1, $0x7;
	v2 =	vand.u32 $0xFFFFFE00, v2;
	v0 =	vor.u32 v5, v0  }
0x3a: {  	v1 =	vand.u32 $0x180, v1;
	v0 =	vadd.s32 v2, v0;
	v2 =	vshrl.u32 v3, $0x2  }
0x3b: {  	s15 =	sadd.s32 $0x10, s15;
	v3 =	vshll.u32 v3, $0xB;
	v1 =	vor.u32 v1, v0;
	v2 =	vand.u32 $0x3, v2  }
0x3c: {  	v4 =	vand.u32 $0x1FF, v62;
	v0 =	vld.msk [tilespmem:s15+$0x0 ss:$0x1], $0xffff;
	v3 =	vand.u32 $0x1800, v3;
	v2 =	vsel vm1, $0xFFFFFFFF, v2  }
0x3d: {  	v4 =	vsel vm1, $0xFFFFFFFF, v4;
	v3 =	vsel vm1, $0xFFFFF800, v3;
	v63 =	vand.u32 $0xFFFFF800, v2  }
0x3e: {  	v6 =	vand.u32 $0x7F, v4;
	v4 =	vshll.u32 v4, $0x2;
	v3 =	vadd.s32 v3, v63  }
0x3f: {  	s14 =	sadd.s32 $0xC0, s14;
	(ifvalue) =	ssetifvalue $0x7FFFFFFF;
	v4 =	vand.u32 $0xFFFFFE00, v4;
	v2 =	vshll.u32 v2, $0x7;
	v3 =	vor.u32 v6, v3  }
0x40: {  	[tilespmem:s14], [sflag:$0x1] =	stream.indirect_vreg.gather [hbm4b:s3+s10], $0x1, v1, vm0, $0x4038;
	v1 =	vand.u32 $0x180, v2;
	v3 =	vadd.s32 v4, v3;
	[tilespmem:$0x180] =	vst v63  }
0x41: {  	s16 =	simm.s32 $0x20;
	s17 =	sadd.s32 $0x10, s15;
	s15 =	smov.u32 s14;
	vm1 =	veq.s32 v0, $0x80000000;
	v2 =	vshrl.u32 v0, $0x2;
	v1 =	vor.u32 v1, v3  }
.LBB2_3:
0x42: {  	s16 =	sadd.s32 $0x10, s16;
	v2 =	vand.u32 $0x3, v2;
	v3 =	vshrl.u32 v0, $0x4;
	v4 =	vshll.u32 v0, $0xB;
	v0 =	vld.msk [tilespmem:s17+$0x0 ss:$0x1], $0xffff  }
0x43: {  	p0 =	slt.u32 s16, $0x50;
	v2 =	vsel vm1, $0xFFFFFFFF, v2;
	v3 =	vand.u32 $0x1FF, v3;
	v4 =	vand.u32 $0x1800, v4  }
.Ltmp3:
0x44: {  	v3 =	vsel vm1, $0xFFFFFFFF, v3;
	v4 =	vsel vm1, $0xFFFFF800, v4;
	v5 =	vand.u32 $0xFFFFF800, v2;
	(pc) =	sbr.rel @p0 .LBB2_3-.Ltmp3, $4  }
0x45: {  	s15 =	sadd.s32 $0x10, s15;
	v6 =	vand.u32 $0x7F, v3;
	v4 =	vadd.s32 v4, v5;
	v3 =	vshll.u32 v3, $0x2;
	(ifvalue) =	ssetifvalue $0x7FFFFFFF  }
0x46: {  	v2 =	vshll.u32 v2, $0x7;
	v3 =	vand.u32 $0xFFFFFE00, v3;
	v4 =	vor.u32 v6, v4;
	[tilespmem:s15], [sflag:$0x1] =	stream.indirect_vreg.gather [hbm4b:s3+s10], $0x1, v1, vm0, $0x4038;
	[tilespmem:$0x180] =	vst v63  }
0x47: {  	v1 =	vand.u32 $0x180, v2;
	v3 =	vadd.s32 v3, v4  }
0x48: {  	s17 =	sadd.s32 $0x10, s17;
	vm1 =	veq.s32 v0, $0x80000000;
	v2 =	vshrl.u32 v0, $0x2;
	v1 =	vor.u32 v1, v3  }
.Ltmp4:
0x49: {  	_ = 	snop;
	(pc) =	sbr.rel .LBB2_4-.Ltmp4, $1  }
0x4a: {  	_ =	sdelay $0x3  }
.LBB2_6:
0x4b: {  	_ =	sfence.sel $0x180000  }
0x4c: {  	s2 =	simm.s32 $0x2;
	[bflag:$0x0] =	sbarrier.arrive $0xFFFF  }
0x4d: {  	s30 =	simm.s32 $0x3;
	[sflag:s2] =	ssyncpa.u1 $0x1  }
0x4e: {  	s31 =	simm.s32 $0x1;
	[sflag:s30] =	ssyncpa.u1 $0x1  }
0x4f: {  	[sflag:s31] =	ssyncpa.u1 $0x1  }
0x50: {  	p0 =	sne.s32 s1, $0x0;
	_ =	strace $0x9000005C  }
0x51: {  	s0 =	sadd.s32 @!p0 $0x100000, s0;
	[bflag:$0x2] =	sbarrier.arrive $0xFFFF  }
0x52: {  	[sflag:s0] =	ssyncadd.tile.s32 @!p0 $0x1;
	_ =	shalt  }
.Lfunc_end2:
_tile_overlayer_lowered:
.L_overlay_start_2:
0x53: {  	(tag) =	ssettag $0x2  }
0x54: {  	s0 =	rddreg [dreg:$0x0];
	s2 =	stileid.u32  }
0x55: {  	s1 =	rddreg [dreg:$0x1];
	p0 =	sne.s32 s2, $0x0  }
0x56: {  	s3 =	rddreg [dreg:$0x2];
	[bflag:$0x3] =	sbarrier.arrive $0xFFFF;
	s2 =	simm.s32 @!p0 $0x1C01  }
0x57: {  	[timem:s3], [sflag:s2] =	dma.local @!p0 [hbm:s0], s1  }
0x58: {  	s0 =	simm.s32 @!p0 $0x1  }
0x59: {  	_ =	swait.ge @!p0 [sflag:s0], s1  }
0x5a: {  	s1 =	ssub.s32 @!p0 $0x0, s1;
	[sflag:s0] =	ssyncset.done @!p0 $0x0  }
0x5b: {  	[sflag:s0] =	ssyncadd.s32 @!p0 s1  }
0x5c: {  	[bflag:$0x3] =	sbarrier.arrive $0xFFFF  }
0x5d: {  	_ =	shalt  }

// kernel: gather_offload_async_start.4
scs
__scs_entry_jumppad:
0x0: {  	(pc) =	sbr.rel $0x88, $3  }
0x1: {  	(tag) =	ssettag $0x0;
	lr =	simm.s32 $0x1  }
0x2: {  	[smem:$0x3F9D] =	sst lr;
	_ =	strace $0xD0000000  }
0x3: {  	_ = 	snop  }
0x4: {  	_ = 	snop  }
0x5: {  	_ = 	snop  }
0x6: {  	_ = 	snop  }
0x7: {  	_ = 	snop  }
__scs_overlays_trampoline_lowered:
0x8: {  	[smem:$0x3FAC] =	sst s0  }
0x9: {  	[smem:$0x3FAD] =	sst s1  }
0xa: {  	[smem:$0x3FAE] =	sst s2  }
0xb: {  	[smem:$0x3FAF] =	sst s3  }
0xc: {  	[smem:$0x3FB0] =	sst s4  }
0xd: {  	[smem:$0x3FB1] =	sst s5  }
0xe: {  	[smem:$0x3FB2] =	sst s6  }
0xf: {  	[smem:$0x3FB3] =	sst s7  }
0x10: {  	[smem:$0x3FB4] =	sst s8  }
0x11: {  	[smem:$0x3FB5] =	sst s9;
	s0 =	simm.s32 @!p0 $0x0  }
0x12: {  	s1 =	sld [smem:$0x3F9B];
	s0 =	simm.s32 @p0 $0x1  }
0x13: {  	[smem:$0x3FB6] =	sst s0;
	s0 =	simm.s32 @!p1 $0x0  }
0x14: {  	s2 =	sld [smem:$0x3F9A];
	s0 =	simm.s32 @p1 $0x1  }
0x15: {  	[smem:$0x3FB7] =	sst s0;
	s0 =	simm.s32 @!p2 $0x0  }
0x16: {  	s3 =	sld [smem:$0x3FDB];
	s0 =	simm.s32 @p2 $0x1  }
0x17: {  	s4 =	simm.s32 $0x1BF5;
	[smem:$0x3FB9] =	sst s0  }
0x18: {  	s0 =	sld [smem:$0x3F9C];
	_ =	swait.ge [sflag:s4], $0x0  }
0x19: {  	s7 =	sld [smem:$0x3F9D]  }
0x1a: {  	s8 =	sadd.s32 $0xFFFFE003, lr  }
0x1b: {  	s9 =	sadd.s32 $0xFFFFFEF7, lr;
	s5 =	simm.s32 $0xFFFFFFFF;
	p2 =	slt.u32 s8, $0xFFFFF086  }
0x1c: {  	p1 =	slt.u32 s9, $0xF7A;
	s5 =	simm.s32 @!p2 $0x0  }
0x1d: {  	s5 =	simm.s32 @p1 $0x1;
	p0 =	seq.s32 s7, s2  }
0x1e: {  	s7 =	smul.u32 @!p0 $0xF7A, s2;
	p2 =	seq.s32 @!p0 s5, $0x0  }
0x1f: {  	s9 =	smul.u32 $0xF7A, s1;
	s8 =	simm.s32 @!p0 $0x1BF5;
	p2 =	por !p2, p0  }
0x20: {  	[sflag:s8] =	ssyncset.s32 @!p0 $0xFFFFF086;
	s6 =	sadd.s32 @!p0 s3, s7;
	s7 =	simm.s32 @!p0 $0x108  }
0x21: {  	s3 =	sadd.s32 s3, s9;
	s6 =	sadd.s32 @!p0 $0x88, s6;
	s7 =	simm.s32 @p2 $0x1082  }
0x22: {  	[simem:s7], [sflag:s8] =	dma.local @!p0 [hbm:s6], $0xF7A  }
0x23: {  	s9 =	sor.u32 $0xD0000000, s2;
	s6 =	simm.s32 $0x108;
	_ =	swait.ge @!p0 [sflag:s8], $0x0  }
0x24: {  	s3 =	sadd.s32 $0x88, s3;
	s6 =	simm.s32 @!p1 $0x1082;
	[sflag:s4] =	ssyncset.s32 $0xFFFFF086  }
0x25: {  	[simem:s6], [sflag:s4] =	dma.local [hbm:s3], $0xF7A  }
0x26: {  	[smem:$0x3F9D] =	sst s1;
	(tag) =	ssettag s2;
	_ =	strace s9  }
0x27: {  	s1 =	sld [smem:$0x3FAD]  }
0x28: {  	s2 =	sld [smem:$0x3FAE]  }
0x29: {  	s4 =	sld [smem:$0x3FB0]  }
0x2a: {  	p0 =	seq.s32 s5, $0x0;
	s5 =	sld [smem:$0x3FB1]  }
0x2b: {  	s6 =	sld [smem:$0x3FB2]  }
0x2c: {  	s7 =	sld [smem:$0x3FB3]  }
0x2d: {  	s3 =	simm.s32 $0x108;
	s8 =	sld [smem:$0x3FB4]  }
0x2e: {  	s3 =	simm.s32 @!p0 $0x1082;
	s9 =	sld [smem:$0x3FB5]  }
0x2f: {  	lr =	sadd.s32 s0, s3;
	s0 =	sld [smem:$0x3FAC]  }
0x30: {  	s3 =	sld [smem:$0x3FAF]  }
0x31: {  	[smem:$0x3FB8] =	sst s10  }
0x32: {  	s10 =	sld [smem:$0x3FB6];
	_ =	sdelay $0x3  }
0x33: {  	p0 =	seq.s32 s10, $0x1;
	s10 =	sld [smem:$0x3FB8];
	_ =	sdelay $0x3  }
0x34: {  	[smem:$0x3FB8] =	sst s10  }
0x35: {  	s10 =	sld [smem:$0x3FB7];
	_ =	sdelay $0x3  }
0x36: {  	p1 =	seq.s32 s10, $0x1;
	s10 =	sld [smem:$0x3FB8];
	_ =	sdelay $0x3  }
0x37: {  	[smem:$0x3FB8] =	sst s10  }
0x38: {  	s10 =	sld [smem:$0x3FB9]  }
0x39: {  	_ = 	snop;
	(pc) =	sbr.ind lr, $3  }
0x3a: {  	_ = 	snop  }
0x3b: {  	_ = 	snop  }
0x3c: {  	p2 =	seq.s32 s10, $0x1;
	s10 =	sld [smem:$0x3FB8]  }
0x3d: {  	_ =	shalt  }
0x3e: {  	_ =	shalt  }
0x3f: {  	_ =	shalt  }
0x40: {  	_ =	shalt  }
0x41: {  	_ =	shalt  }
0x42: {  	_ =	shalt  }
0x43: {  	_ =	shalt  }
0x44: {  	_ =	shalt  }
0x45: {  	_ =	shalt  }
0x46: {  	_ =	shalt  }
0x47: {  	_ =	shalt  }
0x48: {  	_ =	shalt  }
0x49: {  	_ =	shalt  }
0x4a: {  	_ =	shalt  }
0x4b: {  	_ =	shalt  }
0x4c: {  	_ =	shalt  }
0x4d: {  	_ =	shalt  }
0x4e: {  	_ =	shalt  }
0x4f: {  	_ =	shalt  }
0x50: {  	_ =	shalt  }
0x51: {  	_ =	shalt  }
0x52: {  	_ =	shalt  }
0x53: {  	_ =	shalt  }
0x54: {  	_ =	shalt  }
0x55: {  	_ =	shalt  }
0x56: {  	_ =	shalt  }
0x57: {  	_ =	shalt  }
0x58: {  	_ =	shalt  }
0x59: {  	_ =	shalt  }
0x5a: {  	_ =	shalt  }
0x5b: {  	_ =	shalt  }
0x5c: {  	_ =	shalt  }
0x5d: {  	_ =	shalt  }
0x5e: {  	_ =	shalt  }
0x5f: {  	_ =	shalt  }
0x60: {  	_ =	shalt  }
0x61: {  	_ =	shalt  }
0x62: {  	_ =	shalt  }
0x63: {  	_ =	shalt  }
0x64: {  	_ =	shalt  }
0x65: {  	_ =	shalt  }
0x66: {  	_ =	shalt  }
0x67: {  	_ =	shalt  }
0x68: {  	_ =	shalt  }
0x69: {  	_ =	shalt  }
0x6a: {  	_ =	shalt  }
0x6b: {  	_ =	shalt  }
0x6c: {  	_ =	shalt  }
0x6d: {  	_ =	shalt  }
0x6e: {  	_ =	shalt  }
0x6f: {  	_ =	shalt  }
0x70: {  	_ =	shalt  }
0x71: {  	_ =	shalt  }
0x72: {  	_ =	shalt  }
0x73: {  	_ =	shalt  }
0x74: {  	_ =	shalt  }
0x75: {  	_ =	shalt  }
0x76: {  	_ =	shalt  }
0x77: {  	_ =	shalt  }
0x78: {  	_ =	shalt  }
0x79: {  	_ =	shalt  }
0x7a: {  	_ =	shalt  }
0x7b: {  	_ =	shalt  }
0x7c: {  	_ =	shalt  }
0x7d: {  	_ =	shalt  }
0x7e: {  	_ =	shalt  }
0x7f: {  	_ =	shalt  }
0x80: {  	_ =	shalt  }
0x81: {  	_ =	shalt  }
0x82: {  	_ =	shalt  }
0x83: {  	_ =	shalt  }
0x84: {  	_ =	shalt  }
0x85: {  	_ =	shalt  }
0x86: {  	_ =	shalt  }
0x87: {  	_ =	shalt  }
.Lfunc_end0:
.L_simem_size_0:
called_computation.4_lowered:
.L_overlay_start_0:
0x88: {  	s0 =	sld [smem:$0x3FD9]  }
0x89: {  	s1 =	sld [smem:$0x3FFE];
	_ =	sdelay $0x3  }
0x8a: {  	s0 =	sadd.s32 s1, s0  }
0x8b: {  	[smem:$0x3FC4] =	sst s0  }
0x8c: {  	_ = 	snop  }
0x8d: {  	(tm) =	ssettm $0x1  }
0x8e: {  	s15 =	sld [smem:$0x3FFB];
	_ =	sdelay $0x3  }
0x8f: {  	_ =	strace s15  }
0x90: {  	s0 =	sld [smem:$0x3FFC];
	_ =	sdelay $0x3  }
0x91: {  	_ =	strace s0  }
0x92: {  	s0 =	sld [smem:$0x3FFD];
	_ =	sdelay $0x3  }
0x93: {  	_ =	strace s0  }
0x94: {  	_ =	strace $0x8FFFFFFF  }
0x95: {  	s16 =	sld [smem:$0x3FDB];
	_ =	sdelay $0x1  }
0x96: {  	s17 =	simm.s32 $_scs_section_size  }
0x97: {  	s2 =	simm.s32 $_size__tile_overlayer_lowered;
	s3 =	simm.s32 $_tile_overlayer_lowered  }
0x98: {  	s20 =	simm.s32 $0x1BFF;
	s19 =	sshll.u32 s3, $0x1;
	s0 =	sadd.s32 s17, s16  }
0x99: {  	s4 =	simm.s32 $0x0;
	s18 =	sshll.u32 s2, $0x1;
	s2 =	sadd.s32 s19, s0  }
0x9a: {  	[timem:s4], [sflag:s20] =	dma.local [hbm:s2], s18  }
0x9b: {  	_ =	swait.ge [sflag:s20], s18  }
0x9c: {  	s1 =	ssub.s32 $0x0, s18;
	[sflag:s20] =	ssyncset.done $0x0  }
0x9d: {  	[sflag:s20] =	ssyncadd.s32 s1;
	_ =	sdelay $0x1  }
0x9e: {  	s21 =	simm.s32 $0x1B8B  }
0x9f: {  	_ =	swait.ge [sflag:s21], $0x1  }
0xa0: {  	[sflag:s21] =	ssyncset.done $0x0  }
0xa1: {  	s23 =	simm.s32 $0x1B8E;
	s22 =	sld [smem:$0x3FFE];
	[sflag:s21] =	ssyncadd.s32 $0xFFFFFFFF  }
0xa2: {  	s24 =	simm.s32 $execute0_lowered;
	[smem:$0x3FD2] =	sst s23  }
0xa3: {  	s2 =	sshll.u32 s24, $0x1;
	_ =	strace $0x80000058;
	[dreg:$0x1] =	wrdreg $0xFFFFFFFF  }
0xa4: {  	s25 =	simm.s32 $_size_execute0_lowered;
	s0 =	sadd.s32 s0, s2;
	[dreg:$0x0] =	wrdreg $0x0  }
0xa5: {  	s2 =	sshll.u32 s25, $0x1;
	[dreg:$0x2] =	wrdreg s0  }
0xa6: {  	[dreg:$0x3] =	wrdreg s2  }
0xa7: {  	[dreg:$0x4] =	wrdreg $0xC0  }
0xa8: {  	_ =	task [dreg:s4], $0x5FFFF  }
0xa9: {  	[dreg:$0x1] =	wrdreg $0xFFFFFFFF  }
0xaa: {  	[dreg:$0x0] =	wrdreg $0x60  }
0xab: {  	[dreg:$0x2] =	wrdreg s22  }
0xac: {  	[dreg:$0x3] =	wrdreg $0x9  }
0xad: {  	_ =	task.clear_ibuf [dreg:s4], $0x4FFFF;
	_ =	strace $0x90000058  }
0xae: {  	s26 =	simm.s32 $0x9;
	_ =	strace $0x8000005A  }
0xaf: {  	_ =	swait.ge [sflag:s26], $0x1  }
0xb0: {  	[sflag:s26] =	ssyncadd.s32 $0xFFFFFFFF  }
0xb1: {  	_ =	strace $0x9000005A  }
0xb2: {  	_ =	sfence  }
0xb3: {  	s28 =	sld [smem:$0x0];
	_ =	sdelay $0x1  }
0xb4: {  	s29 =	srdreg.scid  }
0xb5: {  	s30 =	sshll.u32 s29, $0xD;
	s31 =	sshrl.u32 s29, $0x2  }
0xb6: {  	s1 =	sand.u32 $0x1, s29;
	s2 =	sand.u32 $0x4000, s30;
	s0 =	sadd.s32 s31, s28  }
0xb7: {  	s1 =	sor.u32 s2, s1;
	s0 =	sshll.u32 s0, $0x11  }
0xb8: {  	s0 =	sor.u32 s0, s1  }
0xb9: {  	s0 =	sadd.s32 $0x8F2B, s0  }
0xba: {  	[sflag:s0] =	ssyncadd.remote.s32 $0x1  }
0xbb: {  	_ =	sfence.sel $0xFFFF  }
0xbc: {  	[dreg:$0x0] =	wrdreg $0xFFFFFFFF;
	(pc) =	sbr.abs _section_cstart, $3  }
0xbd: {  	[dreg:$0x1] =	wrdreg $0xFFFFFFFF  }
0xbe: {  	_ =	task.clear_ibuf [dreg:s4], $0x2FFFF;
	_ =	strace $0x9FFFFFFF  }
0xbf: {  	(tm) =	ssettm $0x7FFFFFFF  }
tec
execute0_lowered:
.L_overlay_start_1:
0x0: {  	(tag) =	ssettag $0x1  }
0x1: {  	s8 =	rddreg [dreg:$0x0]  }
0x2: {  	s0 =	rddreg [dreg:$0x1];
	_ =	strace $0x80000059  }
0x3: {  	s4 =	simm.s32 $0x1;
	s1 =	stileid.u32;
	s7 =	simm.s32 $0x1  }
0x4: {  	s9 =	simm.s32 $0x1;
	s6 =	simm.s32 $0x2;
	s10 =	simm.s32 $0x3  }
0x5: {  	s13 =	simm.s32 $0x0;
	s12 =	simm.s32 $0x0;
	s2 =	sadd.s32 $0x600, s8  }
.Ltmp0:
0x6: {  	s3 =	sadd.s32 $0x200, s8;
	p0 =	slt.u32 s1, $0xA;
	(pc) =	sbr.rel .LBB2_1-.Ltmp0, $4  }
0x7: {  	[sflag:s4] =	ssyncpa.u1 $0x0;
	s7 =	simm.s32 @!p0 $0x0;
	p0 =	sne.s32 s1, $0x9  }
0x8: {  	s5 =	smul.u32 $0x30, s1;
	[sflag:s6] =	ssyncpa.u1 $0x0;
	s9 =	simm.s32 @!p0 $0x0  }
0x9: {  	s8 =	sadd.s32 $0x800, s8;
	[sflag:s10] =	ssyncpa.u1 $0x0;
	s7 =	sadd.s32 s9, s7  }
0xa: {  	vm0 =	vmmov $0xffff;
	s10 =	simm.s32 $0x0;
	s11 =	smov.u32 s5;
	s9 =	sadd.s32 $0x1, s7  }
.LBB2_4:
0xb: {  	v2 =	vsel vm1, $0xFFFFFFFF, v2;
	v3 =	vshll.u32 v1, $0x2  }
0xc: {  	v4 =	vand.u32 $0xFFFFF800, v2;
	v3 =	vand.u32 $0xFFFFFE00, v3;
	v2 =	vshll.u32 v2, $0x7  }
0xd: {  	v3 =	vadd.s32 v4, v3;
	v2 =	vand.u32 $0x180, v2  }
0xe: {  	v63 =	vand.u32 $0x7F, v1;
	v2 =	vor.u32 v2, v3  }
0xf: {  	v1 =	vor.u32 v63, v2;
	_ =	sdelay $0x2  }
0x10: {  	[tilespmem:s15], [sflag:$0x1] =	stream.indirect_vreg.gather [hbm4b:s2+s10], $0x1, v0, vm0, $0x4038;
	[tilespmem:$0xC0] =	vst v63  }
0x11: {  	(ifvalue) =	ssetifvalue $0x7FFFFFFF;
	s29 =	sadd.s32 $0x10, s15  }
0x12: {  	[tilespmem:s29], [sflag:$0x1] =	stream.indirect_vreg.gather [hbm4b:s2+s10], $0x1, v1, vm0, $0x4038;
	[tilespmem:$0xC0] =	vst v63  }
0x13: {  	_ =	swait.ge [sflag:s4], $0x30  }
0x14: {  	s30 =	sshrl.u32 s13, $0x3;
	[sflag:s4] =	ssyncset.done $0x0  }
0x15: {  	s31 =	sand.u32 $0x7, s13;
	s15 =	sadd.s32 s8, s30;
	[sflag:s4] =	ssyncadd.s32 $0xFFFFFFD0  }
0x16: {  	[hbm4b:s15+s31] =	stream.linear.scatter [tilespmem:s14], [sflag:$0x3], $0x30, $0x38;
	[tilespmem:$0xC0] =	vst v63  }
.LBB2_5:
0x17: {  	s15 =	sadd.s32 $0x300, s11  }
0x18: {  	p1 =	sgt.s32 s15, $0x4AF  }
0x19: {  	s15 =	smov.u32 @p1 s5;
	p1 =	sne.s32 s12, s9  }
.Ltmp1:
0x1a: {  	p0 =	slt.u32 s12, $0x2;
	(pc) =	sbr.rel @!p1 .LBB2_6-.Ltmp1, $4  }
0x1b: {  	s14 =	simm.s32 @!p0 $0x3  }
0x1c: {  	_ =	swait.ge @!p0 [sflag:s14], $0x30  }
0x1d: {  	s16 =	sadd.s32 $0x1, s12;
	s13 =	smov.u32 s11;
	[sflag:s14] =	ssyncset.done @!p0 $0x0  }
0x1e: {  	s12 =	smov.u32 s16;
	s11 =	smov.u32 s15;
	[sflag:s14] =	ssyncadd.s32 @!p0 $0xFFFFFFD0  }
.LBB2_1:
0x1f: {  	p0 =	sge.u32 s12, s7  }
0x20: {  	s14 =	sxor.u32 @!p0 $0x1, s12  }
0x21: {  	s14 =	smul.u32 @!p0 $0xC0, s14  }
0x22: {  	s31 =	sadd.s32 $0xFFFFFFFF, s12;
	s15 =	sshrl.u32 @!p0 s11, $0x3  }
0x23: {  	s16 =	sand.u32 @!p0 $0x7, s11;
	s15 =	sadd.s32 @!p0 s3, s15;
	s14 =	sshra.s32 @!p0 s14, $0x2  }
0x24: {  	[tilespmem:s14], [sflag:$0x2] =	stream.linear.gather @!p0 [hbm4b:s15+s16], $0x30, $0x38;
	[tilespmem:$0xC0] =	vst v63  }
0x25: {  	p0 =	sge.u32 s31, s7  }
.Ltmp2:
0x26: {  	_ = 	snop;
	(pc) =	sbr.rel @p0 .LBB2_5-.Ltmp2, $1  }
0x27: {  	_ =	sdelay $0x3  }
0x28: {  	s14 =	sand.u32 $0x1, s12  }
0x29: {  	_ =	swait.ge [sflag:s6], $0x30;
	p0 =	seq.s32 s14, $0x1;
	s14 =	simm.s32 $0x30  }
0x2a: {  	[sflag:s6] =	ssyncset.done $0x0;
	s14 =	simm.s32 @!p0 $0x0  }
0x2b: {  	[sflag:s6] =	ssyncadd.s32 $0xFFFFFFD0;
	(ifvalue) =	ssetifvalue $0x7FFFFFFF;
	v0 =	vld.msk [tilespmem:s14+$0x0 ss:$0x1], $0xffff;
	_ =	sdelay $0x4  }
0x2c: {  	v1 =	vshrl.u32 v0, $0x2  }
0x2d: {  	vm1 =	veq.s32 v0, $0x80000000;
	v1 =	vand.u32 $0x1FF, v1  }
0x2e: {  	v0 =	vand.u32 $0x3, v0;
	v1 =	vsel vm1, $0xFFFFFFFF, v1  }
0x2f: {  	s15 =	sadd.s32 $0x10, s14;
	v0 =	vsel vm1, $0xFFFFFFFF, v0;
	v3 =	vshll.u32 v1, $0x2  }
0x30: {  	v2 =	vld.msk [tilespmem:s15+$0x0 ss:$0x1], $0xffff;
	v4 =	vand.u32 $0xFFFFF800, v0;
	v0 =	vshll.u32 v0, $0x7;
	v3 =	vand.u32 $0xFFFFFE00, v3  }
0x31: {  	v0 =	vand.u32 $0x180, v0;
	v3 =	vadd.s32 v4, v3  }
0x32: {  	v1 =	vand.u32 $0x7F, v1;
	v0 =	vor.u32 v0, v3  }
0x33: {  	v0 =	vor.u32 v1, v0;
	_ =	sdelay $0x1  }
0x34: {  	v63 =	vshrl.u32 v2, $0x2  }
0x35: {  	s16 =	simm.s32 $0x10;
	s14 =	sadd.s32 $0x60, s14;
	vm1 =	veq.s32 v2, $0x80000000;
	v3 =	vand.u32 $0x1FF, v63  }
0x36: {  	s17 =	sadd.s32 $0x10, s15;
	(ifvalue) =	ssetifvalue $0x7FFFFFFF;
	s15 =	smov.u32 s14;
	v2 =	vand.u32 $0x3, v2;
	v1 =	vsel vm1, $0xFFFFFFFF, v3  }
.LBB2_3:
0x37: {  	v3 =	vld.msk [tilespmem:s17+$0x0 ss:$0x1], $0xffff;
	v2 =	vsel vm1, $0xFFFFFFFF, v2;
	v4 =	vshll.u32 v1, $0x2;
	[tilespmem:s15], [sflag:$0x1] =	stream.indirect_vreg.gather [hbm4b:s2+s10], $0x1, v0, vm0, $0x4038  }
0x38: {  	s16 =	sadd.s32 $0x10, s16;
	v0 =	vand.u32 $0xFFFFF800, v2;
	v4 =	vand.u32 $0xFFFFFE00, v4;
	v2 =	vshll.u32 v2, $0x7  }
0x39: {  	p0 =	slt.u32 s16, $0x20;
	v0 =	vadd.s32 v0, v4;
	v2 =	vand.u32 $0x180, v2  }
0x3a: {  	v1 =	vand.u32 $0x7F, v1;
	v0 =	vor.u32 v2, v0  }
.Ltmp3:
0x3b: {  	v0 =	vor.u32 v1, v0;
	(pc) =	sbr.rel @p0 .LBB2_3-.Ltmp3, $4  }
0x3c: {  	_ = 	snop  }
0x3d: {  	v1 =	vshrl.u32 v3, $0x2  }
0x3e: {  	vm1 =	veq.s32 v3, $0x80000000;
	v1 =	vand.u32 $0x1FF, v1  }
0x3f: {  	s17 =	sadd.s32 $0x10, s17;
	s15 =	sadd.s32 $0x10, s15;
	v2 =	vand.u32 $0x3, v3;
	v1 =	vsel vm1, $0xFFFFFFFF, v1;
	(ifvalue) =	ssetifvalue $0x7FFFFFFF  }
.Ltmp4:
0x40: {  	_ = 	snop;
	(pc) =	sbr.rel .LBB2_4-.Ltmp4, $1  }
0x41: {  	_ =	sdelay $0x3  }
.LBB2_6:
0x42: {  	_ =	sfence.sel $0x180000  }
0x43: {  	s2 =	simm.s32 $0x2;
	[bflag:$0x0] =	sbarrier.arrive $0xFFFF  }
0x44: {  	s30 =	simm.s32 $0x3;
	[sflag:s2] =	ssyncpa.u1 $0x1  }
0x45: {  	s31 =	simm.s32 $0x1;
	[sflag:s30] =	ssyncpa.u1 $0x1  }
0x46: {  	[sflag:s31] =	ssyncpa.u1 $0x1  }
0x47: {  	p0 =	sne.s32 s1, $0x0;
	_ =	strace $0x90000059  }
0x48: {  	s0 =	sadd.s32 @!p0 $0x100000, s0;
	[bflag:$0x2] =	sbarrier.arrive $0xFFFF  }
0x49: {  	[sflag:s0] =	ssyncadd.tile.s32 @!p0 $0x1;
	_ =	shalt  }
.Lfunc_end2:
_tile_overlayer_lowered:
.L_overlay_start_2:
0x4a: {  	(tag) =	ssettag $0x2  }
0x4b: {  	s0 =	rddreg [dreg:$0x0];
	s2 =	stileid.u32  }
0x4c: {  	s1 =	rddreg [dreg:$0x1];
	p0 =	sne.s32 s2, $0x0  }
0x4d: {  	s3 =	rddreg [dreg:$0x2];
	[bflag:$0x3] =	sbarrier.arrive $0xFFFF;
	s2 =	simm.s32 @!p0 $0x1C01  }
0x4e: {  	[timem:s3], [sflag:s2] =	dma.local @!p0 [hbm:s0], s1  }
0x4f: {  	s0 =	simm.s32 @!p0 $0x1  }
0x50: {  	_ =	swait.ge @!p0 [sflag:s0], s1  }
0x51: {  	s1 =	ssub.s32 @!p0 $0x0, s1;
	[sflag:s0] =	ssyncset.done @!p0 $0x0  }
0x52: {  	[sflag:s0] =	ssyncadd.s32 @!p0 s1  }
0x53: {  	[bflag:$0x3] =	sbarrier.arrive $0xFFFF  }
0x54: {  	_ =	shalt  }

// kernel: gather_offload_async_start.5
scs
__scs_entry_jumppad:
0x0: {  	(pc) =	sbr.rel $0x88, $3  }
0x1: {  	(tag) =	ssettag $0x0;
	lr =	simm.s32 $0x1  }
0x2: {  	[smem:$0x3F9D] =	sst lr;
	_ =	strace $0xD0000000  }
0x3: {  	_ = 	snop  }
0x4: {  	_ = 	snop  }
0x5: {  	_ = 	snop  }
0x6: {  	_ = 	snop  }
0x7: {  	_ = 	snop  }
__scs_overlays_trampoline_lowered:
0x8: {  	[smem:$0x3FAC] =	sst s0  }
0x9: {  	[smem:$0x3FAD] =	sst s1  }
0xa: {  	[smem:$0x3FAE] =	sst s2  }
0xb: {  	[smem:$0x3FAF] =	sst s3  }
0xc: {  	[smem:$0x3FB0] =	sst s4  }
0xd: {  	[smem:$0x3FB1] =	sst s5  }
0xe: {  	[smem:$0x3FB2] =	sst s6  }
0xf: {  	[smem:$0x3FB3] =	sst s7  }
0x10: {  	[smem:$0x3FB4] =	sst s8  }
0x11: {  	[smem:$0x3FB5] =	sst s9;
	s0 =	simm.s32 @!p0 $0x0  }
0x12: {  	s1 =	sld [smem:$0x3F9B];
	s0 =	simm.s32 @p0 $0x1  }
0x13: {  	[smem:$0x3FB6] =	sst s0;
	s0 =	simm.s32 @!p1 $0x0  }
0x14: {  	s2 =	sld [smem:$0x3F9A];
	s0 =	simm.s32 @p1 $0x1  }
0x15: {  	[smem:$0x3FB7] =	sst s0;
	s0 =	simm.s32 @!p2 $0x0  }
0x16: {  	s3 =	sld [smem:$0x3FDB];
	s0 =	simm.s32 @p2 $0x1  }
0x17: {  	s4 =	simm.s32 $0x1BF5;
	[smem:$0x3FB9] =	sst s0  }
0x18: {  	s0 =	sld [smem:$0x3F9C];
	_ =	swait.ge [sflag:s4], $0x0  }
0x19: {  	s7 =	sld [smem:$0x3F9D]  }
0x1a: {  	s8 =	sadd.s32 $0xFFFFE003, lr  }
0x1b: {  	s9 =	sadd.s32 $0xFFFFFEF7, lr;
	s5 =	simm.s32 $0xFFFFFFFF;
	p2 =	slt.u32 s8, $0xFFFFF086  }
0x1c: {  	p1 =	slt.u32 s9, $0xF7A;
	s5 =	simm.s32 @!p2 $0x0  }
0x1d: {  	s5 =	simm.s32 @p1 $0x1;
	p0 =	seq.s32 s7, s2  }
0x1e: {  	s7 =	smul.u32 @!p0 $0xF7A, s2;
	p2 =	seq.s32 @!p0 s5, $0x0  }
0x1f: {  	s9 =	smul.u32 $0xF7A, s1;
	s8 =	simm.s32 @!p0 $0x1BF5;
	p2 =	por !p2, p0  }
0x20: {  	[sflag:s8] =	ssyncset.s32 @!p0 $0xFFFFF086;
	s6 =	sadd.s32 @!p0 s3, s7;
	s7 =	simm.s32 @!p0 $0x108  }
0x21: {  	s3 =	sadd.s32 s3, s9;
	s6 =	sadd.s32 @!p0 $0x88, s6;
	s7 =	simm.s32 @p2 $0x1082  }
0x22: {  	[simem:s7], [sflag:s8] =	dma.local @!p0 [hbm:s6], $0xF7A  }
0x23: {  	s9 =	sor.u32 $0xD0000000, s2;
	s6 =	simm.s32 $0x108;
	_ =	swait.ge @!p0 [sflag:s8], $0x0  }
0x24: {  	s3 =	sadd.s32 $0x88, s3;
	s6 =	simm.s32 @!p1 $0x1082;
	[sflag:s4] =	ssyncset.s32 $0xFFFFF086  }
0x25: {  	[simem:s6], [sflag:s4] =	dma.local [hbm:s3], $0xF7A  }
0x26: {  	[smem:$0x3F9D] =	sst s1;
	(tag) =	ssettag s2;
	_ =	strace s9  }
0x27: {  	s1 =	sld [smem:$0x3FAD]  }
0x28: {  	s2 =	sld [smem:$0x3FAE]  }
0x29: {  	s4 =	sld [smem:$0x3FB0]  }
0x2a: {  	p0 =	seq.s32 s5, $0x0;
	s5 =	sld [smem:$0x3FB1]  }
0x2b: {  	s6 =	sld [smem:$0x3FB2]  }
0x2c: {  	s7 =	sld [smem:$0x3FB3]  }
0x2d: {  	s3 =	simm.s32 $0x108;
	s8 =	sld [smem:$0x3FB4]  }
0x2e: {  	s3 =	simm.s32 @!p0 $0x1082;
	s9 =	sld [smem:$0x3FB5]  }
0x2f: {  	lr =	sadd.s32 s0, s3;
	s0 =	sld [smem:$0x3FAC]  }
0x30: {  	s3 =	sld [smem:$0x3FAF]  }
0x31: {  	[smem:$0x3FB8] =	sst s10  }
0x32: {  	s10 =	sld [smem:$0x3FB6];
	_ =	sdelay $0x3  }
0x33: {  	p0 =	seq.s32 s10, $0x1;
	s10 =	sld [smem:$0x3FB8];
	_ =	sdelay $0x3  }
0x34: {  	[smem:$0x3FB8] =	sst s10  }
0x35: {  	s10 =	sld [smem:$0x3FB7];
	_ =	sdelay $0x3  }
0x36: {  	p1 =	seq.s32 s10, $0x1;
	s10 =	sld [smem:$0x3FB8];
	_ =	sdelay $0x3  }
0x37: {  	[smem:$0x3FB8] =	sst s10  }
0x38: {  	s10 =	sld [smem:$0x3FB9]  }
0x39: {  	_ = 	snop;
	(pc) =	sbr.ind lr, $3  }
0x3a: {  	_ = 	snop  }
0x3b: {  	_ = 	snop  }
0x3c: {  	p2 =	seq.s32 s10, $0x1;
	s10 =	sld [smem:$0x3FB8]  }
0x3d: {  	_ =	shalt  }
0x3e: {  	_ =	shalt  }
0x3f: {  	_ =	shalt  }
0x40: {  	_ =	shalt  }
0x41: {  	_ =	shalt  }
0x42: {  	_ =	shalt  }
0x43: {  	_ =	shalt  }
0x44: {  	_ =	shalt  }
0x45: {  	_ =	shalt  }
0x46: {  	_ =	shalt  }
0x47: {  	_ =	shalt  }
0x48: {  	_ =	shalt  }
0x49: {  	_ =	shalt  }
0x4a: {  	_ =	shalt  }
0x4b: {  	_ =	shalt  }
0x4c: {  	_ =	shalt  }
0x4d: {  	_ =	shalt  }
0x4e: {  	_ =	shalt  }
0x4f: {  	_ =	shalt  }
0x50: {  	_ =	shalt  }
0x51: {  	_ =	shalt  }
0x52: {  	_ =	shalt  }
0x53: {  	_ =	shalt  }
0x54: {  	_ =	shalt  }
0x55: {  	_ =	shalt  }
0x56: {  	_ =	shalt  }
0x57: {  	_ =	shalt  }
0x58: {  	_ =	shalt  }
0x59: {  	_ =	shalt  }
0x5a: {  	_ =	shalt  }
0x5b: {  	_ =	shalt  }
0x5c: {  	_ =	shalt  }
0x5d: {  	_ =	shalt  }
0x5e: {  	_ =	shalt  }
0x5f: {  	_ =	shalt  }
0x60: {  	_ =	shalt  }
0x61: {  	_ =	shalt  }
0x62: {  	_ =	shalt  }
0x63: {  	_ =	shalt  }
0x64: {  	_ =	shalt  }
0x65: {  	_ =	shalt  }
0x66: {  	_ =	shalt  }
0x67: {  	_ =	shalt  }
0x68: {  	_ =	shalt  }
0x69: {  	_ =	shalt  }
0x6a: {  	_ =	shalt  }
0x6b: {  	_ =	shalt  }
0x6c: {  	_ =	shalt  }
0x6d: {  	_ =	shalt  }
0x6e: {  	_ =	shalt  }
0x6f: {  	_ =	shalt  }
0x70: {  	_ =	shalt  }
0x71: {  	_ =	shalt  }
0x72: {  	_ =	shalt  }
0x73: {  	_ =	shalt  }
0x74: {  	_ =	shalt  }
0x75: {  	_ =	shalt  }
0x76: {  	_ =	shalt  }
0x77: {  	_ =	shalt  }
0x78: {  	_ =	shalt  }
0x79: {  	_ =	shalt  }
0x7a: {  	_ =	shalt  }
0x7b: {  	_ =	shalt  }
0x7c: {  	_ =	shalt  }
0x7d: {  	_ =	shalt  }
0x7e: {  	_ =	shalt  }
0x7f: {  	_ =	shalt  }
0x80: {  	_ =	shalt  }
0x81: {  	_ =	shalt  }
0x82: {  	_ =	shalt  }
0x83: {  	_ =	shalt  }
0x84: {  	_ =	shalt  }
0x85: {  	_ =	shalt  }
0x86: {  	_ =	shalt  }
0x87: {  	_ =	shalt  }
.Lfunc_end0:
.L_simem_size_0:
called_computation.5_lowered:
.L_overlay_start_0:
0x88: {  	s0 =	sld [smem:$0x3FD9]  }
0x89: {  	s1 =	sld [smem:$0x3FFE];
	_ =	sdelay $0x3  }
0x8a: {  	s0 =	sadd.s32 s1, s0  }
0x8b: {  	[smem:$0x3FC4] =	sst s0  }
0x8c: {  	_ = 	snop  }
0x8d: {  	s0 =	sld [smem:$0x3FD0];
	_ =	sdelay $0x2  }
0x8e: {  	s13 =	simm.s32 $0xA;
	s2 =	simm.s32 $0x10  }
0x8f: {  	[smem:s2], [sflag:s13] =	dma.local [hbm:s0], $0x1  }
0x90: {  	_ =	swait.eq [sflag:s13], $0x1  }
0x91: {  	[sflag:s13] =	ssyncset.done $0x0  }
0x92: {  	[sflag:s13] =	ssyncadd.s32 $0xFFFFFFFF  }
0x93: {  	s14 =	sld [smem:$0x10];
	(tm) =	ssettm $0x1  }
0x94: {  	s15 =	sld [smem:$0x3FFB];
	_ =	sdelay $0x3  }
0x95: {  	_ =	strace s15  }
0x96: {  	s1 =	sld [smem:$0x3FFC];
	_ =	sdelay $0x3  }
0x97: {  	_ =	strace s1  }
0x98: {  	s1 =	sld [smem:$0x3FFD];
	_ =	sdelay $0x3  }
0x99: {  	_ =	strace s1  }
0x9a: {  	_ =	strace $0x8FFFFFFF  }
0x9b: {  	s16 =	sld [smem:$0x3FDB];
	_ =	sdelay $0x1  }
0x9c: {  	s17 =	simm.s32 $_scs_section_size  }
0x9d: {  	s3 =	simm.s32 $_size__tile_overlayer_lowered;
	s4 =	simm.s32 $_tile_overlayer_lowered  }
0x9e: {  	s20 =	simm.s32 $0x1BFF;
	s19 =	sshll.u32 s4, $0x1;
	s1 =	sadd.s32 s17, s16  }
0x9f: {  	s5 =	simm.s32 $0x0;
	s18 =	sshll.u32 s3, $0x1;
	s3 =	sadd.s32 s19, s1  }
0xa0: {  	[timem:s5], [sflag:s20] =	dma.local [hbm:s3], s18  }
0xa1: {  	_ =	swait.ge [sflag:s20], s18  }
0xa2: {  	s2 =	ssub.s32 $0x0, s18;
	[sflag:s20] =	ssyncset.done $0x0  }
0xa3: {  	[sflag:s20] =	ssyncadd.s32 s2;
	_ =	sdelay $0x1  }
0xa4: {  	s21 =	simm.s32 $0x1B8B  }
0xa5: {  	_ =	swait.ge [sflag:s21], $0x1  }
0xa6: {  	[sflag:s21] =	ssyncset.done $0x0  }
0xa7: {  	s23 =	simm.s32 $0x1B8E;
	s22 =	sld [smem:$0x3FFE];
	[sflag:s21] =	ssyncadd.s32 $0xFFFFFFFF  }
0xa8: {  	s24 =	simm.s32 $execute0_lowered;
	[smem:$0x3FD2] =	sst s23  }
0xa9: {  	s3 =	sshll.u32 s24, $0x1;
	_ =	strace $0x80000055;
	[dreg:$0x1] =	wrdreg $0xFFFFFFFF  }
0xaa: {  	s25 =	simm.s32 $_size_execute0_lowered;
	s1 =	sadd.s32 s1, s3;
	[dreg:$0x0] =	wrdreg $0x0  }
0xab: {  	s3 =	sshll.u32 s25, $0x1;
	[dreg:$0x2] =	wrdreg s1  }
0xac: {  	[dreg:$0x3] =	wrdreg s3  }
0xad: {  	[dreg:$0x4] =	wrdreg $0xC0  }
0xae: {  	_ =	task [dreg:s5], $0x5FFFF  }
0xaf: {  	[dreg:$0x1] =	wrdreg $0xFFFFFFFF  }
0xb0: {  	[dreg:$0x0] =	wrdreg $0x60  }
0xb1: {  	[dreg:$0x2] =	wrdreg s14  }
0xb2: {  	[dreg:$0x3] =	wrdreg s22  }
0xb3: {  	[dreg:$0x4] =	wrdreg $0x9  }
0xb4: {  	_ =	task.clear_ibuf [dreg:s5], $0x5FFFF;
	_ =	strace $0x90000055  }
0xb5: {  	s26 =	simm.s32 $0x9;
	_ =	strace $0x80000057  }
0xb6: {  	_ =	swait.ge [sflag:s26], $0x1  }
0xb7: {  	[sflag:s26] =	ssyncadd.s32 $0xFFFFFFFF  }
0xb8: {  	_ =	strace $0x90000057  }
0xb9: {  	_ =	sfence  }
0xba: {  	s28 =	sld [smem:$0x0];
	_ =	sdelay $0x1  }
0xbb: {  	s29 =	srdreg.scid  }
0xbc: {  	s30 =	sshll.u32 s29, $0xD;
	s31 =	sshrl.u32 s29, $0x2  }
0xbd: {  	s2 =	sand.u32 $0x4000, s30;
	s1 =	sand.u32 $0x1, s29;
	s0 =	sadd.s32 s31, s28  }
0xbe: {  	s1 =	sor.u32 s2, s1;
	s0 =	sshll.u32 s0, $0x11  }
0xbf: {  	s0 =	sor.u32 s0, s1  }
0xc0: {  	s0 =	sadd.s32 $0x8F2B, s0  }
0xc1: {  	[sflag:s0] =	ssyncadd.remote.s32 $0x1  }
0xc2: {  	_ =	sfence.sel $0xFFFF  }
0xc3: {  	[dreg:$0x0] =	wrdreg $0xFFFFFFFF;
	(pc) =	sbr.abs _section_cstart, $3  }
0xc4: {  	[dreg:$0x1] =	wrdreg $0xFFFFFFFF  }
0xc5: {  	_ =	task.clear_ibuf [dreg:s5], $0x2FFFF;
	_ =	strace $0x9FFFFFFF  }
0xc6: {  	(tm) =	ssettm $0x7FFFFFFF  }
0xc7: {  	_ =	shalt  }
tec
execute0_lowered:
.L_overlay_start_1:
0x0: {  	(tag) =	ssettag $0x1  }
0x1: {  	s2 =	rddreg [dreg:$0x0]  }
0x2: {  	s8 =	rddreg [dreg:$0x1]  }
0x3: {  	s0 =	rddreg [dreg:$0x2]  }
0x4: {  	_ =	strace $0x80000056;
	s4 =	simm.s32 $0x1;
	s1 =	stileid.u32  }
0x5: {  	s7 =	simm.s32 $0x1;
	s9 =	simm.s32 $0x1;
	s6 =	simm.s32 $0x2  }
0x6: {  	s10 =	simm.s32 $0x3;
	s13 =	simm.s32 $0x0;
	s12 =	simm.s32 $0x0  }
.Ltmp0:
0x7: {  	s3 =	sadd.s32 $0x200, s8;
	p0 =	slt.u32 s1, $0xA;
	(pc) =	sbr.rel .LBB2_1-.Ltmp0, $4  }
0x8: {  	[sflag:s4] =	ssyncpa.u1 $0x0;
	s7 =	simm.s32 @!p0 $0x0;
	p0 =	sne.s32 s1, $0x9  }
0x9: {  	s5 =	smul.u32 $0x30, s1;
	[sflag:s6] =	ssyncpa.u1 $0x0;
	s9 =	simm.s32 @!p0 $0x0  }
0xa: {  	s8 =	sadd.s32 $0x400, s8;
	[sflag:s10] =	ssyncpa.u1 $0x0;
	s7 =	sadd.s32 s9, s7  }
0xb: {  	vm0 =	vmmov $0xffff;
	s10 =	simm.s32 $0x0;
	s11 =	smov.u32 s5;
	s9 =	sadd.s32 $0x1, s7  }
.LBB2_4:
0xc: {  	v2 =	vsel vm1, $0xFFFFFFFF, v2;
	v3 =	vshll.u32 v1, $0x2  }
0xd: {  	v4 =	vand.u32 $0xFFFFF800, v2;
	v3 =	vand.u32 $0xFFFFFE00, v3;
	v2 =	vshll.u32 v2, $0x7  }
0xe: {  	v3 =	vadd.s32 v4, v3;
	v2 =	vand.u32 $0x180, v2  }
0xf: {  	v63 =	vand.u32 $0x7F, v1;
	v2 =	vor.u32 v2, v3  }
0x10: {  	v1 =	vor.u32 v63, v2;
	_ =	sdelay $0x2  }
0x11: {  	[tilespmem:s15], [sflag:$0x1] =	stream.indirect_vreg.gather [hbm4b:s2+s10], $0x1, v0, vm0, $0x4038;
	[tilespmem:$0xC0] =	vst v63  }
0x12: {  	(ifvalue) =	ssetifvalue $0x7FFFFFFF;
	s29 =	sadd.s32 $0x10, s15  }
0x13: {  	[tilespmem:s29], [sflag:$0x1] =	stream.indirect_vreg.gather [hbm4b:s2+s10], $0x1, v1, vm0, $0x4038;
	[tilespmem:$0xC0] =	vst v63  }
0x14: {  	_ =	swait.ge [sflag:s4], $0x30  }
0x15: {  	s30 =	sshrl.u32 s13, $0x3;
	[sflag:s4] =	ssyncset.done $0x0  }
0x16: {  	s31 =	sand.u32 $0x7, s13;
	s15 =	sadd.s32 s8, s30;
	[sflag:s4] =	ssyncadd.s32 $0xFFFFFFD0  }
0x17: {  	[hbm4b:s15+s31] =	stream.linear.scatter [tilespmem:s14], [sflag:$0x3], $0x30, $0x38;
	[tilespmem:$0xC0] =	vst v63  }
.LBB2_5:
0x18: {  	s15 =	sadd.s32 $0x300, s11  }
0x19: {  	p1 =	sgt.s32 s15, $0x4AF  }
0x1a: {  	s15 =	smov.u32 @p1 s5;
	p1 =	sne.s32 s12, s9  }
.Ltmp1:
0x1b: {  	p0 =	slt.u32 s12, $0x2;
	(pc) =	sbr.rel @!p1 .LBB2_6-.Ltmp1, $4  }
0x1c: {  	s14 =	simm.s32 @!p0 $0x3  }
0x1d: {  	_ =	swait.ge @!p0 [sflag:s14], $0x30  }
0x1e: {  	s16 =	sadd.s32 $0x1, s12;
	s13 =	smov.u32 s11;
	[sflag:s14] =	ssyncset.done @!p0 $0x0  }
0x1f: {  	s12 =	smov.u32 s16;
	s11 =	smov.u32 s15;
	[sflag:s14] =	ssyncadd.s32 @!p0 $0xFFFFFFD0  }
.LBB2_1:
0x20: {  	p0 =	sge.u32 s12, s7  }
0x21: {  	s14 =	sxor.u32 @!p0 $0x1, s12  }
0x22: {  	s14 =	smul.u32 @!p0 $0xC0, s14  }
0x23: {  	s31 =	sadd.s32 $0xFFFFFFFF, s12;
	s15 =	sshrl.u32 @!p0 s11, $0x3  }
0x24: {  	s16 =	sand.u32 @!p0 $0x7, s11;
	s15 =	sadd.s32 @!p0 s3, s15;
	s14 =	sshra.s32 @!p0 s14, $0x2  }
0x25: {  	[tilespmem:s14], [sflag:$0x2] =	stream.linear.gather @!p0 [hbm4b:s15+s16], $0x30, $0x38;
	[tilespmem:$0xC0] =	vst v63  }
0x26: {  	p0 =	sge.u32 s31, s7  }
.Ltmp2:
0x27: {  	_ = 	snop;
	(pc) =	sbr.rel @p0 .LBB2_5-.Ltmp2, $1  }
0x28: {  	_ =	sdelay $0x3  }
0x29: {  	s14 =	sand.u32 $0x1, s12  }
0x2a: {  	_ =	swait.ge [sflag:s6], $0x30;
	p0 =	seq.s32 s14, $0x1;
	s14 =	simm.s32 $0x30  }
0x2b: {  	[sflag:s6] =	ssyncset.done $0x0;
	s14 =	simm.s32 @!p0 $0x0  }
0x2c: {  	[sflag:s6] =	ssyncadd.s32 $0xFFFFFFD0;
	(ifvalue) =	ssetifvalue $0x7FFFFFFF;
	v0 =	vld.msk [tilespmem:s14+$0x0 ss:$0x1], $0xffff;
	_ =	sdelay $0x4  }
0x2d: {  	v1 =	vshrl.u32 v0, $0x2  }
0x2e: {  	vm1 =	veq.s32 v0, $0x80000000;
	v1 =	vand.u32 $0x1FF, v1  }
0x2f: {  	v0 =	vand.u32 $0x3, v0;
	v1 =	vsel vm1, $0xFFFFFFFF, v1  }
0x30: {  	s15 =	sadd.s32 $0x10, s14;
	v0 =	vsel vm1, $0xFFFFFFFF, v0;
	v3 =	vshll.u32 v1, $0x2  }
0x31: {  	v2 =	vld.msk [tilespmem:s15+$0x0 ss:$0x1], $0xffff;
	v4 =	vand.u32 $0xFFFFF800, v0;
	v0 =	vshll.u32 v0, $0x7;
	v3 =	vand.u32 $0xFFFFFE00, v3  }
0x32: {  	v0 =	vand.u32 $0x180, v0;
	v3 =	vadd.s32 v4, v3  }
0x33: {  	v1 =	vand.u32 $0x7F, v1;
	v0 =	vor.u32 v0, v3  }
0x34: {  	v0 =	vor.u32 v1, v0;
	_ =	sdelay $0x1  }
0x35: {  	v63 =	vshrl.u32 v2, $0x2  }
0x36: {  	s16 =	simm.s32 $0x10;
	s14 =	sadd.s32 $0x60, s14;
	vm1 =	veq.s32 v2, $0x80000000;
	v3 =	vand.u32 $0x1FF, v63  }
0x37: {  	s17 =	sadd.s32 $0x10, s15;
	(ifvalue) =	ssetifvalue $0x7FFFFFFF;
	s15 =	smov.u32 s14;
	v2 =	vand.u32 $0x3, v2;
	v1 =	vsel vm1, $0xFFFFFFFF, v3  }
.LBB2_3:
0x38: {  	v3 =	vld.msk [tilespmem:s17+$0x0 ss:$0x1], $0xffff;
	v2 =	vsel vm1, $0xFFFFFFFF, v2;
	v4 =	vshll.u32 v1, $0x2;
	[tilespmem:s15], [sflag:$0x1] =	stream.indirect_vreg.gather [hbm4b:s2+s10], $0x1, v0, vm0, $0x4038  }
0x39: {  	s16 =	sadd.s32 $0x10, s16;
	v0 =	vand.u32 $0xFFFFF800, v2;
	v4 =	vand.u32 $0xFFFFFE00, v4;
	v2 =	vshll.u32 v2, $0x7  }
0x3a: {  	p0 =	slt.u32 s16, $0x20;
	v0 =	vadd.s32 v0, v4;
	v2 =	vand.u32 $0x180, v2  }
0x3b: {  	v1 =	vand.u32 $0x7F, v1;
	v0 =	vor.u32 v2, v0  }
.Ltmp3:
0x3c: {  	v0 =	vor.u32 v1, v0;
	(pc) =	sbr.rel @p0 .LBB2_3-.Ltmp3, $4  }
0x3d: {  	_ = 	snop  }
0x3e: {  	v1 =	vshrl.u32 v3, $0x2  }
0x3f: {  	vm1 =	veq.s32 v3, $0x80000000;
	v1 =	vand.u32 $0x1FF, v1  }
0x40: {  	s17 =	sadd.s32 $0x10, s17;
	s15 =	sadd.s32 $0x10, s15;
	v2 =	vand.u32 $0x3, v3;
	v1 =	vsel vm1, $0xFFFFFFFF, v1;
	(ifvalue) =	ssetifvalue $0x7FFFFFFF  }
.Ltmp4:
0x41: {  	_ = 	snop;
	(pc) =	sbr.rel .LBB2_4-.Ltmp4, $1  }
0x42: {  	_ =	sdelay $0x3  }
.LBB2_6:
0x43: {  	_ =	sfence.sel $0x180000  }
0x44: {  	s2 =	simm.s32 $0x2;
	[bflag:$0x0] =	sbarrier.arrive $0xFFFF  }
0x45: {  	s30 =	simm.s32 $0x3;
	[sflag:s2] =	ssyncpa.u1 $0x1  }
0x46: {  	s31 =	simm.s32 $0x1;
	[sflag:s30] =	ssyncpa.u1 $0x1  }
0x47: {  	[sflag:s31] =	ssyncpa.u1 $0x1  }
0x48: {  	p0 =	sne.s32 s1, $0x0;
	_ =	strace $0x90000056  }
0x49: {  	s0 =	sadd.s32 @!p0 $0x100000, s0;
	[bflag:$0x2] =	sbarrier.arrive $0xFFFF  }
0x4a: {  	[sflag:s0] =	ssyncadd.tile.s32 @!p0 $0x1;
	_ =	shalt  }
.Lfunc_end2:
_tile_overlayer_lowered:
.L_overlay_start_2:
0x4b: {  	(tag) =	ssettag $0x2  }
0x4c: {  	s0 =	rddreg [dreg:$0x0];
	s2 =	stileid.u32  }
0x4d: {  	s1 =	rddreg [dreg:$0x1];
	p0 =	sne.s32 s2, $0x0  }
0x4e: {  	s3 =	rddreg [dreg:$0x2];
	[bflag:$0x3] =	sbarrier.arrive $0xFFFF;
	s2 =	simm.s32 @!p0 $0x1C01  }
0x4f: {  	[timem:s3], [sflag:s2] =	dma.local @!p0 [hbm:s0], s1  }
0x50: {  	s0 =	simm.s32 @!p0 $0x1  }
0x51: {  	_ =	swait.ge @!p0 [sflag:s0], s1  }
0x52: {  	s1 =	ssub.s32 @!p0 $0x0, s1;
	[sflag:s0] =	ssyncset.done @!p0 $0x0  }
0x53: {  	[sflag:s0] =	ssyncadd.s32 @!p0 s1  }
0x54: {  	[bflag:$0x3] =	sbarrier.arrive $0xFFFF  }
0x55: {  	_ =	shalt  }

// kernel: gather_offload_async_start.6
scs
__scs_entry_jumppad:
0x0: {  	(pc) =	sbr.rel $0x88, $3  }
0x1: {  	(tag) =	ssettag $0x0;
	lr =	simm.s32 $0x1  }
0x2: {  	[smem:$0x3F9D] =	sst lr;
	_ =	strace $0xD0000000  }
0x3: {  	_ = 	snop  }
0x4: {  	_ = 	snop  }
0x5: {  	_ = 	snop  }
0x6: {  	_ = 	snop  }
0x7: {  	_ = 	snop  }
__scs_overlays_trampoline_lowered:
0x8: {  	[smem:$0x3FAC] =	sst s0  }
0x9: {  	[smem:$0x3FAD] =	sst s1  }
0xa: {  	[smem:$0x3FAE] =	sst s2  }
0xb: {  	[smem:$0x3FAF] =	sst s3  }
0xc: {  	[smem:$0x3FB0] =	sst s4  }
0xd: {  	[smem:$0x3FB1] =	sst s5  }
0xe: {  	[smem:$0x3FB2] =	sst s6  }
0xf: {  	[smem:$0x3FB3] =	sst s7  }
0x10: {  	[smem:$0x3FB4] =	sst s8  }
0x11: {  	[smem:$0x3FB5] =	sst s9;
	s0 =	simm.s32 @!p0 $0x0  }
0x12: {  	s1 =	sld [smem:$0x3F9B];
	s0 =	simm.s32 @p0 $0x1  }
0x13: {  	[smem:$0x3FB6] =	sst s0;
	s0 =	simm.s32 @!p1 $0x0  }
0x14: {  	s2 =	sld [smem:$0x3F9A];
	s0 =	simm.s32 @p1 $0x1  }
0x15: {  	[smem:$0x3FB7] =	sst s0;
	s0 =	simm.s32 @!p2 $0x0  }
0x16: {  	s3 =	sld [smem:$0x3FDB];
	s0 =	simm.s32 @p2 $0x1  }
0x17: {  	s4 =	simm.s32 $0x1BF5;
	[smem:$0x3FB9] =	sst s0  }
0x18: {  	s0 =	sld [smem:$0x3F9C];
	_ =	swait.ge [sflag:s4], $0x0  }
0x19: {  	s7 =	sld [smem:$0x3F9D]  }
0x1a: {  	s8 =	sadd.s32 $0xFFFFE003, lr  }
0x1b: {  	s9 =	sadd.s32 $0xFFFFFEF7, lr;
	s5 =	simm.s32 $0xFFFFFFFF;
	p2 =	slt.u32 s8, $0xFFFFF086  }
0x1c: {  	p1 =	slt.u32 s9, $0xF7A;
	s5 =	simm.s32 @!p2 $0x0  }
0x1d: {  	s5 =	simm.s32 @p1 $0x1;
	p0 =	seq.s32 s7, s2  }
0x1e: {  	s7 =	smul.u32 @!p0 $0xF7A, s2;
	p2 =	seq.s32 @!p0 s5, $0x0  }
0x1f: {  	s9 =	smul.u32 $0xF7A, s1;
	s8 =	simm.s32 @!p0 $0x1BF5;
	p2 =	por !p2, p0  }
0x20: {  	[sflag:s8] =	ssyncset.s32 @!p0 $0xFFFFF086;
	s6 =	sadd.s32 @!p0 s3, s7;
	s7 =	simm.s32 @!p0 $0x108  }
0x21: {  	s3 =	sadd.s32 s3, s9;
	s6 =	sadd.s32 @!p0 $0x88, s6;
	s7 =	simm.s32 @p2 $0x1082  }
0x22: {  	[simem:s7], [sflag:s8] =	dma.local @!p0 [hbm:s6], $0xF7A  }
0x23: {  	s9 =	sor.u32 $0xD0000000, s2;
	s6 =	simm.s32 $0x108;
	_ =	swait.ge @!p0 [sflag:s8], $0x0  }
0x24: {  	s3 =	sadd.s32 $0x88, s3;
	s6 =	simm.s32 @!p1 $0x1082;
	[sflag:s4] =	ssyncset.s32 $0xFFFFF086  }
0x25: {  	[simem:s6], [sflag:s4] =	dma.local [hbm:s3], $0xF7A  }
0x26: {  	[smem:$0x3F9D] =	sst s1;
	(tag) =	ssettag s2;
	_ =	strace s9  }
0x27: {  	s1 =	sld [smem:$0x3FAD]  }
0x28: {  	s2 =	sld [smem:$0x3FAE]  }
0x29: {  	s4 =	sld [smem:$0x3FB0]  }
0x2a: {  	p0 =	seq.s32 s5, $0x0;
	s5 =	sld [smem:$0x3FB1]  }
0x2b: {  	s6 =	sld [smem:$0x3FB2]  }
0x2c: {  	s7 =	sld [smem:$0x3FB3]  }
0x2d: {  	s3 =	simm.s32 $0x108;
	s8 =	sld [smem:$0x3FB4]  }
0x2e: {  	s3 =	simm.s32 @!p0 $0x1082;
	s9 =	sld [smem:$0x3FB5]  }
0x2f: {  	lr =	sadd.s32 s0, s3;
	s0 =	sld [smem:$0x3FAC]  }
0x30: {  	s3 =	sld [smem:$0x3FAF]  }
0x31: {  	[smem:$0x3FB8] =	sst s10  }
0x32: {  	s10 =	sld [smem:$0x3FB6];
	_ =	sdelay $0x3  }
0x33: {  	p0 =	seq.s32 s10, $0x1;
	s10 =	sld [smem:$0x3FB8];
	_ =	sdelay $0x3  }
0x34: {  	[smem:$0x3FB8] =	sst s10  }
0x35: {  	s10 =	sld [smem:$0x3FB7];
	_ =	sdelay $0x3  }
0x36: {  	p1 =	seq.s32 s10, $0x1;
	s10 =	sld [smem:$0x3FB8];
	_ =	sdelay $0x3  }
0x37: {  	[smem:$0x3FB8] =	sst s10  }
0x38: {  	s10 =	sld [smem:$0x3FB9]  }
0x39: {  	_ = 	snop;
	(pc) =	sbr.ind lr, $3  }
0x3a: {  	_ = 	snop  }
0x3b: {  	_ = 	snop  }
0x3c: {  	p2 =	seq.s32 s10, $0x1;
	s10 =	sld [smem:$0x3FB8]  }
0x3d: {  	_ =	shalt  }
0x3e: {  	_ =	shalt  }
0x3f: {  	_ =	shalt  }
0x40: {  	_ =	shalt  }
0x41: {  	_ =	shalt  }
0x42: {  	_ =	shalt  }
0x43: {  	_ =	shalt  }
0x44: {  	_ =	shalt  }
0x45: {  	_ =	shalt  }
0x46: {  	_ =	shalt  }
0x47: {  	_ =	shalt  }
0x48: {  	_ =	shalt  }
0x49: {  	_ =	shalt  }
0x4a: {  	_ =	shalt  }
0x4b: {  	_ =	shalt  }
0x4c: {  	_ =	shalt  }
0x4d: {  	_ =	shalt  }
0x4e: {  	_ =	shalt  }
0x4f: {  	_ =	shalt  }
0x50: {  	_ =	shalt  }
0x51: {  	_ =	shalt  }
0x52: {  	_ =	shalt  }
0x53: {  	_ =	shalt  }
0x54: {  	_ =	shalt  }
0x55: {  	_ =	shalt  }
0x56: {  	_ =	shalt  }
0x57: {  	_ =	shalt  }
0x58: {  	_ =	shalt  }
0x59: {  	_ =	shalt  }
0x5a: {  	_ =	shalt  }
0x5b: {  	_ =	shalt  }
0x5c: {  	_ =	shalt  }
0x5d: {  	_ =	shalt  }
0x5e: {  	_ =	shalt  }
0x5f: {  	_ =	shalt  }
0x60: {  	_ =	shalt  }
0x61: {  	_ =	shalt  }
0x62: {  	_ =	shalt  }
0x63: {  	_ =	shalt  }
0x64: {  	_ =	shalt  }
0x65: {  	_ =	shalt  }
0x66: {  	_ =	shalt  }
0x67: {  	_ =	shalt  }
0x68: {  	_ =	shalt  }
0x69: {  	_ =	shalt  }
0x6a: {  	_ =	shalt  }
0x6b: {  	_ =	shalt  }
0x6c: {  	_ =	shalt  }
0x6d: {  	_ =	shalt  }
0x6e: {  	_ =	shalt  }
0x6f: {  	_ =	shalt  }
0x70: {  	_ =	shalt  }
0x71: {  	_ =	shalt  }
0x72: {  	_ =	shalt  }
0x73: {  	_ =	shalt  }
0x74: {  	_ =	shalt  }
0x75: {  	_ =	shalt  }
0x76: {  	_ =	shalt  }
0x77: {  	_ =	shalt  }
0x78: {  	_ =	shalt  }
0x79: {  	_ =	shalt  }
0x7a: {  	_ =	shalt  }
0x7b: {  	_ =	shalt  }
0x7c: {  	_ =	shalt  }
0x7d: {  	_ =	shalt  }
0x7e: {  	_ =	shalt  }
0x7f: {  	_ =	shalt  }
0x80: {  	_ =	shalt  }
0x81: {  	_ =	shalt  }
0x82: {  	_ =	shalt  }
0x83: {  	_ =	shalt  }
0x84: {  	_ =	shalt  }
0x85: {  	_ =	shalt  }
0x86: {  	_ =	shalt  }
0x87: {  	_ =	shalt  }
.Lfunc_end0:
.L_simem_size_0:
called_computation.6_lowered:
.L_overlay_start_0:
0x88: {  	s2 =	sld [smem:$0x3FD9]  }
0x89: {  	s3 =	sld [smem:$0x3FFE];
	_ =	sdelay $0x1  }
0x8a: {  	s1 =	srdreg.scid  }
0x8b: {  	s0 =	sand.u32 $0x1, s1  }
0x8c: {  	s14 =	sshll.u32 s0, $0xA;
	s2 =	sadd.s32 s3, s2  }
0x8d: {  	s2 =	sadd.s32 s2, s14  }
0x8e: {  	[smem:$0x3FC4] =	sst s2  }
0x8f: {  	_ = 	snop  }
0x90: {  	s2 =	sld [smem:$0x3FD0];
	_ =	sdelay $0x2  }
0x91: {  	s15 =	simm.s32 $0xA;
	s4 =	simm.s32 $0x10  }
0x92: {  	[smem:s4], [sflag:s15] =	dma.local [hbm:s2], $0x1  }
0x93: {  	_ =	swait.eq [sflag:s15], $0x1  }
0x94: {  	[sflag:s15] =	ssyncset.done $0x0  }
0x95: {  	[sflag:s15] =	ssyncadd.s32 $0xFFFFFFFF  }
0x96: {  	s16 =	sld [smem:$0x10];
	(tm) =	ssettm $0x1  }
0x97: {  	s17 =	sld [smem:$0x3FFB];
	_ =	sdelay $0x3  }
0x98: {  	_ =	strace s17  }
0x99: {  	s3 =	sld [smem:$0x3FFC];
	_ =	sdelay $0x3  }
0x9a: {  	_ =	strace s3  }
0x9b: {  	s3 =	sld [smem:$0x3FFD];
	_ =	sdelay $0x3  }
0x9c: {  	_ =	strace s3  }
0x9d: {  	_ =	strace $0x8FFFFFFF  }
0x9e: {  	s18 =	sld [smem:$0x3FDB];
	_ =	sdelay $0x1  }
0x9f: {  	s19 =	simm.s32 $_scs_section_size  }
0xa0: {  	s5 =	simm.s32 $_size__tile_overlayer_lowered;
	s6 =	simm.s32 $_tile_overlayer_lowered  }
0xa1: {  	s22 =	simm.s32 $0x1BFF;
	s21 =	sshll.u32 s6, $0x1;
	s3 =	sadd.s32 s19, s18  }
0xa2: {  	s7 =	simm.s32 $0x0;
	s20 =	sshll.u32 s5, $0x1;
	s5 =	sadd.s32 s21, s3  }
0xa3: {  	[timem:s7], [sflag:s22] =	dma.local [hbm:s5], s20  }
0xa4: {  	_ =	swait.ge [sflag:s22], s20  }
0xa5: {  	s4 =	ssub.s32 $0x0, s20;
	[sflag:s22] =	ssyncset.done $0x0  }
0xa6: {  	[sflag:s22] =	ssyncadd.s32 s4;
	_ =	sdelay $0x1  }
0xa7: {  	s23 =	simm.s32 $0x1B8B  }
0xa8: {  	_ =	swait.ge [sflag:s23], $0x1  }
0xa9: {  	[sflag:s23] =	ssyncset.done $0x0  }
0xaa: {  	s25 =	simm.s32 $0x1B8E;
	s24 =	sld [smem:$0x3FFE];
	[sflag:s23] =	ssyncadd.s32 $0xFFFFFFFF  }
0xab: {  	s26 =	simm.s32 $execute0_lowered;
	[smem:$0x3FD2] =	sst s25  }
0xac: {  	s5 =	sshll.u32 s26, $0x1;
	_ =	strace $0x8000004F;
	[dreg:$0x1] =	wrdreg $0xFFFFFFFF  }
0xad: {  	s28 =	simm.s32 $_size_execute0_lowered;
	s3 =	sadd.s32 s3, s5;
	[dreg:$0x0] =	wrdreg $0x0  }
0xae: {  	s5 =	sshll.u32 s28, $0x1;
	[dreg:$0x2] =	wrdreg s3  }
0xaf: {  	[dreg:$0x3] =	wrdreg s5  }
0xb0: {  	[dreg:$0x4] =	wrdreg $0xC0  }
0xb1: {  	_ =	task [dreg:s7], $0x5FFFF  }
0xb2: {  	[dreg:$0x1] =	wrdreg $0xFFFFFFFF  }
0xb3: {  	[dreg:$0x0] =	wrdreg $0x60  }
0xb4: {  	[dreg:$0x2] =	wrdreg s16  }
0xb5: {  	[dreg:$0x3] =	wrdreg s24  }
0xb6: {  	[dreg:$0x4] =	wrdreg $0x9  }
0xb7: {  	_ =	task.clear_ibuf [dreg:s7], $0x5FFFF;
	_ =	strace $0x9000004F  }
0xb8: {  	s29 =	simm.s32 $0x9;
	_ =	strace $0x80000051  }
0xb9: {  	_ =	swait.ge [sflag:s29], $0x1  }
0xba: {  	[sflag:s29] =	ssyncadd.s32 $0xFFFFFFFF  }
0xbb: {  	_ =	strace $0x90000051  }
0xbc: {  	_ =	sfence  }
0xbd: {  	s30 =	sld [smem:$0x0];
	_ =	sdelay $0x2  }
0xbe: {  	s31 =	sshll.u32 s1, $0xD;
	s1 =	sshrl.u32 s1, $0x2  }
0xbf: {  	s3 =	sand.u32 $0x4000, s31;
	s1 =	sadd.s32 s1, s30  }
0xc0: {  	s0 =	sor.u32 s3, s0;
	s1 =	sshll.u32 s1, $0x11  }
0xc1: {  	s0 =	sor.u32 s1, s0  }
0xc2: {  	s0 =	sadd.s32 $0x8F2B, s0  }
0xc3: {  	[sflag:s0] =	ssyncadd.remote.s32 $0x1  }
0xc4: {  	_ =	sfence.sel $0xFFFF  }
0xc5: {  	[dreg:$0x0] =	wrdreg $0xFFFFFFFF;
	(pc) =	sbr.abs _section_cstart, $3  }
0xc6: {  	[dreg:$0x1] =	wrdreg $0xFFFFFFFF  }
0xc7: {  	_ =	task.clear_ibuf [dreg:s7], $0x2FFFF;
	_ =	strace $0x9FFFFFFF  }
0xc8: {  	(tm) =	ssettm $0x7FFFFFFF  }
0xc9: {  	_ =	shalt  }
tec
execute0_lowered:
.L_overlay_start_1:
0x0: {  	(tag) =	ssettag $0x1  }
0x1: {  	s1 =	srdreg.scid;
	s2 =	rddreg [dreg:$0x0]  }
0x2: {  	s0 =	stileid.u32;
	s8 =	rddreg [dreg:$0x1]  }
0x3: {  	s5 =	simm.s32 $0x1;
	s9 =	simm.s32 $0x1;
	s1 =	sshll.u32 s1, $0x5  }
0x4: {  	s10 =	simm.s32 $0x3;
	s3 =	sshll.u32 s0, $0x6;
	s4 =	sand.u32 $0x20, s1  }
0x5: {  	s13 =	simm.s32 $0x0;
	s12 =	simm.s32 $0x0;
	s3 =	sor.u32 s3, s4  }
0x6: {  	s1 =	rddreg [dreg:$0x2];
	_ =	strace $0x80000050;
	s7 =	ssub.s32 $0x800, s3  }
.Ltmp0:
0x7: {  	s4 =	sadd.s32 $0xEC00, s8;
	s6 =	sand.u32 $0x3E0, s7;
	(pc) =	sbr.rel .LBB2_1-.Ltmp0, $4  }
0x8: {  	[sflag:s5] =	ssyncpa.u1 $0x0;
	s8 =	sadd.s32 $0xEE00, s8;
	p0 =	sne.s32 s6, $0x0  }
0x9: {  	s7 =	sshrl.u32 s7, $0xA;
	s6 =	simm.s32 $0x2;
	s9 =	simm.s32 @!p0 $0x0  }
0xa: {  	s11 =	smov.u32 s3;
	[sflag:s6] =	ssyncpa.u1 $0x0;
	s7 =	sadd.s32 s9, s7  }
0xb: {  	vm0 =	vmmov $0xffff;
	[sflag:s10] =	ssyncpa.u1 $0x0;
	s10 =	simm.s32 $0x0;
	s9 =	sadd.s32 $0x1, s7  }
.LBB2_5:
0xc: {  	s15 =	sadd.s32 $0x400, s11  }
0xd: {  	p1 =	sgt.s32 s15, $0x7FF  }
0xe: {  	s15 =	smov.u32 @p1 s3;
	p1 =	sne.s32 s12, s9  }
.Ltmp1:
0xf: {  	p0 =	slt.u32 s12, $0x2;
	(pc) =	sbr.rel @!p1 .LBB2_6-.Ltmp1, $4  }
0x10: {  	s14 =	simm.s32 @!p0 $0x3  }
0x11: {  	_ =	swait.ge @!p0 [sflag:s14], $0x20  }
0x12: {  	s16 =	sadd.s32 $0x1, s12;
	s13 =	smov.u32 s11;
	[sflag:s14] =	ssyncset.done @!p0 $0x0  }
0x13: {  	s12 =	smov.u32 s16;
	s11 =	smov.u32 s15;
	[sflag:s14] =	ssyncadd.s32 @!p0 $0xFFFFFFE0  }
.LBB2_1:
0x14: {  	p0 =	sge.u32 s12, s7  }
0x15: {  	s14 =	sxor.u32 @!p0 $0xFFFFFFFF, s12  }
0x16: {  	s31 =	sadd.s32 $0xFFFFFFFF, s12;
	s15 =	sshrl.u32 @!p0 s11, $0x3;
	s14 =	sshll.u32 @!p0 s14, $0x5  }
0x17: {  	s16 =	sand.u32 @!p0 $0x7, s11;
	s15 =	sadd.s32 @!p0 s4, s15;
	s14 =	sand.u32 @!p0 $0x20, s14  }
0x18: {  	[tilespmem:s14], [sflag:$0x2] =	stream.linear.gather @!p0 [hbm4b:s15+s16], $0x20, $0x38;
	[tilespmem:$0x80] =	vst v63  }
0x19: {  	p0 =	sge.u32 s31, s7  }
.Ltmp2:
0x1a: {  	_ = 	snop;
	(pc) =	sbr.rel @p0 .LBB2_5-.Ltmp2, $1  }
0x1b: {  	_ =	sdelay $0x3  }
0x1c: {  	_ =	swait.ge [sflag:s6], $0x20;
	s14 =	sshll.u32 s12, $0x5;
	s16 =	simm.s32 $0x0  }
0x1d: {  	p0 =	por $0x1, $0x1;
	[sflag:s6] =	ssyncset.done $0x0;
	s15 =	sand.u32 $0x20, s14  }
0x1e: {  	[sflag:s6] =	ssyncadd.s32 $0xFFFFFFE0;
	(ifvalue) =	ssetifvalue $0x7FFFFFFF;
	s14 =	sor.u32 $0x40, s15  }
.LBB2_3:
0x1f: {  	s17 =	sadd.s32 s16, s15  }
0x20: {  	v0 =	vld.msk [tilespmem:s17+$0x0 ss:$0x1], $0xffff;
	_ =	sdelay $0x4  }
0x21: {  	v1 =	vshrl.u32 v0, $0x2  }
0x22: {  	vm1 =	veq.s32 v0, $0x80000000;
	v1 =	vand.u32 $0x3FF, v1  }
0x23: {  	v0 =	vand.u32 $0x3, v0;
	v1 =	vsel vm1, $0xFFFFFFFF, v1  }
0x24: {  	v0 =	vsel vm1, $0xFFFFFFFF, v0;
	v2 =	vshll.u32 v1, $0x2  }
0x25: {  	v3 =	vand.u32 $0xFFFFF000, v0;
	v0 =	vshll.u32 v0, $0x7;
	v2 =	vand.u32 $0xFFFFFE00, v2  }
0x26: {  	v0 =	vand.u32 $0x180, v0;
	v2 =	vadd.s32 v3, v2  }
0x27: {  	v1 =	vand.u32 $0x7F, v1;
	v0 =	vor.u32 v0, v2  }
0x28: {  	p1 =	por p0, p0;
	v0 =	vor.u32 v1, v0  }
.Ltmp3:
0x29: {  	_ = 	snop;
	(pc) =	sbr.rel @p1 .LBB2_3-.Ltmp3, $4  }
0x2a: {  	_ = 	snop  }
0x2b: {  	s31 =	sadd.s32 s16, s14  }
0x2c: {  	s16 =	simm.s32 $0x10;
	p0 =	por $0x0, $0x0;
	(ifvalue) =	ssetifvalue $0x7FFFFFFF  }
0x2d: {  	[tilespmem:s31], [sflag:$0x1] =	stream.indirect_vreg.gather [hbm4b:s2+s10], $0x1, v0, vm0, $0x4038;
	[tilespmem:$0x80] =	vst v63  }
.Ltmp4:
0x2e: {  	(pc) =	sbr.rel .LBB2_5-.Ltmp4, $4  }
0x2f: {  	_ =	swait.ge [sflag:s5], $0x20  }
0x30: {  	s15 =	sshrl.u32 s13, $0x3;
	[sflag:s5] =	ssyncset.done $0x0  }
0x31: {  	s31 =	sand.u32 $0x7, s13;
	s15 =	sadd.s32 s8, s15;
	[sflag:s5] =	ssyncadd.s32 $0xFFFFFFE0  }
0x32: {  	[hbm4b:s15+s31] =	stream.linear.scatter [tilespmem:s14], [sflag:$0x3], $0x20, $0x38;
	[tilespmem:$0x80] =	vst v63  }
.LBB2_6:
0x33: {  	_ =	sfence.sel $0x180000  }
0x34: {  	s2 =	simm.s32 $0x2;
	[bflag:$0x0] =	sbarrier.arrive $0xFFFF  }
0x35: {  	s30 =	simm.s32 $0x3;
	[sflag:s2] =	ssyncpa.u1 $0x1  }
0x36: {  	s31 =	simm.s32 $0x1;
	[sflag:s30] =	ssyncpa.u1 $0x1  }
0x37: {  	[sflag:s31] =	ssyncpa.u1 $0x1  }
0x38: {  	p0 =	sne.s32 s0, $0x0;
	_ =	strace $0x90000050  }
0x39: {  	s0 =	sadd.s32 @!p0 $0x100000, s1;
	[bflag:$0x2] =	sbarrier.arrive $0xFFFF  }
0x3a: {  	[sflag:s0] =	ssyncadd.tile.s32 @!p0 $0x1;
	_ =	shalt  }
.Lfunc_end2:
_tile_overlayer_lowered:
.L_overlay_start_2:
0x3b: {  	(tag) =	ssettag $0x2  }
0x3c: {  	s0 =	rddreg [dreg:$0x0];
	s2 =	stileid.u32  }
0x3d: {  	s1 =	rddreg [dreg:$0x1];
	p0 =	sne.s32 s2, $0x0  }
0x3e: {  	s3 =	rddreg [dreg:$0x2];
	[bflag:$0x3] =	sbarrier.arrive $0xFFFF;
	s2 =	simm.s32 @!p0 $0x1C01  }
0x3f: {  	[timem:s3], [sflag:s2] =	dma.local @!p0 [hbm:s0], s1  }
0x40: {  	s0 =	simm.s32 @!p0 $0x1  }
0x41: {  	_ =	swait.ge @!p0 [sflag:s0], s1  }
0x42: {  	s1 =	ssub.s32 @!p0 $0x0, s1;
	[sflag:s0] =	ssyncset.done @!p0 $0x0  }
0x43: {  	[sflag:s0] =	ssyncadd.s32 @!p0 s1  }
0x44: {  	[bflag:$0x3] =	sbarrier.arrive $0xFFFF  }
0x45: {  	_ =	shalt  }

// kernel: gather_offload_async_start.7
scs
__scs_entry_jumppad:
0x0: {  	(pc) =	sbr.rel $0x88, $3  }
0x1: {  	(tag) =	ssettag $0x0;
	lr =	simm.s32 $0x1  }
0x2: {  	[smem:$0x3F9D] =	sst lr;
	_ =	strace $0xD0000000  }
0x3: {  	_ = 	snop  }
0x4: {  	_ = 	snop  }
0x5: {  	_ = 	snop  }
0x6: {  	_ = 	snop  }
0x7: {  	_ = 	snop  }
__scs_overlays_trampoline_lowered:
0x8: {  	[smem:$0x3FAC] =	sst s0  }
0x9: {  	[smem:$0x3FAD] =	sst s1  }
0xa: {  	[smem:$0x3FAE] =	sst s2  }
0xb: {  	[smem:$0x3FAF] =	sst s3  }
0xc: {  	[smem:$0x3FB0] =	sst s4  }
0xd: {  	[smem:$0x3FB1] =	sst s5  }
0xe: {  	[smem:$0x3FB2] =	sst s6  }
0xf: {  	[smem:$0x3FB3] =	sst s7  }
0x10: {  	[smem:$0x3FB4] =	sst s8  }
0x11: {  	[smem:$0x3FB5] =	sst s9;
	s0 =	simm.s32 @!p0 $0x0  }
0x12: {  	s1 =	sld [smem:$0x3F9B];
	s0 =	simm.s32 @p0 $0x1  }
0x13: {  	[smem:$0x3FB6] =	sst s0;
	s0 =	simm.s32 @!p1 $0x0  }
0x14: {  	s2 =	sld [smem:$0x3F9A];
	s0 =	simm.s32 @p1 $0x1  }
0x15: {  	[smem:$0x3FB7] =	sst s0;
	s0 =	simm.s32 @!p2 $0x0  }
0x16: {  	s3 =	sld [smem:$0x3FDB];
	s0 =	simm.s32 @p2 $0x1  }
0x17: {  	s4 =	simm.s32 $0x1BF5;
	[smem:$0x3FB9] =	sst s0  }
0x18: {  	s0 =	sld [smem:$0x3F9C];
	_ =	swait.ge [sflag:s4], $0x0  }
0x19: {  	s7 =	sld [smem:$0x3F9D]  }
0x1a: {  	s8 =	sadd.s32 $0xFFFFE003, lr  }
0x1b: {  	s9 =	sadd.s32 $0xFFFFFEF7, lr;
	s5 =	simm.s32 $0xFFFFFFFF;
	p2 =	slt.u32 s8, $0xFFFFF086  }
0x1c: {  	p1 =	slt.u32 s9, $0xF7A;
	s5 =	simm.s32 @!p2 $0x0  }
0x1d: {  	s5 =	simm.s32 @p1 $0x1;
	p0 =	seq.s32 s7, s2  }
0x1e: {  	s7 =	smul.u32 @!p0 $0xF7A, s2;
	p2 =	seq.s32 @!p0 s5, $0x0  }
0x1f: {  	s9 =	smul.u32 $0xF7A, s1;
	s8 =	simm.s32 @!p0 $0x1BF5;
	p2 =	por !p2, p0  }
0x20: {  	[sflag:s8] =	ssyncset.s32 @!p0 $0xFFFFF086;
	s6 =	sadd.s32 @!p0 s3, s7;
	s7 =	simm.s32 @!p0 $0x108  }
0x21: {  	s3 =	sadd.s32 s3, s9;
	s6 =	sadd.s32 @!p0 $0x88, s6;
	s7 =	simm.s32 @p2 $0x1082  }
0x22: {  	[simem:s7], [sflag:s8] =	dma.local @!p0 [hbm:s6], $0xF7A  }
0x23: {  	s9 =	sor.u32 $0xD0000000, s2;
	s6 =	simm.s32 $0x108;
	_ =	swait.ge @!p0 [sflag:s8], $0x0  }
0x24: {  	s3 =	sadd.s32 $0x88, s3;
	s6 =	simm.s32 @!p1 $0x1082;
	[sflag:s4] =	ssyncset.s32 $0xFFFFF086  }
0x25: {  	[simem:s6], [sflag:s4] =	dma.local [hbm:s3], $0xF7A  }
0x26: {  	[smem:$0x3F9D] =	sst s1;
	(tag) =	ssettag s2;
	_ =	strace s9  }
0x27: {  	s1 =	sld [smem:$0x3FAD]  }
0x28: {  	s2 =	sld [smem:$0x3FAE]  }
0x29: {  	s4 =	sld [smem:$0x3FB0]  }
0x2a: {  	p0 =	seq.s32 s5, $0x0;
	s5 =	sld [smem:$0x3FB1]  }
0x2b: {  	s6 =	sld [smem:$0x3FB2]  }
0x2c: {  	s7 =	sld [smem:$0x3FB3]  }
0x2d: {  	s3 =	simm.s32 $0x108;
	s8 =	sld [smem:$0x3FB4]  }
0x2e: {  	s3 =	simm.s32 @!p0 $0x1082;
	s9 =	sld [smem:$0x3FB5]  }
0x2f: {  	lr =	sadd.s32 s0, s3;
	s0 =	sld [smem:$0x3FAC]  }
0x30: {  	s3 =	sld [smem:$0x3FAF]  }
0x31: {  	[smem:$0x3FB8] =	sst s10  }
0x32: {  	s10 =	sld [smem:$0x3FB6];
	_ =	sdelay $0x3  }
0x33: {  	p0 =	seq.s32 s10, $0x1;
	s10 =	sld [smem:$0x3FB8];
	_ =	sdelay $0x3  }
0x34: {  	[smem:$0x3FB8] =	sst s10  }
0x35: {  	s10 =	sld [smem:$0x3FB7];
	_ =	sdelay $0x3  }
0x36: {  	p1 =	seq.s32 s10, $0x1;
	s10 =	sld [smem:$0x3FB8];
	_ =	sdelay $0x3  }
0x37: {  	[smem:$0x3FB8] =	sst s10  }
0x38: {  	s10 =	sld [smem:$0x3FB9]  }
0x39: {  	_ = 	snop;
	(pc) =	sbr.ind lr, $3  }
0x3a: {  	_ = 	snop  }
0x3b: {  	_ = 	snop  }
0x3c: {  	p2 =	seq.s32 s10, $0x1;
	s10 =	sld [smem:$0x3FB8]  }
0x3d: {  	_ =	shalt  }
0x3e: {  	_ =	shalt  }
0x3f: {  	_ =	shalt  }
0x40: {  	_ =	shalt  }
0x41: {  	_ =	shalt  }
0x42: {  	_ =	shalt  }
0x43: {  	_ =	shalt  }
0x44: {  	_ =	shalt  }
0x45: {  	_ =	shalt  }
0x46: {  	_ =	shalt  }
0x47: {  	_ =	shalt  }
0x48: {  	_ =	shalt  }
0x49: {  	_ =	shalt  }
0x4a: {  	_ =	shalt  }
0x4b: {  	_ =	shalt  }
0x4c: {  	_ =	shalt  }
0x4d: {  	_ =	shalt  }
0x4e: {  	_ =	shalt  }
0x4f: {  	_ =	shalt  }
0x50: {  	_ =	shalt  }
0x51: {  	_ =	shalt  }
0x52: {  	_ =	shalt  }
0x53: {  	_ =	shalt  }
0x54: {  	_ =	shalt  }
0x55: {  	_ =	shalt  }
0x56: {  	_ =	shalt  }
0x57: {  	_ =	shalt  }
0x58: {  	_ =	shalt  }
0x59: {  	_ =	shalt  }
0x5a: {  	_ =	shalt  }
0x5b: {  	_ =	shalt  }
0x5c: {  	_ =	shalt  }
0x5d: {  	_ =	shalt  }
0x5e: {  	_ =	shalt  }
0x5f: {  	_ =	shalt  }
0x60: {  	_ =	shalt  }
0x61: {  	_ =	shalt  }
0x62: {  	_ =	shalt  }
0x63: {  	_ =	shalt  }
0x64: {  	_ =	shalt  }
0x65: {  	_ =	shalt  }
0x66: {  	_ =	shalt  }
0x67: {  	_ =	shalt  }
0x68: {  	_ =	shalt  }
0x69: {  	_ =	shalt  }
0x6a: {  	_ =	shalt  }
0x6b: {  	_ =	shalt  }
0x6c: {  	_ =	shalt  }
0x6d: {  	_ =	shalt  }
0x6e: {  	_ =	shalt  }
0x6f: {  	_ =	shalt  }
0x70: {  	_ =	shalt  }
0x71: {  	_ =	shalt  }
0x72: {  	_ =	shalt  }
0x73: {  	_ =	shalt  }
0x74: {  	_ =	shalt  }
0x75: {  	_ =	shalt  }
0x76: {  	_ =	shalt  }
0x77: {  	_ =	shalt  }
0x78: {  	_ =	shalt  }
0x79: {  	_ =	shalt  }
0x7a: {  	_ =	shalt  }
0x7b: {  	_ =	shalt  }
0x7c: {  	_ =	shalt  }
0x7d: {  	_ =	shalt  }
0x7e: {  	_ =	shalt  }
0x7f: {  	_ =	shalt  }
0x80: {  	_ =	shalt  }
0x81: {  	_ =	shalt  }
0x82: {  	_ =	shalt  }
0x83: {  	_ =	shalt  }
0x84: {  	_ =	shalt  }
0x85: {  	_ =	shalt  }
0x86: {  	_ =	shalt  }
0x87: {  	_ =	shalt  }
.Lfunc_end0:
.L_simem_size_0:
called_computation.7_lowered:
.L_overlay_start_0:
0x88: {  	s2 =	sld [smem:$0x3FD9]  }
0x89: {  	s3 =	sld [smem:$0x3FFE];
	_ =	sdelay $0x1  }
0x8a: {  	s1 =	srdreg.scid  }
0x8b: {  	s0 =	sand.u32 $0x1, s1  }
0x8c: {  	s16 =	sshll.u32 s0, $0xA;
	s2 =	sadd.s32 s3, s2  }
0x8d: {  	s2 =	sadd.s32 s2, s16  }
0x8e: {  	[smem:$0x3FC4] =	sst s2  }
0x8f: {  	_ = 	snop  }
0x90: {  	(tm) =	ssettm $0x1  }
0x91: {  	s17 =	sld [smem:$0x3FFB];
	_ =	sdelay $0x3  }
0x92: {  	_ =	strace s17  }
0x93: {  	s2 =	sld [smem:$0x3FFC];
	_ =	sdelay $0x3  }
0x94: {  	_ =	strace s2  }
0x95: {  	s2 =	sld [smem:$0x3FFD];
	_ =	sdelay $0x3  }
0x96: {  	_ =	strace s2  }
0x97: {  	_ =	strace $0x8FFFFFFF  }
0x98: {  	s18 =	sld [smem:$0x3FDB];
	_ =	sdelay $0x1  }
0x99: {  	s19 =	simm.s32 $_scs_section_size  }
0x9a: {  	s4 =	simm.s32 $_size__tile_overlayer_lowered;
	s5 =	simm.s32 $_tile_overlayer_lowered  }
0x9b: {  	s22 =	simm.s32 $0x1BFF;
	s21 =	sshll.u32 s5, $0x1;
	s2 =	sadd.s32 s19, s18  }
0x9c: {  	s6 =	simm.s32 $0x0;
	s20 =	sshll.u32 s4, $0x1;
	s4 =	sadd.s32 s21, s2  }
0x9d: {  	[timem:s6], [sflag:s22] =	dma.local [hbm:s4], s20  }
0x9e: {  	_ =	swait.ge [sflag:s22], s20  }
0x9f: {  	s3 =	ssub.s32 $0x0, s20;
	[sflag:s22] =	ssyncset.done $0x0  }
0xa0: {  	[sflag:s22] =	ssyncadd.s32 s3;
	_ =	sdelay $0x1  }
0xa1: {  	s23 =	simm.s32 $0x1B8B  }
0xa2: {  	_ =	swait.ge [sflag:s23], $0x1  }
0xa3: {  	[sflag:s23] =	ssyncset.done $0x0  }
0xa4: {  	s25 =	simm.s32 $0x1B8E;
	s24 =	sld [smem:$0x3FFE];
	[sflag:s23] =	ssyncadd.s32 $0xFFFFFFFF  }
0xa5: {  	s26 =	simm.s32 $execute0_lowered;
	[smem:$0x3FD2] =	sst s25  }
0xa6: {  	s4 =	sshll.u32 s26, $0x1;
	_ =	strace $0x80000052;
	[dreg:$0x1] =	wrdreg $0xFFFFFFFF  }
0xa7: {  	s28 =	simm.s32 $_size_execute0_lowered;
	s2 =	sadd.s32 s2, s4;
	[dreg:$0x0] =	wrdreg $0x0  }
0xa8: {  	s4 =	sshll.u32 s28, $0x1;
	[dreg:$0x2] =	wrdreg s2  }
0xa9: {  	[dreg:$0x3] =	wrdreg s4  }
0xaa: {  	[dreg:$0x4] =	wrdreg $0xC0  }
0xab: {  	_ =	task [dreg:s6], $0x5FFFF  }
0xac: {  	[dreg:$0x1] =	wrdreg $0xFFFFFFFF  }
0xad: {  	[dreg:$0x0] =	wrdreg $0x60  }
0xae: {  	[dreg:$0x2] =	wrdreg s24  }
0xaf: {  	[dreg:$0x3] =	wrdreg $0x9  }
0xb0: {  	_ =	task.clear_ibuf [dreg:s6], $0x4FFFF;
	_ =	strace $0x90000052  }
0xb1: {  	s29 =	simm.s32 $0x9;
	_ =	strace $0x80000054  }
0xb2: {  	_ =	swait.ge [sflag:s29], $0x1  }
0xb3: {  	[sflag:s29] =	ssyncadd.s32 $0xFFFFFFFF  }
0xb4: {  	_ =	strace $0x90000054  }
0xb5: {  	_ =	sfence  }
0xb6: {  	s30 =	sld [smem:$0x0];
	_ =	sdelay $0x2  }
0xb7: {  	s31 =	sshll.u32 s1, $0xD;
	s1 =	sshrl.u32 s1, $0x2  }
0xb8: {  	s3 =	sand.u32 $0x4000, s31;
	s1 =	sadd.s32 s1, s30  }
0xb9: {  	s0 =	sor.u32 s3, s0;
	s1 =	sshll.u32 s1, $0x11  }
0xba: {  	s0 =	sor.u32 s1, s0  }
0xbb: {  	s0 =	sadd.s32 $0x8F2B, s0  }
0xbc: {  	[sflag:s0] =	ssyncadd.remote.s32 $0x1  }
0xbd: {  	_ =	sfence.sel $0xFFFF  }
0xbe: {  	[dreg:$0x0] =	wrdreg $0xFFFFFFFF;
	(pc) =	sbr.abs _section_cstart, $3  }
0xbf: {  	[dreg:$0x1] =	wrdreg $0xFFFFFFFF  }
0xc0: {  	_ =	task.clear_ibuf [dreg:s6], $0x2FFFF;
	_ =	strace $0x9FFFFFFF  }
0xc1: {  	(tm) =	ssettm $0x7FFFFFFF  }
tec
execute0_lowered:
.L_overlay_start_1:
0x0: {  	(tag) =	ssettag $0x1  }
0x1: {  	s0 =	srdreg.scid;
	s5 =	rddreg [dreg:$0x0]  }
0x2: {  	s1 =	stileid.u32;
	s6 =	simm.s32 $0x1;
	s9 =	simm.s32 $0x1  }
0x3: {  	s10 =	simm.s32 $0x3;
	s13 =	simm.s32 $0x0;
	s2 =	sshll.u32 s0, $0x7  }
0x4: {  	s12 =	simm.s32 $0x0;
	s3 =	sshll.u32 s1, $0x8;
	s2 =	sand.u32 $0x80, s2  }
0x5: {  	s0 =	rddreg [dreg:$0x1];
	_ =	strace $0x80000053;
	s2 =	sor.u32 s3, s2  }
0x6: {  	s4 =	sadd.s32 $0xF200, s5;
	[sflag:s6] =	ssyncpa.u1 $0x0;
	s8 =	ssub.s32 $0x2000, s2  }
.Ltmp0:
0x7: {  	s3 =	sadd.s32 $0xE200, s5;
	s7 =	sand.u32 $0xF80, s8;
	(pc) =	sbr.rel .LBB2_1-.Ltmp0, $4  }
0x8: {  	s5 =	sadd.s32 $0xF600, s5;
	s11 =	smov.u32 s2;
	p0 =	sne.s32 s7, $0x0  }
0x9: {  	s8 =	sshrl.u32 s8, $0xC;
	s7 =	simm.s32 $0x2;
	s9 =	simm.s32 @!p0 $0x0  }
0xa: {  	[sflag:s7] =	ssyncpa.u1 $0x0;
	p0 =	por $0x0, $0x0;
	s8 =	sadd.s32 s9, s8  }
0xb: {  	vm0 =	vmmov $0xffff;
	[sflag:s10] =	ssyncpa.u1 $0x0;
	s10 =	simm.s32 $0x0;
	s9 =	sadd.s32 $0x1, s8  }
.LBB2_4:
0xc: {  	v2 =	vand.u32 $0x3, v2;
	v3 =	vshrl.u32 v0, $0x4;
	v63 =	vshll.u32 v0, $0xC  }
0xd: {  	v2 =	vsel vm1, $0xFFFFFFFF, v2;
	v3 =	vand.u32 $0x3FF, v3;
	v0 =	vand.u32 $0x3000, v63  }
0xe: {  	v3 =	vsel vm1, $0xFFFFFFFF, v3;
	v0 =	vsel vm1, $0xFFFFF000, v0;
	v4 =	vand.u32 $0xFFFFF000, v2  }
0xf: {  	v5 =	vand.u32 $0x7F, v3;
	v0 =	vadd.s32 v0, v4;
	v3 =	vshll.u32 v3, $0x2  }
0x10: {  	v2 =	vshll.u32 v2, $0x7;
	v3 =	vand.u32 $0xFFFFFE00, v3;
	v0 =	vor.u32 v5, v0  }
0x11: {  	v2 =	vand.u32 $0x180, v2;
	v0 =	vadd.s32 v3, v0  }
0x12: {  	v0 =	vor.u32 v2, v0;
	_ =	sdelay $0x1  }
0x13: {  	(ifvalue) =	ssetifvalue $0x7FFFFFFF;
	s14 =	sadd.s32 $0x10, s14  }
0x14: {  	[tilespmem:s14], [sflag:$0x1] =	stream.indirect_vreg.gather [hbm4b:s3+s10], $0x1, v1, vm0, $0x4038;
	[tilespmem:$0x200] =	vst v63  }
0x15: {  	(ifvalue) =	ssetifvalue $0x7FFFFFFF;
	s14 =	sadd.s32 $0x10, s14  }
0x16: {  	[tilespmem:s14], [sflag:$0x1] =	stream.indirect_vreg.gather [hbm4b:s3+s10], $0x1, v0, vm0, $0x4038;
	[tilespmem:$0x200] =	vst v63  }
0x17: {  	_ =	swait.ge [sflag:s6], $0x80  }
0x18: {  	s30 =	sshrl.u32 s13, $0x3;
	[sflag:s6] =	ssyncset.done $0x0  }
0x19: {  	s31 =	sand.u32 $0x7, s13;
	s14 =	sadd.s32 s5, s30;
	[sflag:s6] =	ssyncadd.s32 $0xFFFFFF80  }
0x1a: {  	[hbm4b:s14+s31] =	stream.linear.scatter [tilespmem:s15], [sflag:$0x3], $0x80, $0x38;
	[tilespmem:$0x200] =	vst v63  }
.LBB2_5:
0x1b: {  	s15 =	sadd.s32 $0x1000, s11  }
0x1c: {  	p2 =	sgt.s32 s15, $0x1FFF  }
0x1d: {  	s15 =	smov.u32 @p2 s2;
	p2 =	sne.s32 s12, s9  }
.Ltmp1:
0x1e: {  	p1 =	slt.u32 s12, $0x2;
	(pc) =	sbr.rel @!p2 .LBB2_6-.Ltmp1, $4  }
0x1f: {  	s14 =	simm.s32 @!p1 $0x3  }
0x20: {  	s16 =	sadd.s32 $0x1, s12;
	_ =	swait.ge @!p1 [sflag:s14], $0x80  }
0x21: {  	s13 =	smov.u32 s11;
	p0 =	por !p0, !p0;
	[sflag:s14] =	ssyncset.done @!p1 $0x0  }
0x22: {  	s12 =	smov.u32 s16;
	s11 =	smov.u32 s15;
	[sflag:s14] =	ssyncadd.s32 @!p1 $0xFFFFFF80  }
.LBB2_1:
0x23: {  	p1 =	sge.u32 s12, s8  }
0x24: {  	s14 =	sxor.u32 @!p1 $0xFFFFFFFF, s12  }
0x25: {  	s31 =	sadd.s32 $0xFFFFFFFF, s12;
	s15 =	sshrl.u32 @!p1 s11, $0x3;
	s14 =	sshll.u32 @!p1 s14, $0x7  }
0x26: {  	s16 =	sand.u32 @!p1 $0x7, s11;
	s15 =	sadd.s32 @!p1 s4, s15;
	s14 =	sand.u32 @!p1 $0x80, s14  }
0x27: {  	[tilespmem:s14], [sflag:$0x2] =	stream.linear.gather @!p1 [hbm4b:s15+s16], $0x80, $0x38;
	[tilespmem:$0x200] =	vst v63  }
0x28: {  	p1 =	sge.u32 s31, s8  }
.Ltmp2:
0x29: {  	_ = 	snop;
	(pc) =	sbr.rel @p1 .LBB2_5-.Ltmp2, $1  }
0x2a: {  	_ =	sdelay $0x3  }
0x2b: {  	s14 =	simm.s32 $0x1  }
0x2c: {  	_ =	swait.ge [sflag:s7], $0x80;
	s14 =	simm.s32 @!p0 $0x0  }
0x2d: {  	[sflag:s7] =	ssyncset.done $0x0;
	s14 =	sshll.u32 s14, $0x7  }
0x2e: {  	[sflag:s7] =	ssyncadd.s32 $0xFFFFFF80;
	(ifvalue) =	ssetifvalue $0x7FFFFFFF;
	v0 =	vld.msk [tilespmem:s14+$0x0 ss:$0x1], $0xffff;
	_ =	sdelay $0x1  }
0x2f: {  	s15 =	sadd.s32 $0x10, s14  }
0x30: {  	v3 =	vld.msk [tilespmem:s15+$0x0 ss:$0x1], $0xffff;
	_ =	sdelay $0x1  }
0x31: {  	vm1 =	veq.s32 v0, $0x80000000  }
0x32: {  	v1 =	vshrl.u32 v0, $0x2;
	v2 =	vshrl.u32 v0, $0x4;
	v0 =	vshll.u32 v0, $0xC  }
0x33: {  	v1 =	vand.u32 $0x3, v1;
	v2 =	vand.u32 $0x3FF, v2;
	v0 =	vand.u32 $0x3000, v0  }
0x34: {  	v62 =	vshrl.u32 v3, $0x4;
	v1 =	vsel vm1, $0xFFFFFFFF, v1;
	v2 =	vsel vm1, $0xFFFFFFFF, v2  }
0x35: {  	v0 =	vsel vm1, $0xFFFFF000, v0;
	vm1 =	veq.s32 v3, $0x80000000;
	v4 =	vand.u32 $0xFFFFF000, v1  }
0x36: {  	v5 =	vand.u32 $0x7F, v2;
	v2 =	vshll.u32 v2, $0x2;
	v0 =	vadd.s32 v0, v4  }
0x37: {  	v1 =	vshll.u32 v1, $0x7;
	v2 =	vand.u32 $0xFFFFFE00, v2;
	v0 =	vor.u32 v5, v0  }
0x38: {  	v1 =	vand.u32 $0x180, v1;
	v0 =	vadd.s32 v2, v0;
	v2 =	vshrl.u32 v3, $0x2  }
0x39: {  	s17 =	sadd.s32 $0x10, s15;
	v3 =	vshll.u32 v3, $0xC;
	v1 =	vor.u32 v1, v0;
	v2 =	vand.u32 $0x3, v2  }
0x3a: {  	v4 =	vand.u32 $0x3FF, v62;
	v0 =	vld.msk [tilespmem:s17+$0x0 ss:$0x1], $0xffff;
	v3 =	vand.u32 $0x3000, v3;
	v2 =	vsel vm1, $0xFFFFFFFF, v2  }
0x3b: {  	v4 =	vsel vm1, $0xFFFFFFFF, v4;
	v3 =	vsel vm1, $0xFFFFF000, v3;
	v63 =	vand.u32 $0xFFFFF000, v2  }
0x3c: {  	s31 =	sshll.u32 s12, $0x7;
	v6 =	vand.u32 $0x7F, v4;
	v4 =	vshll.u32 v4, $0x2;
	v3 =	vadd.s32 v3, v63  }
0x3d: {  	s14 =	sor.u32 $0x100, s14;
	s15 =	sand.u32 $0x80, s31;
	(ifvalue) =	ssetifvalue $0x7FFFFFFF;
	v4 =	vand.u32 $0xFFFFFE00, v4;
	v2 =	vshll.u32 v2, $0x7;
	v3 =	vor.u32 v6, v3  }
0x3e: {  	[tilespmem:s14], [sflag:$0x1] =	stream.indirect_vreg.gather [hbm4b:s3+s10], $0x1, v1, vm0, $0x4038;
	v1 =	vand.u32 $0x180, v2;
	v3 =	vadd.s32 v4, v3;
	[tilespmem:$0x200] =	vst v63  }
0x3f: {  	s16 =	simm.s32 $0x20;
	s15 =	sor.u32 $0x100, s15;
	s17 =	sadd.s32 $0x10, s17;
	vm1 =	veq.s32 v0, $0x80000000;
	v2 =	vshrl.u32 v0, $0x2;
	v1 =	vor.u32 v1, v3  }
.LBB2_3:
0x40: {  	s16 =	sadd.s32 $0x10, s16;
	v2 =	vand.u32 $0x3, v2;
	v3 =	vshrl.u32 v0, $0x4;
	v4 =	vshll.u32 v0, $0xC;
	v0 =	vld.msk [tilespmem:s17+$0x0 ss:$0x1], $0xffff  }
0x41: {  	p1 =	slt.u32 s16, $0x70;
	v2 =	vsel vm1, $0xFFFFFFFF, v2;
	v3 =	vand.u32 $0x3FF, v3;
	v4 =	vand.u32 $0x3000, v4  }
.Ltmp3:
0x42: {  	v3 =	vsel vm1, $0xFFFFFFFF, v3;
	v4 =	vsel vm1, $0xFFFFF000, v4;
	v5 =	vand.u32 $0xFFFFF000, v2;
	(pc) =	sbr.rel @p1 .LBB2_3-.Ltmp3, $4  }
0x43: {  	s14 =	sadd.s32 $0x10, s14;
	v6 =	vand.u32 $0x7F, v3;
	v4 =	vadd.s32 v4, v5;
	v3 =	vshll.u32 v3, $0x2;
	(ifvalue) =	ssetifvalue $0x7FFFFFFF  }
0x44: {  	v2 =	vshll.u32 v2, $0x7;
	v3 =	vand.u32 $0xFFFFFE00, v3;
	v4 =	vor.u32 v6, v4;
	[tilespmem:s14], [sflag:$0x1] =	stream.indirect_vreg.gather [hbm4b:s3+s10], $0x1, v1, vm0, $0x4038;
	[tilespmem:$0x200] =	vst v63  }
0x45: {  	v1 =	vand.u32 $0x180, v2;
	v3 =	vadd.s32 v3, v4  }
0x46: {  	s17 =	sadd.s32 $0x10, s17;
	vm1 =	veq.s32 v0, $0x80000000;
	v2 =	vshrl.u32 v0, $0x2;
	v1 =	vor.u32 v1, v3  }
.Ltmp4:
0x47: {  	_ = 	snop;
	(pc) =	sbr.rel .LBB2_4-.Ltmp4, $1  }
0x48: {  	_ =	sdelay $0x3  }
.LBB2_6:
0x49: {  	_ =	sfence.sel $0x180000  }
0x4a: {  	s2 =	simm.s32 $0x2;
	[bflag:$0x0] =	sbarrier.arrive $0xFFFF  }
0x4b: {  	s30 =	simm.s32 $0x3;
	[sflag:s2] =	ssyncpa.u1 $0x1  }
0x4c: {  	s31 =	simm.s32 $0x1;
	[sflag:s30] =	ssyncpa.u1 $0x1  }
0x4d: {  	[sflag:s31] =	ssyncpa.u1 $0x1  }
0x4e: {  	p0 =	sne.s32 s1, $0x0;
	_ =	strace $0x90000053  }
0x4f: {  	s0 =	sadd.s32 @!p0 $0x100000, s0;
	[bflag:$0x2] =	sbarrier.arrive $0xFFFF  }
0x50: {  	[sflag:s0] =	ssyncadd.tile.s32 @!p0 $0x1;
	_ =	shalt  }
.Lfunc_end2:
_tile_overlayer_lowered:
.L_overlay_start_2:
0x51: {  	(tag) =	ssettag $0x2  }
0x52: {  	s0 =	rddreg [dreg:$0x0];
	s2 =	stileid.u32  }
0x53: {  	s1 =	rddreg [dreg:$0x1];
	p0 =	sne.s32 s2, $0x0  }
0x54: {  	s3 =	rddreg [dreg:$0x2];
	[bflag:$0x3] =	sbarrier.arrive $0xFFFF;
	s2 =	simm.s32 @!p0 $0x1C01  }
0x55: {  	[timem:s3], [sflag:s2] =	dma.local @!p0 [hbm:s0], s1  }
0x56: {  	s0 =	simm.s32 @!p0 $0x1  }
0x57: {  	_ =	swait.ge @!p0 [sflag:s0], s1  }
0x58: {  	s1 =	ssub.s32 @!p0 $0x0, s1;
	[sflag:s0] =	ssyncset.done @!p0 $0x0  }
0x59: {  	[sflag:s0] =	ssyncadd.s32 @!p0 s1  }
0x5a: {  	[bflag:$0x3] =	sbarrier.arrive $0xFFFF  }
0x5b: {  	_ =	shalt  }

// kernel: gather_offload_async_start
scs
__scs_entry_jumppad:
0x0: {  	(pc) =	sbr.rel $0x88, $3  }
0x1: {  	(tag) =	ssettag $0x0;
	lr =	simm.s32 $0x1  }
0x2: {  	[smem:$0x3F9D] =	sst lr;
	_ =	strace $0xD0000000  }
0x3: {  	_ = 	snop  }
0x4: {  	_ = 	snop  }
0x5: {  	_ = 	snop  }
0x6: {  	_ = 	snop  }
0x7: {  	_ = 	snop  }
__scs_overlays_trampoline_lowered:
0x8: {  	[smem:$0x3FAC] =	sst s0  }
0x9: {  	[smem:$0x3FAD] =	sst s1  }
0xa: {  	[smem:$0x3FAE] =	sst s2  }
0xb: {  	[smem:$0x3FAF] =	sst s3  }
0xc: {  	[smem:$0x3FB0] =	sst s4  }
0xd: {  	[smem:$0x3FB1] =	sst s5  }
0xe: {  	[smem:$0x3FB2] =	sst s6  }
0xf: {  	[smem:$0x3FB3] =	sst s7  }
0x10: {  	[smem:$0x3FB4] =	sst s8  }
0x11: {  	[smem:$0x3FB5] =	sst s9;
	s0 =	simm.s32 @!p0 $0x0  }
0x12: {  	s1 =	sld [smem:$0x3F9B];
	s0 =	simm.s32 @p0 $0x1  }
0x13: {  	[smem:$0x3FB6] =	sst s0;
	s0 =	simm.s32 @!p1 $0x0  }
0x14: {  	s2 =	sld [smem:$0x3F9A];
	s0 =	simm.s32 @p1 $0x1  }
0x15: {  	[smem:$0x3FB7] =	sst s0;
	s0 =	simm.s32 @!p2 $0x0  }
0x16: {  	s3 =	sld [smem:$0x3FDB];
	s0 =	simm.s32 @p2 $0x1  }
0x17: {  	s4 =	simm.s32 $0x1BF5;
	[smem:$0x3FB9] =	sst s0  }
0x18: {  	s0 =	sld [smem:$0x3F9C];
	_ =	swait.ge [sflag:s4], $0x0  }
0x19: {  	s7 =	sld [smem:$0x3F9D]  }
0x1a: {  	s8 =	sadd.s32 $0xFFFFE003, lr  }
0x1b: {  	s9 =	sadd.s32 $0xFFFFFEF7, lr;
	s5 =	simm.s32 $0xFFFFFFFF;
	p2 =	slt.u32 s8, $0xFFFFF086  }
0x1c: {  	p1 =	slt.u32 s9, $0xF7A;
	s5 =	simm.s32 @!p2 $0x0  }
0x1d: {  	s5 =	simm.s32 @p1 $0x1;
	p0 =	seq.s32 s7, s2  }
0x1e: {  	s7 =	smul.u32 @!p0 $0xF7A, s2;
	p2 =	seq.s32 @!p0 s5, $0x0  }
0x1f: {  	s9 =	smul.u32 $0xF7A, s1;
	s8 =	simm.s32 @!p0 $0x1BF5;
	p2 =	por !p2, p0  }
0x20: {  	[sflag:s8] =	ssyncset.s32 @!p0 $0xFFFFF086;
	s6 =	sadd.s32 @!p0 s3, s7;
	s7 =	simm.s32 @!p0 $0x108  }
0x21: {  	s3 =	sadd.s32 s3, s9;
	s6 =	sadd.s32 @!p0 $0x88, s6;
	s7 =	simm.s32 @p2 $0x1082  }
0x22: {  	[simem:s7], [sflag:s8] =	dma.local @!p0 [hbm:s6], $0xF7A  }
0x23: {  	s9 =	sor.u32 $0xD0000000, s2;
	s6 =	simm.s32 $0x108;
	_ =	swait.ge @!p0 [sflag:s8], $0x0  }
0x24: {  	s3 =	sadd.s32 $0x88, s3;
	s6 =	simm.s32 @!p1 $0x1082;
	[sflag:s4] =	ssyncset.s32 $0xFFFFF086  }
0x25: {  	[simem:s6], [sflag:s4] =	dma.local [hbm:s3], $0xF7A  }
0x26: {  	[smem:$0x3F9D] =	sst s1;
	(tag) =	ssettag s2;
	_ =	strace s9  }
0x27: {  	s1 =	sld [smem:$0x3FAD]  }
0x28: {  	s2 =	sld [smem:$0x3FAE]  }
0x29: {  	s4 =	sld [smem:$0x3FB0]  }
0x2a: {  	p0 =	seq.s32 s5, $0x0;
	s5 =	sld [smem:$0x3FB1]  }
0x2b: {  	s6 =	sld [smem:$0x3FB2]  }
0x2c: {  	s7 =	sld [smem:$0x3FB3]  }
0x2d: {  	s3 =	simm.s32 $0x108;
	s8 =	sld [smem:$0x3FB4]  }
0x2e: {  	s3 =	simm.s32 @!p0 $0x1082;
	s9 =	sld [smem:$0x3FB5]  }
0x2f: {  	lr =	sadd.s32 s0, s3;
	s0 =	sld [smem:$0x3FAC]  }
0x30: {  	s3 =	sld [smem:$0x3FAF]  }
0x31: {  	[smem:$0x3FB8] =	sst s10  }
0x32: {  	s10 =	sld [smem:$0x3FB6];
	_ =	sdelay $0x3  }
0x33: {  	p0 =	seq.s32 s10, $0x1;
	s10 =	sld [smem:$0x3FB8];
	_ =	sdelay $0x3  }
0x34: {  	[smem:$0x3FB8] =	sst s10  }
0x35: {  	s10 =	sld [smem:$0x3FB7];
	_ =	sdelay $0x3  }
0x36: {  	p1 =	seq.s32 s10, $0x1;
	s10 =	sld [smem:$0x3FB8];
	_ =	sdelay $0x3  }
0x37: {  	[smem:$0x3FB8] =	sst s10  }
0x38: {  	s10 =	sld [smem:$0x3FB9]  }
0x39: {  	_ = 	snop;
	(pc) =	sbr.ind lr, $3  }
0x3a: {  	_ = 	snop  }
0x3b: {  	_ = 	snop  }
0x3c: {  	p2 =	seq.s32 s10, $0x1;
	s10 =	sld [smem:$0x3FB8]  }
0x3d: {  	_ =	shalt  }
0x3e: {  	_ =	shalt  }
0x3f: {  	_ =	shalt  }
0x40: {  	_ =	shalt  }
0x41: {  	_ =	shalt  }
0x42: {  	_ =	shalt  }
0x43: {  	_ =	shalt  }
0x44: {  	_ =	shalt  }
0x45: {  	_ =	shalt  }
0x46: {  	_ =	shalt  }
0x47: {  	_ =	shalt  }
0x48: {  	_ =	shalt  }
0x49: {  	_ =	shalt  }
0x4a: {  	_ =	shalt  }
0x4b: {  	_ =	shalt  }
0x4c: {  	_ =	shalt  }
0x4d: {  	_ =	shalt  }
0x4e: {  	_ =	shalt  }
0x4f: {  	_ =	shalt  }
0x50: {  	_ =	shalt  }
0x51: {  	_ =	shalt  }
0x52: {  	_ =	shalt  }
0x53: {  	_ =	shalt  }
0x54: {  	_ =	shalt  }
0x55: {  	_ =	shalt  }
0x56: {  	_ =	shalt  }
0x57: {  	_ =	shalt  }
0x58: {  	_ =	shalt  }
0x59: {  	_ =	shalt  }
0x5a: {  	_ =	shalt  }
0x5b: {  	_ =	shalt  }
0x5c: {  	_ =	shalt  }
0x5d: {  	_ =	shalt  }
0x5e: {  	_ =	shalt  }
0x5f: {  	_ =	shalt  }
0x60: {  	_ =	shalt  }
0x61: {  	_ =	shalt  }
0x62: {  	_ =	shalt  }
0x63: {  	_ =	shalt  }
0x64: {  	_ =	shalt  }
0x65: {  	_ =	shalt  }
0x66: {  	_ =	shalt  }
0x67: {  	_ =	shalt  }
0x68: {  	_ =	shalt  }
0x69: {  	_ =	shalt  }
0x6a: {  	_ =	shalt  }
0x6b: {  	_ =	shalt  }
0x6c: {  	_ =	shalt  }
0x6d: {  	_ =	shalt  }
0x6e: {  	_ =	shalt  }
0x6f: {  	_ =	shalt  }
0x70: {  	_ =	shalt  }
0x71: {  	_ =	shalt  }
0x72: {  	_ =	shalt  }
0x73: {  	_ =	shalt  }
0x74: {  	_ =	shalt  }
0x75: {  	_ =	shalt  }
0x76: {  	_ =	shalt  }
0x77: {  	_ =	shalt  }
0x78: {  	_ =	shalt  }
0x79: {  	_ =	shalt  }
0x7a: {  	_ =	shalt  }
0x7b: {  	_ =	shalt  }
0x7c: {  	_ =	shalt  }
0x7d: {  	_ =	shalt  }
0x7e: {  	_ =	shalt  }
0x7f: {  	_ =	shalt  }
0x80: {  	_ =	shalt  }
0x81: {  	_ =	shalt  }
0x82: {  	_ =	shalt  }
0x83: {  	_ =	shalt  }
0x84: {  	_ =	shalt  }
0x85: {  	_ =	shalt  }
0x86: {  	_ =	shalt  }
0x87: {  	_ =	shalt  }
.Lfunc_end0:
.L_simem_size_0:
called_computation_lowered:
.L_overlay_start_0:
0x88: {  	s2 =	sld [smem:$0x3FD9]  }
0x89: {  	s3 =	sld [smem:$0x3FFE];
	_ =	sdelay $0x1  }
0x8a: {  	s1 =	srdreg.scid  }
0x8b: {  	s0 =	sand.u32 $0x1, s1  }
0x8c: {  	s14 =	sshll.u32 s0, $0xA;
	s2 =	sadd.s32 s3, s2  }
0x8d: {  	s2 =	sadd.s32 s2, s14  }
0x8e: {  	[smem:$0x3FC4] =	sst s2  }
0x8f: {  	_ = 	snop  }
0x90: {  	s2 =	sld [smem:$0x3FD0];
	_ =	sdelay $0x2  }
0x91: {  	s15 =	simm.s32 $0xA;
	s4 =	simm.s32 $0x10  }
0x92: {  	[smem:s4], [sflag:s15] =	dma.local [hbm:s2], $0x1  }
0x93: {  	_ =	swait.eq [sflag:s15], $0x1  }
0x94: {  	[sflag:s15] =	ssyncset.done $0x0  }
0x95: {  	[sflag:s15] =	ssyncadd.s32 $0xFFFFFFFF  }
0x96: {  	s16 =	sld [smem:$0x10];
	(tm) =	ssettm $0x1  }
0x97: {  	s17 =	sld [smem:$0x3FFB];
	_ =	sdelay $0x3  }
0x98: {  	_ =	strace s17  }
0x99: {  	s3 =	sld [smem:$0x3FFC];
	_ =	sdelay $0x3  }
0x9a: {  	_ =	strace s3  }
0x9b: {  	s3 =	sld [smem:$0x3FFD];
	_ =	sdelay $0x3  }
0x9c: {  	_ =	strace s3  }
0x9d: {  	_ =	strace $0x8FFFFFFF  }
0x9e: {  	s18 =	sld [smem:$0x3FDB];
	_ =	sdelay $0x1  }
0x9f: {  	s19 =	simm.s32 $_scs_section_size  }
0xa0: {  	s5 =	simm.s32 $_size__tile_overlayer_lowered;
	s6 =	simm.s32 $_tile_overlayer_lowered  }
0xa1: {  	s22 =	simm.s32 $0x1BFF;
	s21 =	sshll.u32 s6, $0x1;
	s3 =	sadd.s32 s19, s18  }
0xa2: {  	s7 =	simm.s32 $0x0;
	s20 =	sshll.u32 s5, $0x1;
	s5 =	sadd.s32 s21, s3  }
0xa3: {  	[timem:s7], [sflag:s22] =	dma.local [hbm:s5], s20  }
0xa4: {  	_ =	swait.ge [sflag:s22], s20  }
0xa5: {  	s4 =	ssub.s32 $0x0, s20;
	[sflag:s22] =	ssyncset.done $0x0  }
0xa6: {  	[sflag:s22] =	ssyncadd.s32 s4;
	_ =	sdelay $0x1  }
0xa7: {  	s23 =	simm.s32 $0x1B8B  }
0xa8: {  	_ =	swait.ge [sflag:s23], $0x1  }
0xa9: {  	[sflag:s23] =	ssyncset.done $0x0  }
0xaa: {  	s25 =	simm.s32 $0x1B8E;
	s24 =	sld [smem:$0x3FFE];
	[sflag:s23] =	ssyncadd.s32 $0xFFFFFFFF  }
0xab: {  	s26 =	simm.s32 $execute0_lowered;
	[smem:$0x3FD2] =	sst s25  }
0xac: {  	s5 =	sshll.u32 s26, $0x1;
	_ =	strace $0x8000004C;
	[dreg:$0x1] =	wrdreg $0xFFFFFFFF  }
0xad: {  	s28 =	simm.s32 $_size_execute0_lowered;
	s3 =	sadd.s32 s3, s5;
	[dreg:$0x0] =	wrdreg $0x0  }
0xae: {  	s5 =	sshll.u32 s28, $0x1;
	[dreg:$0x2] =	wrdreg s3  }
0xaf: {  	[dreg:$0x3] =	wrdreg s5  }
0xb0: {  	[dreg:$0x4] =	wrdreg $0xC0  }
0xb1: {  	_ =	task [dreg:s7], $0x5FFFF  }
0xb2: {  	[dreg:$0x1] =	wrdreg $0xFFFFFFFF  }
0xb3: {  	[dreg:$0x0] =	wrdreg $0x60  }
0xb4: {  	[dreg:$0x2] =	wrdreg s24  }
0xb5: {  	[dreg:$0x3] =	wrdreg s16  }
0xb6: {  	[dreg:$0x4] =	wrdreg $0x9  }
0xb7: {  	_ =	task.clear_ibuf [dreg:s7], $0x5FFFF;
	_ =	strace $0x9000004C  }
0xb8: {  	s29 =	simm.s32 $0x9;
	_ =	strace $0x8000004E  }
0xb9: {  	_ =	swait.ge [sflag:s29], $0x1  }
0xba: {  	[sflag:s29] =	ssyncadd.s32 $0xFFFFFFFF  }
0xbb: {  	_ =	strace $0x9000004E  }
0xbc: {  	_ =	sfence  }
0xbd: {  	s30 =	sld [smem:$0x0];
	_ =	sdelay $0x2  }
0xbe: {  	s31 =	sshll.u32 s1, $0xD;
	s1 =	sshrl.u32 s1, $0x2  }
0xbf: {  	s3 =	sand.u32 $0x4000, s31;
	s1 =	sadd.s32 s1, s30  }
0xc0: {  	s0 =	sor.u32 s3, s0;
	s1 =	sshll.u32 s1, $0x11  }
0xc1: {  	s0 =	sor.u32 s1, s0  }
0xc2: {  	s0 =	sadd.s32 $0x8F2B, s0  }
0xc3: {  	[sflag:s0] =	ssyncadd.remote.s32 $0x1  }
0xc4: {  	_ =	sfence.sel $0xFFFF  }
0xc5: {  	[dreg:$0x0] =	wrdreg $0xFFFFFFFF;
	(pc) =	sbr.abs _section_cstart, $3  }
0xc6: {  	[dreg:$0x1] =	wrdreg $0xFFFFFFFF  }
0xc7: {  	_ =	task.clear_ibuf [dreg:s7], $0x2FFFF;
	_ =	strace $0x9FFFFFFF  }
0xc8: {  	(tm) =	ssettm $0x7FFFFFFF  }
0xc9: {  	_ =	shalt  }
tec
execute0_lowered:
.L_overlay_start_1:
0x0: {  	(tag) =	ssettag $0x1  }
0x1: {  	s8 =	rddreg [dreg:$0x0]  }
0x2: {  	s2 =	rddreg [dreg:$0x1]  }
0x3: {  	s0 =	rddreg [dreg:$0x2];
	s1 =	stileid.u32  }
0x4: {  	s3 =	srdreg.scid;
	_ =	strace $0x8000004D;
	s4 =	simm.s32 $0x1  }
0x5: {  	s7 =	simm.s32 $0x1;
	s9 =	simm.s32 $0x1;
	s10 =	simm.s32 $0x3  }
0x6: {  	s13 =	simm.s32 $0x0;
	s5 =	sand.u32 $0x1, s3;
	s6 =	sshll.u32 s1, $0x1  }
0x7: {  	s12 =	simm.s32 $0x0;
	s3 =	sadd.s32 $0xF400, s8;
	s5 =	sor.u32 s6, s5  }
.Ltmp0:
0x8: {  	[sflag:s4] =	ssyncpa.u1 $0x0;
	p0 =	slt.u32 s5, $0x13;
	(pc) =	sbr.rel .LBB2_1-.Ltmp0, $4  }
0x9: {  	s6 =	simm.s32 $0x2;
	s7 =	simm.s32 @!p0 $0x0;
	p0 =	sne.s32 s5, $0x12  }
0xa: {  	[sflag:s6] =	ssyncpa.u1 $0x0;
	s5 =	smul.u32 $0x60, s5;
	s9 =	simm.s32 @!p0 $0x0  }
0xb: {  	s8 =	sadd.s32 $0xA400, s8;
	[sflag:s10] =	ssyncpa.u1 $0x0;
	s7 =	sadd.s32 s9, s7  }
0xc: {  	vm0 =	vmmov $0xffff;
	s10 =	simm.s32 $0x0;
	s11 =	smov.u32 s5;
	s9 =	sadd.s32 $0x1, s7  }
.LBB2_4:
0xd: {  	v4 =	vand.u32 $0x3FFF, v4  }
0xe: {  	v6 =	vsel vm1, $0xFFFF6200, v6;
	v3 =	vshll.u32 v3, $0x7;
	vm1 =	vmmov vm1  }
0xf: {  	vm2 =	vmmov vm2;
	v59 =	vshrl.u32 v1, $0x2;
	v60 =	vshrl.u32 v1, $0x4  }
0x10: {  	v4 =	vsel vm1, $0xFFFFFFFF, v4;
	v5 =	vadd.s32 v5, v6;
	v3 =	vand.u32 $0x180, v3  }
0x11: {  	v2 =	vsel vm2, $0xFFFFFFFF, v2;
	v1 =	vand.u32 $0x3FFF, v60;
	vm1 =	vmmov vm2  }
0x12: {  	v58 =	vand.u32 $0x7F, v4;
	v3 =	vor.u32 v3, v5;
	v5 =	vand.u32 $0x3, v59  }
0x13: {  	v4 =	vshll.u32 v4, $0x2;
	v61 =	vshrl.u32 v2, $0x2;
	v5 =	vmul.u32 $0x9E00, v5  }
0x14: {  	v2 =	vshll.u32 v2, $0x7;
	v1 =	vsel vm1, $0xFFFFFFFF, v1;
	v62 =	vmul.u32 $0x9E00, v61  }
0x15: {  	v4 =	vand.u32 $0xFFFFFE00, v4;
	v3 =	vor.u32 v58, v3;
	v5 =	vsel vm2, $0xFFFF6200, v5  }
0x16: {  	v2 =	vand.u32 $0x180, v2;
	v3 =	vadd.s32 v4, v3;
	v4 =	vadd.s32 v62, v5  }
0x17: {  	v63 =	vand.u32 $0x7F, v1;
	v1 =	vshll.u32 v1, $0x2;
	v2 =	vor.u32 v2, v4  }
0x18: {  	v1 =	vand.u32 $0xFFFFFE00, v1;
	v2 =	vor.u32 v63, v2  }
0x19: {  	(ifvalue) =	ssetifvalue $0x7FFFFFFF;
	s15 =	sadd.s32 $0x10, s15;
	v1 =	vadd.s32 v1, v2  }
0x1a: {  	[tilespmem:s15], [sflag:$0x1] =	stream.indirect_vreg.gather [hbm4b:s3+s10], $0x1, v0, vm0, $0x4038;
	[tilespmem:$0x180] =	vst v63  }
0x1b: {  	(ifvalue) =	ssetifvalue $0x7FFFFFFF;
	s15 =	sadd.s32 $0x10, s15  }
0x1c: {  	[tilespmem:s15], [sflag:$0x1] =	stream.indirect_vreg.gather [hbm4b:s3+s10], $0x1, v3, vm0, $0x4038;
	[tilespmem:$0x180] =	vst v63  }
0x1d: {  	(ifvalue) =	ssetifvalue $0x7FFFFFFF;
	s15 =	sadd.s32 $0x10, s15  }
0x1e: {  	[tilespmem:s15], [sflag:$0x1] =	stream.indirect_vreg.gather [hbm4b:s3+s10], $0x1, v1, vm0, $0x4038;
	[tilespmem:$0x180] =	vst v63  }
0x1f: {  	_ =	swait.ge [sflag:s4], $0x60  }
0x20: {  	s30 =	sshrl.u32 s13, $0x3;
	[sflag:s4] =	ssyncset.done $0x0  }
0x21: {  	s31 =	sand.u32 $0x7, s13;
	s15 =	sadd.s32 s8, s30;
	[sflag:s4] =	ssyncadd.s32 $0xFFFFFFA0  }
0x22: {  	[hbm4b:s15+s31] =	stream.linear.scatter [tilespmem:s14], [sflag:$0x3], $0x60, $0x38;
	[tilespmem:$0x180] =	vst v63  }
.LBB2_5:
0x23: {  	s15 =	sadd.s32 $0xC00, s11  }
0x24: {  	p1 =	sgt.s32 s15, $0x12BF  }
0x25: {  	s15 =	smov.u32 @p1 s5;
	p1 =	sne.s32 s12, s9  }
.Ltmp1:
0x26: {  	p0 =	slt.u32 s12, $0x2;
	(pc) =	sbr.rel @!p1 .LBB2_6-.Ltmp1, $4  }
0x27: {  	s14 =	simm.s32 @!p0 $0x3  }
0x28: {  	_ =	swait.ge @!p0 [sflag:s14], $0x60  }
0x29: {  	s16 =	sadd.s32 $0x1, s12;
	s13 =	smov.u32 s11;
	[sflag:s14] =	ssyncset.done @!p0 $0x0  }
0x2a: {  	s12 =	smov.u32 s16;
	s11 =	smov.u32 s15;
	[sflag:s14] =	ssyncadd.s32 @!p0 $0xFFFFFFA0  }
.LBB2_1:
0x2b: {  	p0 =	sge.u32 s12, s7  }
0x2c: {  	s14 =	sxor.u32 @!p0 $0x1, s12  }
0x2d: {  	s14 =	smul.u32 @!p0 $0x180, s14  }
0x2e: {  	s31 =	sadd.s32 $0xFFFFFFFF, s12;
	s15 =	sshrl.u32 @!p0 s11, $0x3  }
0x2f: {  	s16 =	sand.u32 @!p0 $0x7, s11;
	s15 =	sadd.s32 @!p0 s2, s15;
	s14 =	sshra.s32 @!p0 s14, $0x2  }
0x30: {  	[tilespmem:s14], [sflag:$0x2] =	stream.linear.gather @!p0 [hbm4b:s15+s16], $0x60, $0x38;
	[tilespmem:$0x180] =	vst v63  }
0x31: {  	p0 =	sge.u32 s31, s7  }
.Ltmp2:
0x32: {  	_ = 	snop;
	(pc) =	sbr.rel @p0 .LBB2_5-.Ltmp2, $1  }
0x33: {  	_ =	sdelay $0x3  }
0x34: {  	s14 =	sand.u32 $0x1, s12  }
0x35: {  	_ =	swait.ge [sflag:s6], $0x60;
	p0 =	seq.s32 s14, $0x1;
	s14 =	simm.s32 $0x60  }
0x36: {  	[sflag:s6] =	ssyncset.done $0x0;
	s14 =	simm.s32 @!p0 $0x0  }
0x37: {  	[sflag:s6] =	ssyncadd.s32 $0xFFFFFFA0;
	(ifvalue) =	ssetifvalue $0x7FFFFFFF;
	v0 =	vld.msk [tilespmem:s14+$0x0 ss:$0x1], $0xffff  }
0x38: {  	s15 =	sadd.s32 $0x10, s14  }
0x39: {  	v1 =	vld.msk [tilespmem:s15+$0x0 ss:$0x1], $0xffff;
	_ =	sdelay $0x1  }
0x3a: {  	s15 =	sadd.s32 $0x10, s15  }
0x3b: {  	v6 =	vld.msk [tilespmem:s15+$0x0 ss:$0x1], $0xffff;
	vm1 =	veq.s32 v0, $0x80000000  }
0x3c: {  	v2 =	vand.u32 $0x3, v0;
	v3 =	vshrl.u32 v0, $0x2;
	v0 =	vshrl.u32 v0, $0x4  }
0x3d: {  	vm1 =	vmmov vm1;
	v3 =	vand.u32 $0x3, v3;
	vm2 =	veq.s32 v1, $0x80000000  }
0x3e: {  	v5 =	vand.u32 $0x3, v1;
	v0 =	vand.u32 $0x3FFF, v0;
	v2 =	vsel vm1, $0xFFFFFFFF, v2  }
0x3f: {  	v3 =	vmul.u32 $0x9E00, v3;
	vm2 =	vmmov vm2;
	v4 =	vshrl.u32 v2, $0x2  }
0x40: {  	v8 =	vshrl.u32 v6, $0x2;
	v2 =	vshll.u32 v2, $0x7;
	v4 =	vmul.u32 $0x9E00, v4  }
0x41: {  	v3 =	vsel vm1, $0xFFFF6200, v3;
	vm1 =	vmmov vm1;
	v2 =	vand.u32 $0x180, v2  }
0x42: {  	v0 =	vsel vm1, $0xFFFFFFFF, v0;
	vm1 =	veq.s32 v6, $0x80000000;
	v3 =	vadd.s32 v4, v3  }
0x43: {  	v4 =	vand.u32 $0x7F, v0;
	v0 =	vshll.u32 v0, $0x2;
	vm1 =	vmmov vm1  }
0x44: {  	v2 =	vor.u32 v2, v3;
	v3 =	vshrl.u32 v1, $0x2;
	v0 =	vand.u32 $0xFFFFFE00, v0  }
0x45: {  	v2 =	vor.u32 v4, v2;
	v4 =	vsel vm2, $0xFFFFFFFF, v5;
	v3 =	vand.u32 $0x3, v3  }
0x46: {  	v0 =	vadd.s32 v0, v2;
	v2 =	vmul.u32 $0x9E00, v3;
	v3 =	vshrl.u32 v4, $0x2  }
0x47: {  	v1 =	vshrl.u32 v1, $0x4;
	v5 =	vand.u32 $0x3, v6;
	v3 =	vmul.u32 $0x9E00, v3  }
0x48: {  	s15 =	sadd.s32 $0x10, s15;
	v7 =	vand.u32 $0x3FFF, v1;
	v2 =	vsel vm2, $0xFFFF6200, v2;
	vm2 =	vmmov vm2  }
0x49: {  	v1 =	vld.msk [tilespmem:s15+$0x0 ss:$0x1], $0xffff;
	v4 =	vshll.u32 v4, $0x7;
	v7 =	vsel vm2, $0xFFFFFFFF, v7;
	v2 =	vadd.s32 v3, v2  }
0x4a: {  	v3 =	vand.u32 $0x180, v4;
	v4 =	vand.u32 $0x7F, v7;
	v7 =	vshll.u32 v7, $0x2  }
0x4b: {  	v2 =	vor.u32 v3, v2;
	v3 =	vsel vm1, $0xFFFFFFFF, v5;
	v5 =	vand.u32 $0x3, v8  }
0x4c: {  	s14 =	sadd.s32 $0xC0, s14;
	(ifvalue) =	ssetifvalue $0x7FFFFFFF;
	v7 =	vand.u32 $0xFFFFFE00, v7;
	v2 =	vor.u32 v4, v2;
	v4 =	vshrl.u32 v6, $0x4  }
0x4d: {  	[tilespmem:s14], [sflag:$0x1] =	stream.indirect_vreg.gather [hbm4b:s3+s10], $0x1, v0, vm0, $0x4038;
	v6 =	vmul.u32 $0x9E00, v5;
	v0 =	vadd.s32 v7, v2;
	v7 =	vshrl.u32 v3, $0x2;
	[tilespmem:$0x180] =	vst v63  }
0x4e: {  	s16 =	simm.s32 $0x30;
	s17 =	sadd.s32 $0x10, s15;
	s15 =	smov.u32 s14;
	vm2 =	veq.s32 v1, $0x80000000;
	v2 =	vand.u32 $0x3, v1;
	v5 =	vmul.u32 $0x9E00, v7  }
.LBB2_3:
0x4f: {  	v4 =	vand.u32 $0x3FFF, v4;
	v6 =	vsel vm1, $0xFFFF6200, v6  }
0x50: {  	v7 =	vld.msk [tilespmem:s17+$0x0 ss:$0x1], $0xffff;
	v3 =	vshll.u32 v3, $0x7;
	vm3 =	vmmov vm1;
	vm1 =	vmmov vm2;
	s16 =	sadd.s32 $0x10, s16  }
0x51: {  	s15 =	sadd.s32 $0x10, s15;
	v4 =	vsel vm3, $0xFFFFFFFF, v4;
	v5 =	vadd.s32 v5, v6;
	v3 =	vand.u32 $0x180, v3;
	(ifvalue) =	ssetifvalue $0x7FFFFFFF;
	p0 =	slt.u32 s16, $0x50  }
0x52: {  	[tilespmem:s15], [sflag:$0x1] =	stream.indirect_vreg.gather [hbm4b:s3+s10], $0x1, v0, vm0, $0x4038;
	[tilespmem:$0x180] =	vst v63  }
.Ltmp3:
0x53: {  	v6 =	vand.u32 $0x7F, v4;
	v4 =	vshll.u32 v4, $0x2;
	v3 =	vor.u32 v3, v5;
	(pc) =	sbr.rel @p0 .LBB2_3-.Ltmp3, $4  }
0x54: {  	v0 =	vshrl.u32 v1, $0x2;
	v4 =	vand.u32 $0xFFFFFE00, v4;
	v5 =	vor.u32 v6, v3  }
0x55: {  	v3 =	vsel vm1, $0xFFFFFFFF, v2;
	v2 =	vand.u32 $0x3, v0;
	v0 =	vadd.s32 v4, v5  }
0x56: {  	v4 =	vshrl.u32 v1, $0x4;
	v8 =	vshrl.u32 v3, $0x2;
	v6 =	vmul.u32 $0x9E00, v2  }
0x57: {  	s17 =	sadd.s32 $0x10, s17;
	vm2 =	veq.s32 v7, $0x80000000;
	v2 =	vand.u32 $0x3, v7;
	v5 =	vmul.u32 $0x9E00, v8;
	v1 =	vmovc v7  }
.Ltmp4:
0x58: {  	_ = 	snop;
	(pc) =	sbr.rel .LBB2_4-.Ltmp4, $1  }
0x59: {  	_ =	sdelay $0x3  }
.LBB2_6:
0x5a: {  	_ =	sfence.sel $0x180000  }
0x5b: {  	s2 =	simm.s32 $0x2;
	[bflag:$0x0] =	sbarrier.arrive $0xFFFF  }
0x5c: {  	s30 =	simm.s32 $0x3;
	[sflag:s2] =	ssyncpa.u1 $0x1  }
0x5d: {  	s31 =	simm.s32 $0x1;
	[sflag:s30] =	ssyncpa.u1 $0x1  }
0x5e: {  	[sflag:s31] =	ssyncpa.u1 $0x1  }
0x5f: {  	p0 =	sne.s32 s1, $0x0;
	_ =	strace $0x9000004D  }
0x60: {  	s0 =	sadd.s32 @!p0 $0x100000, s0;
	[bflag:$0x2] =	sbarrier.arrive $0xFFFF  }
0x61: {  	[sflag:s0] =	ssyncadd.tile.s32 @!p0 $0x1;
	_ =	shalt  }
.Lfunc_end2:
_tile_overlayer_lowered:
.L_overlay_start_2:
0x62: {  	(tag) =	ssettag $0x2  }
0x63: {  	s0 =	rddreg [dreg:$0x0];
	s2 =	stileid.u32  }
0x64: {  	s1 =	rddreg [dreg:$0x1];
	p0 =	sne.s32 s2, $0x0  }
0x65: {  	s3 =	rddreg [dreg:$0x2];
	[bflag:$0x3] =	sbarrier.arrive $0xFFFF;
	s2 =	simm.s32 @!p0 $0x1C01  }
0x66: {  	[timem:s3], [sflag:s2] =	dma.local @!p0 [hbm:s0], s1  }
0x67: {  	s0 =	simm.s32 @!p0 $0x1  }
0x68: {  	_ =	swait.ge @!p0 [sflag:s0], s1  }
0x69: {  	s1 =	ssub.s32 @!p0 $0x0, s1;
	[sflag:s0] =	ssyncset.done @!p0 $0x0  }
0x6a: {  	[sflag:s0] =	ssyncadd.s32 @!p0 s1  }
0x6b: {  	[bflag:$0x3] =	sbarrier.arrive $0xFFFF  }
0x6c: {  	_ =	shalt  }

</sc_bundles>
